<compile_context>
chip_gen: v7x
topology: tpu7x:2x2x1
jax: 0.10.2.dev20260603
libtpu: 0.0.44.dev20260713+nightly
codegen_flags: <defaults>
</compile_context>

<pallas_src>
import jax
import jax.numpy as jnp
from jax import lax
from jax.experimental import pallas as pl
from jax.experimental.pallas import tpu as pltpu
from jax.experimental.pallas import tpu_sc as plsc

N = 10000
E = 320000
D = 128
EPS = 1e-5

NB = 10
BR = N // NB
NW = 32
ER = (2 * E) // D
NPAD = 10016
RPS = NPAD // 16

_mesh = plsc.VectorSubcoreMesh(core_axis_name="c", subcore_axis_name="s")


def _sc_scatter(with_deg):
    out_type = [jax.ShapeDtypeStruct((NW, RPS, D), jnp.float32)]
    scratch = [
        pltpu.VMEM_SHARED((NPAD, D), jnp.float32),
        pltpu.VMEM((D,), jnp.int32),
        pltpu.VMEM((D,), jnp.int32),
        pltpu.VMEM((D,), jnp.int32),
        pltpu.VMEM((D,), jnp.int32),
        pltpu.VMEM((D, D), jnp.float32),
        pltpu.VMEM((D, D), jnp.float32),
        pltpu.SemaphoreType.DMA,
        pltpu.SemaphoreType.DMA,
        pltpu.SemaphoreType.DMA,
        pltpu.SemaphoreType.DMA,
        pltpu.SemaphoreType.DMA,
        pltpu.SemaphoreType.DMA,
        pltpu.SemaphoreType.DMA,
        pltpu.SemaphoreType.DMA,
    ]
    if with_deg:
        out_type.append(jax.ShapeDtypeStruct((NW, RPS, 16), jnp.float32))
        scratch += [
            pltpu.VMEM_SHARED((NPAD, 16), jnp.float32),
            pltpu.VMEM((D, 16), jnp.float32),
            pltpu.SemaphoreType.DMA,
            pltpu.SemaphoreType.DMA,
        ]

    def body(vw1, srcs, dsts, zeros, zeros16, ones_in, part, *rest):
        if with_deg:
            (degpart, acc_sh, sx0, sx1, dx0, dx1, r0, r1,
             g0, g1, s0, s1, is0, is1, id0, id1, deg_sh, ones_v,
             dg0, dg1) = rest
            dsem = [dg0, dg1]
        else:
            (acc_sh, sx0, sx1, dx0, dx1, r0, r1,
             g0, g1, s0, s1, is0, is1, id0, id1) = rest
        srcx = [sx0, sx1]
        dstx = [dx0, dx1]
        rows = [r0, r1]
        gsem = [g0, g1]
        ssem = [s0, s1]
        isems = [is0, is1]
        isemd = [id0, id1]
        cid = lax.axis_index("c")
        sid = lax.axis_index("s")
        w = cid * 16 + sid
        pltpu.sync_copy(zeros, acc_sh.at[pl.ds(sid * RPS, RPS)])
        if with_deg:
            pltpu.sync_copy(zeros16, deg_sh.at[pl.ds(sid * RPS, RPS)])
            pltpu.sync_copy(ones_in, ones_v)
        plsc.subcore_barrier()

        def _row(t):
            return jnp.minimum(w + NW * t, ER - 1)

        def srcx_start(t, q):
            pltpu.async_copy(srcs.at[_row(t)], srcx[q], isems[q])

        def srcx_wait(t, q):
            pltpu.make_async_copy(srcs.at[_row(t)], srcx[q], isems[q]).wait()

        def dstx_start(t, q):
            pltpu.async_copy(dsts.at[_row(t)], dstx[q], isemd[q])

        def dstx_wait(t, q):
            pltpu.make_async_copy(dsts.at[_row(t)], dstx[q], isemd[q]).wait()

        def gather_start(q):
            pltpu.async_copy(vw1.at[srcx[q]], rows[q], gsem[q])

        def gather_wait(q):
            pltpu.make_async_copy(vw1.at[srcx[q]], rows[q], gsem[q]).wait()

        def scatter_start(q):
            pltpu.async_copy(rows[q], acc_sh.at[dstx[q]], ssem[q], add=True)

        def scatter_wait(q):
            pltpu.make_async_copy(rows[q], acc_sh.at[dstx[q]], ssem[q]).wait()

        def deg_start(q):
            pltpu.async_copy(ones_v, deg_sh.at[dstx[q]], dsem[q], add=True)

        def deg_wait(q):
            pltpu.make_async_copy(ones_v, deg_sh.at[dstx[q]], dsem[q]).wait()

        def slot(t, q, first=False):
            gather_wait(q)
            if not first:
                dstx_wait(t, q)
            scatter_start(q)
            if with_deg:
                deg_start(q)
            srcx_start(t + 2, q)
            if not first:
                scatter_wait(1 - q)
                if with_deg:
                    deg_wait(1 - q)
            dstx_start(t + 1, 1 - q)
            srcx_wait(t + 1, 1 - q)
            gather_start(1 - q)

        pltpu.sync_copy(srcs.at[w], sx0)
        pltpu.sync_copy(dsts.at[w], dx0)
        gather_start(0)
        srcx_start(1, 1)
        slot(0, 0, first=True)

        def two_slots(c, carry):
            slot(2 * c + 1, 1)
            slot(2 * c + 2, 0)
            return carry

        lax.fori_loop(0, 77, two_slots, 0)
        slot(155, 1)

        @pl.when(w < ER - 156 * NW)
        def _():
            gather_wait(0)
            dstx_wait(156, 0)
            scatter_start(0)
            if with_deg:
                deg_start(0)
            scatter_wait(1)
            srcx_wait(157, 1)
            scatter_wait(0)
            if with_deg:
                deg_wait(1)
                deg_wait(0)

        @pl.when(w >= ER - 156 * NW)
        def _():
            gather_wait(0)
            dstx_wait(156, 0)
            scatter_wait(1)
            srcx_wait(157, 1)
            if with_deg:
                deg_wait(1)

        plsc.subcore_barrier()
        pltpu.sync_copy(acc_sh.at[pl.ds(sid * RPS, RPS)], part.at[w])
        if with_deg:
            pltpu.sync_copy(deg_sh.at[pl.ds(sid * RPS, RPS)], degpart.at[w])

    return pl.kernel(body, out_type=out_type, mesh=_mesh, scratch_types=scratch,
                     compiler_params=pltpu.CompilerParams(use_tc_tiling_on_sc=False))


_sc_scatter_deg = _sc_scatter(True)
_sc_scatter_nodeg = _sc_scatter(False)


def _mm2_body(x_ref, w0_ref, b0_ref, w1_ref, b1_ref, o0_ref, o1_ref):
    x = x_ref[...]
    o0_ref[...] = jnp.dot(x, w0_ref[...], preferred_element_type=jnp.float32) + b0_ref[...]
    o1_ref[...] = jnp.dot(x, w1_ref[...], preferred_element_type=jnp.float32) + b1_ref[...]


def _mm2(x, w0, b0, w1, b1):
    blk = pl.BlockSpec((BR, D), lambda i: (i, 0))
    wspec = pl.BlockSpec((D, D), lambda i: (0, 0))
    bspec = pl.BlockSpec((1, D), lambda i: (0, 0))
    return pl.pallas_call(
        _mm2_body,
        grid=(NB,),
        in_specs=[blk, wspec, bspec, wspec, bspec],
        out_specs=[blk, blk],
        out_shape=[jax.ShapeDtypeStruct((N, D), jnp.float32)] * 2,
    )(x, w0, b0.reshape(1, D), w1, b1.reshape(1, D))


def _fuse_factory(last):
    def body(vw0_ref, p_ref, degp_ref, g_ref, be_ref, res_ref,
             w0_ref, b0_ref, w1_ref, b1_ref, *orefs):
        if last:
            o0_ref, t_s, sums_s = orefs
            o1_ref = None
        else:
            o0_ref, o1_ref, t_s, sums_s = orefs
        p = pl.program_id(0)
        i = pl.program_id(1)

        @pl.when(p == 0)
        def _():
            deg = degp_ref[0, :, 0] + degp_ref[1, :, 0]
            dinv = 1.0 / (1.0 + deg)
            t = (vw0_ref[...] + p_ref[0] + p_ref[1]) * dinv[:, None]
            t_s[pl.ds(i * BR, BR), :] = t
            s = jnp.sum(t, axis=0)
            s2 = jnp.sum(t * t, axis=0)
            upd = jnp.concatenate(
                [s[None, :], s2[None, :], jnp.zeros((6, D), jnp.float32)], axis=0)

            @pl.when(i == 0)
            def _():
                sums_s[...] = upd

            @pl.when(i > 0)
            def _():
                sums_s[...] = sums_s[...] + upd

        @pl.when(p == 1)
        def _():
            m = sums_s[0, :] / N
            v = sums_s[1, :] / N - m * m
            scale = g_ref[0, :] * lax.rsqrt(v + EPS)
            t = t_s[pl.ds(i * BR, BR), :]
            y = (t - m[None, :]) * scale[None, :] + be_ref[0, :][None, :]
            if last:
                y = y + res_ref[...]
            y = jnp.maximum(y, 0.0)
            if last:
                o0_ref[...] = y
            else:
                o0_ref[...] = jnp.dot(
                    y, w0_ref[...], preferred_element_type=jnp.float32) + b0_ref[...]
                o1_ref[...] = jnp.dot(
                    y, w1_ref[...], preferred_element_type=jnp.float32) + b1_ref[...]

    blk = pl.BlockSpec((BR, D), lambda p, i: (i, 0))
    row = pl.BlockSpec((1, D), lambda p, i: (0, 0))
    wsp = pl.BlockSpec((D, D), lambda p, i: (0, 0))
    in_specs = [
        blk,
        pl.BlockSpec((2, BR, D), lambda p, i: (0, i, 0)),
        pl.BlockSpec((2, BR, 16), lambda p, i: (0, i, 0)),
        row, row,
        blk,
        wsp, row, wsp, row,
    ]
    n_out = 1 if last else 2
    return pl.pallas_call(
        body,
        grid=(2, NB),
        in_specs=in_specs,
        out_specs=[blk] * n_out,
        out_shape=[jax.ShapeDtypeStruct((N, D), jnp.float32)] * n_out,
        scratch_shapes=[pltpu.VMEM((N, D), jnp.float32),
                        pltpu.VMEM((8, D), jnp.float32)],
    )


_fuse_mid = _fuse_factory(False)
_fuse_last = _fuse_factory(True)


def kernel(features, edges, w0_0, b0_0, w1_0, b1_0, g_0, be_0,
           w0_1, b0_1, w1_1, b1_1, g_1, be_1,
           w0_2, b0_2, w1_2, b1_2, g_2, be_2):
    srcs = jnp.concatenate([edges[:, 1], edges[:, 0]]).reshape(ER, D)
    dsts = jnp.concatenate([edges[:, 0], edges[:, 1]]).reshape(ER, D)
    zeros = jnp.zeros((RPS, D), jnp.float32)
    zeros16 = jnp.zeros((RPS, 16), jnp.float32)
    ones16 = jnp.ones((D, 16), jnp.float32)

    params = [(w0_1, b0_1, w1_1, b1_1, g_0, be_0),
              (w0_2, b0_2, w1_2, b1_2, g_1, be_1),
              (w0_2, b0_2, w1_2, b1_2, g_2, be_2)]

    vw0, vw1 = _mm2(features, w0_0, b0_0, w1_0, b1_0)
    degpart = None
    for li, (w0n, b0n, w1n, b1n, g, be) in enumerate(params):
        if li == 0:
            part, degpart = _sc_scatter_deg(
                vw1, srcs, dsts, zeros, zeros16, ones16)
            degpart = degpart.reshape(2, NPAD, 16)
        else:
            (part,) = _sc_scatter_nodeg(
                vw1, srcs, dsts, zeros, zeros16, ones16)
        fuse = _fuse_last if li == 2 else _fuse_mid
        outs = fuse(vw0, part.reshape(2, NPAD, D), degpart,
                    g.reshape(1, D), be.reshape(1, D), features,
                    w0n, b0n.reshape(1, D), w1n, b1n.reshape(1, D))
        if li == 2:
            (y,) = outs
            return y
        vw0, vw1 = outs

# --- scband reference (transcript-rebuilt; emitter-appended) ---
"""Pipeline reference for scband-features2-features-residual-90202903151305 (READ-ONLY COPY).

The authoritative reference and input builder live on the scoring server;
editing this copy changes nothing except your own understanding.
"""

import jax, jax.numpy as jnp
import numpy as np

N = 10000
E = 320000
D = 128
EPS = 1e-5


def setup_inputs(seed: int = 0) -> dict:
    key = jax.random.key(seed)
    ks = jax.random.split(key, 20)
    inp = {}
    inp["features"] = jax.random.normal(ks[0], (N, D), dtype=jnp.float32)
    inp["edges"] = jax.random.randint(ks[1], (E, 2), 0, N, dtype=jnp.int32)
    # 3 GraphConvNorm layers (first + 2 hidden), pytorch3d 'normal' init: weights ~ N(0, 0.01), bias = 0
    for li in range(3):
        inp[f"w0_{li}"] = jax.random.normal(ks[2 + 4 * li], (D, D), dtype=jnp.float32) * 0.01
        inp[f"b0_{li}"] = jnp.zeros((D,), dtype=jnp.float32)
        inp[f"w1_{li}"] = jax.random.normal(ks[3 + 4 * li], (D, D), dtype=jnp.float32) * 0.01
        inp[f"b1_{li}"] = jnp.zeros((D,), dtype=jnp.float32)
        inp[f"g_{li}"] = jnp.ones((D,), dtype=jnp.float32)
        inp[f"be_{li}"] = jnp.zeros((D,), dtype=jnp.float32)
    return inp


def _gconv_norm(x, edges, W0, B0, W1, B1):
    # pytorch3d GraphConv (undirected) followed by degree normalization (GraphConvNorm)
    n = x.shape[0]
    deg = jnp.bincount(edges.reshape(-1), length=n)
    d_inv = (1.0 / (1.0 + deg.astype(x.dtype)))[:, None]
    vw0 = x @ W0 + B0
    vw1 = x @ W1 + B1
    i = edges[:, 0]
    j = edges[:, 1]
    agg = jnp.zeros_like(vw0).at[i].add(vw1[j])
    agg = agg.at[j].add(vw1[i])
    return d_inv * (vw0 + agg)


def _bn(x, g, b):
    # BatchNorm1d in training mode (batch statistics, biased variance)
    m = jnp.mean(x, axis=0)
    v = jnp.var(x, axis=0)
    return g * (x - m) / jnp.sqrt(v + EPS) + b


def reference(features, edges, w0_0, b0_0, w1_0, b1_0, g_0, be_0,
              w0_1, b0_1, w1_1, b1_1, g_1, be_1,
              w0_2, b0_2, w1_2, b1_2, g_2, be_2):
    # input_dim == output_dim, so residual is identity (no interpolate branch)
    res = features
    h = jax.nn.relu(_bn(_gconv_norm(features, edges, w0_0, b0_0, w1_0, b1_0), g_0, be_0))
    h = jax.nn.relu(_bn(_gconv_norm(h, edges, w0_1, b0_1, w1_1, b1_1), g_1, be_1))
    h = jax.nn.relu(_bn(_gconv_norm(h, edges, w0_2, b0_2, w1_2, b1_2), g_2, be_2) + res)
    return h

if __name__ == "__main__":
    import jax
    _d = setup_inputs()
    print(jax.jit(kernel)(*tuple(_d.values())))

</pallas_src>

<mosaic_0001>
#map = affine_map<(d0, d1) -> (0, 0)>
#map1 = affine_map<(d0, d1) -> (0, 0, 0)>
module attributes {stable_mosaic.version = 14 : i64} {
  func.func @body(%arg0: i32, %arg1: i32, %arg2: memref<10000x128xf32, #tpu.memory_space<hbm>>, %arg3: memref<5000x128xi32, #tpu.memory_space<hbm>>, %arg4: memref<5000x128xi32, #tpu.memory_space<hbm>>, %arg5: memref<626x128xf32, #tpu.memory_space<hbm>>, %arg6: memref<626x16xf32, #tpu.memory_space<hbm>>, %arg7: memref<128x16xf32, #tpu.memory_space<hbm>>, %arg8: memref<32x626x128xf32, #tpu.memory_space<hbm>>, %arg9: memref<10016x128xf32, #tpu.memory_space<vmem_shared>>, %arg10: memref<128xi32, #tpu.memory_space<vmem>>, %arg11: memref<128xi32, #tpu.memory_space<vmem>>, %arg12: memref<128xi32, #tpu.memory_space<vmem>>, %arg13: memref<128xi32, #tpu.memory_space<vmem>>, %arg14: memref<128x128xf32, #tpu.memory_space<vmem>>, %arg15: memref<128x128xf32, #tpu.memory_space<vmem>>, %arg16: memref<!tpu.dma_semaphore, #tpu.memory_space<semaphore_mem>>, %arg17: memref<!tpu.dma_semaphore, #tpu.memory_space<semaphore_mem>>, %arg18: memref<!tpu.dma_semaphore, #tpu.memory_space<semaphore_mem>>, %arg19: memref<!tpu.dma_semaphore, #tpu.memory_space<semaphore_mem>>, %arg20: memref<!tpu.dma_semaphore, #tpu.memory_space<semaphore_mem>>, %arg21: memref<!tpu.dma_semaphore, #tpu.memory_space<semaphore_mem>>, %arg22: memref<!tpu.dma_semaphore, #tpu.memory_space<semaphore_mem>>, %arg23: memref<!tpu.dma_semaphore, #tpu.memory_space<semaphore_mem>>) attributes {dimension_semantics = [#tpu.dimension_semantics<core_parallel>, #tpu.dimension_semantics<subcore_parallel>], iteration_bounds = array<i64: 2, 16>, scalar_prefetch = 0 : i64, scratch_operands = 15 : i64, tpu.core_type = #tpu.core_type<sc_vector_subcore>, window_params = [{transform_indices = #map}, {transform_indices = #map}, {transform_indices = #map}, {transform_indices = #map}, {transform_indices = #map}, {transform_indices = #map}, {transform_indices = #map1}]} {
    %mul3A = arith.constant 16 : i32
    %mul3A_0 = arith.muli %arg0, %mul3A : i32
    %add3A = arith.addi %mul3A_0, %arg1 : i32
    %mul3A_1 = arith.constant 626 : i32
    %mul3A_2 = arith.muli %arg1, %mul3A_1 : i32
    "tpu.region"() ({
      %run_scoped3A = tpu.sem_alloc : memref<!tpu.dma_semaphore, #tpu.memory_space<semaphore_mem>>
      %dma_start3A_118 = arith.constant 0 : i32
      %dma_start3A_119 = tpu.memref_slice %arg9[%mul3A_2, %dma_start3A_118] : memref<10016x128xf32, #tpu.memory_space<vmem_shared>> -> memref<626x128xf32, #tpu.memory_space<vmem_shared>>
      tpu.enqueue_dma source(%arg5 : memref<626x128xf32, #tpu.memory_space<hbm>>) target(%dma_start3A_119 : memref<626x128xf32, #tpu.memory_space<vmem_shared>>) target_semaphore(%run_scoped3A : memref<!tpu.dma_semaphore, #tpu.memory_space<semaphore_mem>>)
      %dma_wait3A_120 = arith.constant 0 : i32
      %dma_wait3A_121 = tpu.memref_slice %arg9[%mul3A_2, %dma_wait3A_120] : memref<10016x128xf32, #tpu.memory_space<vmem_shared>> -> memref<626x128xf32, #tpu.memory_space<vmem_shared>>
      tpu.wait_dma2 semaphore(%run_scoped3A : memref<!tpu.dma_semaphore, #tpu.memory_space<semaphore_mem>>) src(%arg5 : memref<626x128xf32, #tpu.memory_space<hbm>>) dst(%dma_wait3A_121 : memref<626x128xf32, #tpu.memory_space<vmem_shared>>)
      tpu.yield
    }) : () -> ()
    %barrier3A = arith.constant 0 : index
    tpu.barrier barrier_id(%barrier3A)
    "tpu.region"() ({
      %run_scoped3A = tpu.sem_alloc : memref<!tpu.dma_semaphore, #tpu.memory_space<semaphore_mem>>
      %dma_start3A_118 = arith.constant 0 : i32
      %dma_start3A_119 = tpu.memref_slice %arg3[%add3A, %dma_start3A_118] : memref<5000x128xi32, #tpu.memory_space<hbm>> -> memref<1x128xi32, #tpu.memory_space<hbm>>
      %dma_start3A_120 = tpu.memref_squeeze %dma_start3A_119 : memref<1x128xi32, #tpu.memory_space<hbm>> -> memref<128xi32, #tpu.memory_space<hbm>>
      %dma_start3A_121 = arith.constant 0 : i32
      %dma_start3A_122 = tpu.memref_slice %arg3[%add3A, %dma_start3A_121] : memref<5000x128xi32, #tpu.memory_space<hbm>> -> memref<1x128xi32, #tpu.memory_space<hbm>>
      %dma_start3A_123 = tpu.memref_squeeze %dma_start3A_122 : memref<1x128xi32, #tpu.memory_space<hbm>> -> memref<128xi32, #tpu.memory_space<hbm>>
      tpu.enqueue_dma source(%dma_start3A_123 : memref<128xi32, #tpu.memory_space<hbm>>) target(%arg10 : memref<128xi32, #tpu.memory_space<vmem>>) target_semaphore(%run_scoped3A : memref<!tpu.dma_semaphore, #tpu.memory_space<semaphore_mem>>)
      %dma_wait3A_124 = arith.constant 0 : i32
      %dma_wait3A_125 = tpu.memref_slice %arg3[%add3A, %dma_wait3A_124] : memref<5000x128xi32, #tpu.memory_space<hbm>> -> memref<1x128xi32, #tpu.memory_space<hbm>>
      %dma_wait3A_126 = tpu.memref_squeeze %dma_wait3A_125 : memref<1x128xi32, #tpu.memory_space<hbm>> -> memref<128xi32, #tpu.memory_space<hbm>>
      %dma_wait3A_127 = arith.constant 0 : i32
      %dma_wait3A_128 = tpu.memref_slice %arg3[%add3A, %dma_wait3A_127] : memref<5000x128xi32, #tpu.memory_space<hbm>> -> memref<1x128xi32, #tpu.memory_space<hbm>>
      %dma_wait3A_129 = tpu.memref_squeeze %dma_wait3A_128 : memref<1x128xi32, #tpu.memory_space<hbm>> -> memref<128xi32, #tpu.memory_space<hbm>>
      tpu.wait_dma2 semaphore(%run_scoped3A : memref<!tpu.dma_semaphore, #tpu.memory_space<semaphore_mem>>) src(%dma_wait3A_129 : memref<128xi32, #tpu.memory_space<hbm>>) dst(%arg10 : memref<128xi32, #tpu.memory_space<vmem>>)
      tpu.yield
    }) : () -> ()
    "tpu.region"() ({
      %run_scoped3A = tpu.sem_alloc : memref<!tpu.dma_semaphore, #tpu.memory_space<semaphore_mem>>
      %dma_start3A_118 = arith.constant 0 : i32
      %dma_start3A_119 = tpu.memref_slice %arg4[%add3A, %dma_start3A_118] : memref<5000x128xi32, #tpu.memory_space<hbm>> -> memref<1x128xi32, #tpu.memory_space<hbm>>
      %dma_start3A_120 = tpu.memref_squeeze %dma_start3A_119 : memref<1x128xi32, #tpu.memory_space<hbm>> -> memref<128xi32, #tpu.memory_space<hbm>>
      %dma_start3A_121 = arith.constant 0 : i32
      %dma_start3A_122 = tpu.memref_slice %arg4[%add3A, %dma_start3A_121] : memref<5000x128xi32, #tpu.memory_space<hbm>> -> memref<1x128xi32, #tpu.memory_space<hbm>>
      %dma_start3A_123 = tpu.memref_squeeze %dma_start3A_122 : memref<1x128xi32, #tpu.memory_space<hbm>> -> memref<128xi32, #tpu.memory_space<hbm>>
      tpu.enqueue_dma source(%dma_start3A_123 : memref<128xi32, #tpu.memory_space<hbm>>) target(%arg12 : memref<128xi32, #tpu.memory_space<vmem>>) target_semaphore(%run_scoped3A : memref<!tpu.dma_semaphore, #tpu.memory_space<semaphore_mem>>)
      %dma_wait3A_124 = arith.constant 0 : i32
      %dma_wait3A_125 = tpu.memref_slice %arg4[%add3A, %dma_wait3A_124] : memref<5000x128xi32, #tpu.memory_space<hbm>> -> memref<1x128xi32, #tpu.memory_space<hbm>>
      %dma_wait3A_126 = tpu.memref_squeeze %dma_wait3A_125 : memref<1x128xi32, #tpu.memory_space<hbm>> -> memref<128xi32, #tpu.memory_space<hbm>>
      %dma_wait3A_127 = arith.constant 0 : i32
      %dma_wait3A_128 = tpu.memref_slice %arg4[%add3A, %dma_wait3A_127] : memref<5000x128xi32, #tpu.memory_space<hbm>> -> memref<1x128xi32, #tpu.memory_space<hbm>>
      %dma_wait3A_129 = tpu.memref_squeeze %dma_wait3A_128 : memref<1x128xi32, #tpu.memory_space<hbm>> -> memref<128xi32, #tpu.memory_space<hbm>>
      tpu.wait_dma2 semaphore(%run_scoped3A : memref<!tpu.dma_semaphore, #tpu.memory_space<semaphore_mem>>) src(%dma_wait3A_129 : memref<128xi32, #tpu.memory_space<hbm>>) dst(%arg12 : memref<128xi32, #tpu.memory_space<vmem>>)
      tpu.yield
    }) : () -> ()
    %dma_start3A = arith.constant 0 : i32
    %dma_start3A_3 = arith.constant 0 : i32
    %dma_start3A_4 = tpu.memref_slice %arg2[%dma_start3A, %dma_start3A_3] : memref<10000x128xf32, #tpu.memory_space<hbm>> -> memref<10000x128xf32, #tpu.memory_space<hbm>>
    tpu.enqueue_indirect_dma source(%dma_start3A_4 : memref<10000x128xf32, #tpu.memory_space<hbm>>) target(%arg14 : memref<128x128xf32, #tpu.memory_space<vmem>>) offsets(%arg10 : memref<128xi32, #tpu.memory_space<vmem>>) semaphore(%arg16 : memref<!tpu.dma_semaphore, #tpu.memory_space<semaphore_mem>>)
    %add3A_5 = arith.constant 32 : i32
    %add3A_6 = arith.addi %add3A, %add3A_5 : i32
    %min3A = arith.constant 4999 : i32
    %min3A_7 = arith.minsi %add3A_6, %min3A : i32
    %dma_start3A_8 = arith.constant 0 : i32
    %dma_start3A_9 = tpu.memref_slice %arg3[%min3A_7, %dma_start3A_8] : memref<5000x128xi32, #tpu.memory_space<hbm>> -> memref<1x128xi32, #tpu.memory_space<hbm>>
    %dma_start3A_10 = tpu.memref_squeeze %dma_start3A_9 : memref<1x128xi32, #tpu.memory_space<hbm>> -> memref<128xi32, #tpu.memory_space<hbm>>
    %dma_start3A_11 = arith.constant 0 : i32
    %dma_start3A_12 = tpu.memref_slice %arg3[%min3A_7, %dma_start3A_11] : memref<5000x128xi32, #tpu.memory_space<hbm>> -> memref<1x128xi32, #tpu.memory_space<hbm>>
    %dma_start3A_13 = tpu.memref_squeeze %dma_start3A_12 : memref<1x128xi32, #tpu.memory_space<hbm>> -> memref<128xi32, #tpu.memory_space<hbm>>
    tpu.enqueue_dma source(%dma_start3A_13 : memref<128xi32, #tpu.memory_space<hbm>>) target(%arg11 : memref<128xi32, #tpu.memory_space<vmem>>) target_semaphore(%arg21 : memref<!tpu.dma_semaphore, #tpu.memory_space<semaphore_mem>>)
    %dma_wait3A = arith.constant 0 : i32
    %dma_wait3A_14 = arith.constant 0 : i32
    %dma_wait3A_15 = tpu.memref_slice %arg2[%dma_wait3A, %dma_wait3A_14] : memref<10000x128xf32, #tpu.memory_space<hbm>> -> memref<10000x128xf32, #tpu.memory_space<hbm>>
    tpu.wait_indirect_dma semaphore(%arg16 : memref<!tpu.dma_semaphore, #tpu.memory_space<semaphore_mem>>) src(%dma_wait3A_15 : memref<10000x128xf32, #tpu.memory_space<hbm>>) dst(%arg14 : memref<128x128xf32, #tpu.memory_space<vmem>>)
    %dma_start3A_16 = arith.constant 0 : i32
    %dma_start3A_17 = arith.constant 0 : i32
    %dma_start3A_18 = tpu.memref_slice %arg9[%dma_start3A_16, %dma_start3A_17] : memref<10016x128xf32, #tpu.memory_space<vmem_shared>> -> memref<10016x128xf32, #tpu.memory_space<vmem_shared>>
    tpu.enqueue_indirect_dma source(%arg14 : memref<128x128xf32, #tpu.memory_space<vmem>>) target(%dma_start3A_18 : memref<10016x128xf32, #tpu.memory_space<vmem_shared>>) offsets(%arg12 : memref<128xi32, #tpu.memory_space<vmem>>) semaphore(%arg18 : memref<!tpu.dma_semaphore, #tpu.memory_space<semaphore_mem>>) {add = true}
    %add3A_19 = arith.constant 64 : i32
    %add3A_20 = arith.addi %add3A, %add3A_19 : i32
    %min3A_21 = arith.constant 4999 : i32
    %min3A_22 = arith.minsi %add3A_20, %min3A_21 : i32
    %dma_start3A_23 = arith.constant 0 : i32
    %dma_start3A_24 = tpu.memref_slice %arg3[%min3A_22, %dma_start3A_23] : memref<5000x128xi32, #tpu.memory_space<hbm>> -> memref<1x128xi32, #tpu.memory_space<hbm>>
    %dma_start3A_25 = tpu.memref_squeeze %dma_start3A_24 : memref<1x128xi32, #tpu.memory_space<hbm>> -> memref<128xi32, #tpu.memory_space<hbm>>
    %dma_start3A_26 = arith.constant 0 : i32
    %dma_start3A_27 = tpu.memref_slice %arg3[%min3A_22, %dma_start3A_26] : memref<5000x128xi32, #tpu.memory_space<hbm>> -> memref<1x128xi32, #tpu.memory_space<hbm>>
    %dma_start3A_28 = tpu.memref_squeeze %dma_start3A_27 : memref<1x128xi32, #tpu.memory_space<hbm>> -> memref<128xi32, #tpu.memory_space<hbm>>
    tpu.enqueue_dma source(%dma_start3A_28 : memref<128xi32, #tpu.memory_space<hbm>>) target(%arg10 : memref<128xi32, #tpu.memory_space<vmem>>) target_semaphore(%arg20 : memref<!tpu.dma_semaphore, #tpu.memory_space<semaphore_mem>>)
    %add3A_29 = arith.constant 32 : i32
    %add3A_30 = arith.addi %add3A, %add3A_29 : i32
    %min3A_31 = arith.constant 4999 : i32
    %min3A_32 = arith.minsi %add3A_30, %min3A_31 : i32
    %dma_start3A_33 = arith.constant 0 : i32
    %dma_start3A_34 = tpu.memref_slice %arg4[%min3A_32, %dma_start3A_33] : memref<5000x128xi32, #tpu.memory_space<hbm>> -> memref<1x128xi32, #tpu.memory_space<hbm>>
    %dma_start3A_35 = tpu.memref_squeeze %dma_start3A_34 : memref<1x128xi32, #tpu.memory_space<hbm>> -> memref<128xi32, #tpu.memory_space<hbm>>
    %dma_start3A_36 = arith.constant 0 : i32
    %dma_start3A_37 = tpu.memref_slice %arg4[%min3A_32, %dma_start3A_36] : memref<5000x128xi32, #tpu.memory_space<hbm>> -> memref<1x128xi32, #tpu.memory_space<hbm>>
    %dma_start3A_38 = tpu.memref_squeeze %dma_start3A_37 : memref<1x128xi32, #tpu.memory_space<hbm>> -> memref<128xi32, #tpu.memory_space<hbm>>
    tpu.enqueue_dma source(%dma_start3A_38 : memref<128xi32, #tpu.memory_space<hbm>>) target(%arg13 : memref<128xi32, #tpu.memory_space<vmem>>) target_semaphore(%arg23 : memref<!tpu.dma_semaphore, #tpu.memory_space<semaphore_mem>>)
    %add3A_39 = arith.constant 32 : i32
    %add3A_40 = arith.addi %add3A, %add3A_39 : i32
    %min3A_41 = arith.constant 4999 : i32
    %min3A_42 = arith.minsi %add3A_40, %min3A_41 : i32
    %dma_wait3A_43 = arith.constant 0 : i32
    %dma_wait3A_44 = tpu.memref_slice %arg3[%min3A_42, %dma_wait3A_43] : memref<5000x128xi32, #tpu.memory_space<hbm>> -> memref<1x128xi32, #tpu.memory_space<hbm>>
    %dma_wait3A_45 = tpu.memref_squeeze %dma_wait3A_44 : memref<1x128xi32, #tpu.memory_space<hbm>> -> memref<128xi32, #tpu.memory_space<hbm>>
    %dma_wait3A_46 = arith.constant 0 : i32
    %dma_wait3A_47 = tpu.memref_slice %arg3[%min3A_42, %dma_wait3A_46] : memref<5000x128xi32, #tpu.memory_space<hbm>> -> memref<1x128xi32, #tpu.memory_space<hbm>>
    %dma_wait3A_48 = tpu.memref_squeeze %dma_wait3A_47 : memref<1x128xi32, #tpu.memory_space<hbm>> -> memref<128xi32, #tpu.memory_space<hbm>>
    tpu.wait_dma2 semaphore(%arg21 : memref<!tpu.dma_semaphore, #tpu.memory_space<semaphore_mem>>) src(%dma_wait3A_48 : memref<128xi32, #tpu.memory_space<hbm>>) dst(%arg11 : memref<128xi32, #tpu.memory_space<vmem>>)
    %dma_start3A_49 = arith.constant 0 : i32
    %dma_start3A_50 = arith.constant 0 : i32
    %dma_start3A_51 = tpu.memref_slice %arg2[%dma_start3A_49, %dma_start3A_50] : memref<10000x128xf32, #tpu.memory_space<hbm>> -> memref<10000x128xf32, #tpu.memory_space<hbm>>
    tpu.enqueue_indirect_dma source(%dma_start3A_51 : memref<10000x128xf32, #tpu.memory_space<hbm>>) target(%arg15 : memref<128x128xf32, #tpu.memory_space<vmem>>) offsets(%arg11 : memref<128xi32, #tpu.memory_space<vmem>>) semaphore(%arg17 : memref<!tpu.dma_semaphore, #tpu.memory_space<semaphore_mem>>)
    %scan3A = arith.constant 0 : i32
    %scan3A_52 = arith.constant 0 : i32
    %scan3A_53 = arith.constant 77 : i32
    %scan3A_54 = arith.addi %scan3A_52, %scan3A_53 : i32
    %scan3A_55 = arith.constant 1 : i32
    scf.for %scan3A_118 = %scan3A_52 to %scan3A_54 step %scan3A_55  : i32 {
      %mul3A_119 = arith.constant 2 : i32
      %mul3A_120 = arith.muli %mul3A_119, %scan3A_118 : i32
      %add3A_121 = arith.constant 1 : i32
      %add3A_122 = arith.addi %mul3A_120, %add3A_121 : i32
      %dma_wait3A_123 = arith.constant 0 : i32
      %dma_wait3A_124 = arith.constant 0 : i32
      %dma_wait3A_125 = tpu.memref_slice %arg2[%dma_wait3A_123, %dma_wait3A_124] : memref<10000x128xf32, #tpu.memory_space<hbm>> -> memref<10000x128xf32, #tpu.memory_space<hbm>>
      tpu.wait_indirect_dma semaphore(%arg17 : memref<!tpu.dma_semaphore, #tpu.memory_space<semaphore_mem>>) src(%dma_wait3A_125 : memref<10000x128xf32, #tpu.memory_space<hbm>>) dst(%arg15 : memref<128x128xf32, #tpu.memory_space<vmem>>)
      %mul3A_126 = arith.constant 32 : i32
      %mul3A_127 = arith.muli %mul3A_126, %add3A_122 : i32
      %add3A_128 = arith.addi %add3A, %mul3A_127 : i32
      %min3A_129 = arith.constant 4999 : i32
      %min3A_130 = arith.minsi %add3A_128, %min3A_129 : i32
      %dma_wait3A_131 = arith.constant 0 : i32
      %dma_wait3A_132 = tpu.memref_slice %arg4[%min3A_130, %dma_wait3A_131] : memref<5000x128xi32, #tpu.memory_space<hbm>> -> memref<1x128xi32, #tpu.memory_space<hbm>>
      %dma_wait3A_133 = tpu.memref_squeeze %dma_wait3A_132 : memref<1x128xi32, #tpu.memory_space<hbm>> -> memref<128xi32, #tpu.memory_space<hbm>>
      %dma_wait3A_134 = arith.constant 0 : i32
      %dma_wait3A_135 = tpu.memref_slice %arg4[%min3A_130, %dma_wait3A_134] : memref<5000x128xi32, #tpu.memory_space<hbm>> -> memref<1x128xi32, #tpu.memory_space<hbm>>
      %dma_wait3A_136 = tpu.memref_squeeze %dma_wait3A_135 : memref<1x128xi32, #tpu.memory_space<hbm>> -> memref<128xi32, #tpu.memory_space<hbm>>
      tpu.wait_dma2 semaphore(%arg23 : memref<!tpu.dma_semaphore, #tpu.memory_space<semaphore_mem>>) src(%dma_wait3A_136 : memref<128xi32, #tpu.memory_space<hbm>>) dst(%arg13 : memref<128xi32, #tpu.memory_space<vmem>>)
      %dma_start3A_137 = arith.constant 0 : i32
      %dma_start3A_138 = arith.constant 0 : i32
      %dma_start3A_139 = tpu.memref_slice %arg9[%dma_start3A_137, %dma_start3A_138] : memref<10016x128xf32, #tpu.memory_space<vmem_shared>> -> memref<10016x128xf32, #tpu.memory_space<vmem_shared>>
      tpu.enqueue_indirect_dma source(%arg15 : memref<128x128xf32, #tpu.memory_space<vmem>>) target(%dma_start3A_139 : memref<10016x128xf32, #tpu.memory_space<vmem_shared>>) offsets(%arg13 : memref<128xi32, #tpu.memory_space<vmem>>) semaphore(%arg19 : memref<!tpu.dma_semaphore, #tpu.memory_space<semaphore_mem>>) {add = true}
      %add3A_140 = arith.constant 2 : i32
      %add3A_141 = arith.addi %add3A_122, %add3A_140 : i32
      %mul3A_142 = arith.constant 32 : i32
      %mul3A_143 = arith.muli %mul3A_142, %add3A_141 : i32
      %add3A_144 = arith.addi %add3A, %mul3A_143 : i32
      %min3A_145 = arith.constant 4999 : i32
      %min3A_146 = arith.minsi %add3A_144, %min3A_145 : i32
      %dma_start3A_147 = arith.constant 0 : i32
      %dma_start3A_148 = tpu.memref_slice %arg3[%min3A_146, %dma_start3A_147] : memref<5000x128xi32, #tpu.memory_space<hbm>> -> memref<1x128xi32, #tpu.memory_space<hbm>>
      %dma_start3A_149 = tpu.memref_squeeze %dma_start3A_148 : memref<1x128xi32, #tpu.memory_space<hbm>> -> memref<128xi32, #tpu.memory_space<hbm>>
      %dma_start3A_150 = arith.constant 0 : i32
      %dma_start3A_151 = tpu.memref_slice %arg3[%min3A_146, %dma_start3A_150] : memref<5000x128xi32, #tpu.memory_space<hbm>> -> memref<1x128xi32, #tpu.memory_space<hbm>>
      %dma_start3A_152 = tpu.memref_squeeze %dma_start3A_151 : memref<1x128xi32, #tpu.memory_space<hbm>> -> memref<128xi32, #tpu.memory_space<hbm>>
      tpu.enqueue_dma source(%dma_start3A_152 : memref<128xi32, #tpu.memory_space<hbm>>) target(%arg11 : memref<128xi32, #tpu.memory_space<vmem>>) target_semaphore(%arg21 : memref<!tpu.dma_semaphore, #tpu.memory_space<semaphore_mem>>)
      %dma_wait3A_153 = arith.constant 0 : i32
      %dma_wait3A_154 = arith.constant 0 : i32
      %dma_wait3A_155 = tpu.memref_slice %arg9[%dma_wait3A_153, %dma_wait3A_154] : memref<10016x128xf32, #tpu.memory_space<vmem_shared>> -> memref<10016x128xf32, #tpu.memory_space<vmem_shared>>
      tpu.wait_indirect_dma semaphore(%arg18 : memref<!tpu.dma_semaphore, #tpu.memory_space<semaphore_mem>>) src(%arg14 : memref<128x128xf32, #tpu.memory_space<vmem>>) dst(%dma_wait3A_155 : memref<10016x128xf32, #tpu.memory_space<vmem_shared>>)
      %add3A_156 = arith.constant 1 : i32
      %add3A_157 = arith.addi %add3A_122, %add3A_156 : i32
      %mul3A_158 = arith.constant 32 : i32
      %mul3A_159 = arith.muli %mul3A_158, %add3A_157 : i32
      %add3A_160 = arith.addi %add3A, %mul3A_159 : i32
      %min3A_161 = arith.constant 4999 : i32
      %min3A_162 = arith.minsi %add3A_160, %min3A_161 : i32
      %dma_start3A_163 = arith.constant 0 : i32
      %dma_start3A_164 = tpu.memref_slice %arg4[%min3A_162, %dma_start3A_163] : memref<5000x128xi32, #tpu.memory_space<hbm>> -> memref<1x128xi32, #tpu.memory_space<hbm>>
      %dma_start3A_165 = tpu.memref_squeeze %dma_start3A_164 : memref<1x128xi32, #tpu.memory_space<hbm>> -> memref<128xi32, #tpu.memory_space<hbm>>
      %dma_start3A_166 = arith.constant 0 : i32
      %dma_start3A_167 = tpu.memref_slice %arg4[%min3A_162, %dma_start3A_166] : memref<5000x128xi32, #tpu.memory_space<hbm>> -> memref<1x128xi32, #tpu.memory_space<hbm>>
      %dma_start3A_168 = tpu.memref_squeeze %dma_start3A_167 : memref<1x128xi32, #tpu.memory_space<hbm>> -> memref<128xi32, #tpu.memory_space<hbm>>
      tpu.enqueue_dma source(%dma_start3A_168 : memref<128xi32, #tpu.memory_space<hbm>>) target(%arg12 : memref<128xi32, #tpu.memory_space<vmem>>) target_semaphore(%arg22 : memref<!tpu.dma_semaphore, #tpu.memory_space<semaphore_mem>>)
      %add3A_169 = arith.constant 1 : i32
      %add3A_170 = arith.addi %add3A_122, %add3A_169 : i32
      %mul3A_171 = arith.constant 32 : i32
      %mul3A_172 = arith.muli %mul3A_171, %add3A_170 : i32
      %add3A_173 = arith.addi %add3A, %mul3A_172 : i32
      %min3A_174 = arith.constant 4999 : i32
      %min3A_175 = arith.minsi %add3A_173, %min3A_174 : i32
      %dma_wait3A_176 = arith.constant 0 : i32
      %dma_wait3A_177 = tpu.memref_slice %arg3[%min3A_175, %dma_wait3A_176] : memref<5000x128xi32, #tpu.memory_space<hbm>> -> memref<1x128xi32, #tpu.memory_space<hbm>>
      %dma_wait3A_178 = tpu.memref_squeeze %dma_wait3A_177 : memref<1x128xi32, #tpu.memory_space<hbm>> -> memref<128xi32, #tpu.memory_space<hbm>>
      %dma_wait3A_179 = arith.constant 0 : i32
      %dma_wait3A_180 = tpu.memref_slice %arg3[%min3A_175, %dma_wait3A_179] : memref<5000x128xi32, #tpu.memory_space<hbm>> -> memref<1x128xi32, #tpu.memory_space<hbm>>
      %dma_wait3A_181 = tpu.memref_squeeze %dma_wait3A_180 : memref<1x128xi32, #tpu.memory_space<hbm>> -> memref<128xi32, #tpu.memory_space<hbm>>
      tpu.wait_dma2 semaphore(%arg20 : memref<!tpu.dma_semaphore, #tpu.memory_space<semaphore_mem>>) src(%dma_wait3A_181 : memref<128xi32, #tpu.memory_space<hbm>>) dst(%arg10 : memref<128xi32, #tpu.memory_space<vmem>>)
      %dma_start3A_182 = arith.constant 0 : i32
      %dma_start3A_183 = arith.constant 0 : i32
      %dma_start3A_184 = tpu.memref_slice %arg2[%dma_start3A_182, %dma_start3A_183] : memref<10000x128xf32, #tpu.memory_space<hbm>> -> memref<10000x128xf32, #tpu.memory_space<hbm>>
      tpu.enqueue_indirect_dma source(%dma_start3A_184 : memref<10000x128xf32, #tpu.memory_space<hbm>>) target(%arg14 : memref<128x128xf32, #tpu.memory_space<vmem>>) offsets(%arg10 : memref<128xi32, #tpu.memory_space<vmem>>) semaphore(%arg16 : memref<!tpu.dma_semaphore, #tpu.memory_space<semaphore_mem>>)
      %mul3A_185 = arith.constant 2 : i32
      %mul3A_186 = arith.muli %mul3A_185, %scan3A_118 : i32
      %add3A_187 = arith.constant 2 : i32
      %add3A_188 = arith.addi %mul3A_186, %add3A_187 : i32
      %dma_wait3A_189 = arith.constant 0 : i32
      %dma_wait3A_190 = arith.constant 0 : i32
      %dma_wait3A_191 = tpu.memref_slice %arg2[%dma_wait3A_189, %dma_wait3A_190] : memref<10000x128xf32, #tpu.memory_space<hbm>> -> memref<10000x128xf32, #tpu.memory_space<hbm>>
      tpu.wait_indirect_dma semaphore(%arg16 : memref<!tpu.dma_semaphore, #tpu.memory_space<semaphore_mem>>) src(%dma_wait3A_191 : memref<10000x128xf32, #tpu.memory_space<hbm>>) dst(%arg14 : memref<128x128xf32, #tpu.memory_space<vmem>>)
      %mul3A_192 = arith.constant 32 : i32
      %mul3A_193 = arith.muli %mul3A_192, %add3A_188 : i32
      %add3A_194 = arith.addi %add3A, %mul3A_193 : i32
      %min3A_195 = arith.constant 4999 : i32
      %min3A_196 = arith.minsi %add3A_194, %min3A_195 : i32
      %dma_wait3A_197 = arith.constant 0 : i32
      %dma_wait3A_198 = tpu.memref_slice %arg4[%min3A_196, %dma_wait3A_197] : memref<5000x128xi32, #tpu.memory_space<hbm>> -> memref<1x128xi32, #tpu.memory_space<hbm>>
      %dma_wait3A_199 = tpu.memref_squeeze %dma_wait3A_198 : memref<1x128xi32, #tpu.memory_space<hbm>> -> memref<128xi32, #tpu.memory_space<hbm>>
      %dma_wait3A_200 = arith.constant 0 : i32
      %dma_wait3A_201 = tpu.memref_slice %arg4[%min3A_196, %dma_wait3A_200] : memref<5000x128xi32, #tpu.memory_space<hbm>> -> memref<1x128xi32, #tpu.memory_space<hbm>>
      %dma_wait3A_202 = tpu.memref_squeeze %dma_wait3A_201 : memref<1x128xi32, #tpu.memory_space<hbm>> -> memref<128xi32, #tpu.memory_space<hbm>>
      tpu.wait_dma2 semaphore(%arg22 : memref<!tpu.dma_semaphore, #tpu.memory_space<semaphore_mem>>) src(%dma_wait3A_202 : memref<128xi32, #tpu.memory_space<hbm>>) dst(%arg12 : memref<128xi32, #tpu.memory_space<vmem>>)
      %dma_start3A_203 = arith.constant 0 : i32
      %dma_start3A_204 = arith.constant 0 : i32
      %dma_start3A_205 = tpu.memref_slice %arg9[%dma_start3A_203, %dma_start3A_204] : memref<10016x128xf32, #tpu.memory_space<vmem_shared>> -> memref<10016x128xf32, #tpu.memory_space<vmem_shared>>
      tpu.enqueue_indirect_dma source(%arg14 : memref<128x128xf32, #tpu.memory_space<vmem>>) target(%dma_start3A_205 : memref<10016x128xf32, #tpu.memory_space<vmem_shared>>) offsets(%arg12 : memref<128xi32, #tpu.memory_space<vmem>>) semaphore(%arg18 : memref<!tpu.dma_semaphore, #tpu.memory_space<semaphore_mem>>) {add = true}
      %add3A_206 = arith.constant 2 : i32
      %add3A_207 = arith.addi %add3A_188, %add3A_206 : i32
      %mul3A_208 = arith.constant 32 : i32
      %mul3A_209 = arith.muli %mul3A_208, %add3A_207 : i32
      %add3A_210 = arith.addi %add3A, %mul3A_209 : i32
      %min3A_211 = arith.constant 4999 : i32
      %min3A_212 = arith.minsi %add3A_210, %min3A_211 : i32
      %dma_start3A_213 = arith.constant 0 : i32
      %dma_start3A_214 = tpu.memref_slice %arg3[%min3A_212, %dma_start3A_213] : memref<5000x128xi32, #tpu.memory_space<hbm>> -> memref<1x128xi32, #tpu.memory_space<hbm>>
      %dma_start3A_215 = tpu.memref_squeeze %dma_start3A_214 : memref<1x128xi32, #tpu.memory_space<hbm>> -> memref<128xi32, #tpu.memory_space<hbm>>
      %dma_start3A_216 = arith.constant 0 : i32
      %dma_start3A_217 = tpu.memref_slice %arg3[%min3A_212, %dma_start3A_216] : memref<5000x128xi32, #tpu.memory_space<hbm>> -> memref<1x128xi32, #tpu.memory_space<hbm>>
      %dma_start3A_218 = tpu.memref_squeeze %dma_start3A_217 : memref<1x128xi32, #tpu.memory_space<hbm>> -> memref<128xi32, #tpu.memory_space<hbm>>
      tpu.enqueue_dma source(%dma_start3A_218 : memref<128xi32, #tpu.memory_space<hbm>>) target(%arg10 : memref<128xi32, #tpu.memory_space<vmem>>) target_semaphore(%arg20 : memref<!tpu.dma_semaphore, #tpu.memory_space<semaphore_mem>>)
      %dma_wait3A_219 = arith.constant 0 : i32
      %dma_wait3A_220 = arith.constant 0 : i32
      %dma_wait3A_221 = tpu.memref_slice %arg9[%dma_wait3A_219, %dma_wait3A_220] : memref<10016x128xf32, #tpu.memory_space<vmem_shared>> -> memref<10016x128xf32, #tpu.memory_space<vmem_shared>>
      tpu.wait_indirect_dma semaphore(%arg19 : memref<!tpu.dma_semaphore, #tpu.memory_space<semaphore_mem>>) src(%arg15 : memref<128x128xf32, #tpu.memory_space<vmem>>) dst(%dma_wait3A_221 : memref<10016x128xf32, #tpu.memory_space<vmem_shared>>)
      %add3A_222 = arith.constant 1 : i32
      %add3A_223 = arith.addi %add3A_188, %add3A_222 : i32
      %mul3A_224 = arith.constant 32 : i32
      %mul3A_225 = arith.muli %mul3A_224, %add3A_223 : i32
      %add3A_226 = arith.addi %add3A, %mul3A_225 : i32
      %min3A_227 = arith.constant 4999 : i32
      %min3A_228 = arith.minsi %add3A_226, %min3A_227 : i32
      %dma_start3A_229 = arith.constant 0 : i32
      %dma_start3A_230 = tpu.memref_slice %arg4[%min3A_228, %dma_start3A_229] : memref<5000x128xi32, #tpu.memory_space<hbm>> -> memref<1x128xi32, #tpu.memory_space<hbm>>
      %dma_start3A_231 = tpu.memref_squeeze %dma_start3A_230 : memref<1x128xi32, #tpu.memory_space<hbm>> -> memref<128xi32, #tpu.memory_space<hbm>>
      %dma_start3A_232 = arith.constant 0 : i32
      %dma_start3A_233 = tpu.memref_slice %arg4[%min3A_228, %dma_start3A_232] : memref<5000x128xi32, #tpu.memory_space<hbm>> -> memref<1x128xi32, #tpu.memory_space<hbm>>
      %dma_start3A_234 = tpu.memref_squeeze %dma_start3A_233 : memref<1x128xi32, #tpu.memory_space<hbm>> -> memref<128xi32, #tpu.memory_space<hbm>>
      tpu.enqueue_dma source(%dma_start3A_234 : memref<128xi32, #tpu.memory_space<hbm>>) target(%arg13 : memref<128xi32, #tpu.memory_space<vmem>>) target_semaphore(%arg23 : memref<!tpu.dma_semaphore, #tpu.memory_space<semaphore_mem>>)
      %add3A_235 = arith.constant 1 : i32
      %add3A_236 = arith.addi %add3A_188, %add3A_235 : i32
      %mul3A_237 = arith.constant 32 : i32
      %mul3A_238 = arith.muli %mul3A_237, %add3A_236 : i32
      %add3A_239 = arith.addi %add3A, %mul3A_238 : i32
      %min3A_240 = arith.constant 4999 : i32
      %min3A_241 = arith.minsi %add3A_239, %min3A_240 : i32
      %dma_wait3A_242 = arith.constant 0 : i32
      %dma_wait3A_243 = tpu.memref_slice %arg3[%min3A_241, %dma_wait3A_242] : memref<5000x128xi32, #tpu.memory_space<hbm>> -> memref<1x128xi32, #tpu.memory_space<hbm>>
      %dma_wait3A_244 = tpu.memref_squeeze %dma_wait3A_243 : memref<1x128xi32, #tpu.memory_space<hbm>> -> memref<128xi32, #tpu.memory_space<hbm>>
      %dma_wait3A_245 = arith.constant 0 : i32
      %dma_wait3A_246 = tpu.memref_slice %arg3[%min3A_241, %dma_wait3A_245] : memref<5000x128xi32, #tpu.memory_space<hbm>> -> memref<1x128xi32, #tpu.memory_space<hbm>>
      %dma_wait3A_247 = tpu.memref_squeeze %dma_wait3A_246 : memref<1x128xi32, #tpu.memory_space<hbm>> -> memref<128xi32, #tpu.memory_space<hbm>>
      tpu.wait_dma2 semaphore(%arg21 : memref<!tpu.dma_semaphore, #tpu.memory_space<semaphore_mem>>) src(%dma_wait3A_247 : memref<128xi32, #tpu.memory_space<hbm>>) dst(%arg11 : memref<128xi32, #tpu.memory_space<vmem>>)
      %dma_start3A_248 = arith.constant 0 : i32
      %dma_start3A_249 = arith.constant 0 : i32
      %dma_start3A_250 = tpu.memref_slice %arg2[%dma_start3A_248, %dma_start3A_249] : memref<10000x128xf32, #tpu.memory_space<hbm>> -> memref<10000x128xf32, #tpu.memory_space<hbm>>
      tpu.enqueue_indirect_dma source(%dma_start3A_250 : memref<10000x128xf32, #tpu.memory_space<hbm>>) target(%arg15 : memref<128x128xf32, #tpu.memory_space<vmem>>) offsets(%arg11 : memref<128xi32, #tpu.memory_space<vmem>>) semaphore(%arg17 : memref<!tpu.dma_semaphore, #tpu.memory_space<semaphore_mem>>)
    }
    %scan3A_56 = arith.constant 77 : i32
    %dma_wait3A_57 = arith.constant 0 : i32
    %dma_wait3A_58 = arith.constant 0 : i32
    %dma_wait3A_59 = tpu.memref_slice %arg2[%dma_wait3A_57, %dma_wait3A_58] : memref<10000x128xf32, #tpu.memory_space<hbm>> -> memref<10000x128xf32, #tpu.memory_space<hbm>>
    tpu.wait_indirect_dma semaphore(%arg17 : memref<!tpu.dma_semaphore, #tpu.memory_space<semaphore_mem>>) src(%dma_wait3A_59 : memref<10000x128xf32, #tpu.memory_space<hbm>>) dst(%arg15 : memref<128x128xf32, #tpu.memory_space<vmem>>)
    %add3A_60 = arith.constant 4960 : i32
    %add3A_61 = arith.addi %add3A, %add3A_60 : i32
    %min3A_62 = arith.constant 4999 : i32
    %min3A_63 = arith.minsi %add3A_61, %min3A_62 : i32
    %dma_wait3A_64 = arith.constant 0 : i32
    %dma_wait3A_65 = tpu.memref_slice %arg4[%min3A_63, %dma_wait3A_64] : memref<5000x128xi32, #tpu.memory_space<hbm>> -> memref<1x128xi32, #tpu.memory_space<hbm>>
    %dma_wait3A_66 = tpu.memref_squeeze %dma_wait3A_65 : memref<1x128xi32, #tpu.memory_space<hbm>> -> memref<128xi32, #tpu.memory_space<hbm>>
    %dma_wait3A_67 = arith.constant 0 : i32
    %dma_wait3A_68 = tpu.memref_slice %arg4[%min3A_63, %dma_wait3A_67] : memref<5000x128xi32, #tpu.memory_space<hbm>> -> memref<1x128xi32, #tpu.memory_space<hbm>>
    %dma_wait3A_69 = tpu.memref_squeeze %dma_wait3A_68 : memref<1x128xi32, #tpu.memory_space<hbm>> -> memref<128xi32, #tpu.memory_space<hbm>>
    tpu.wait_dma2 semaphore(%arg23 : memref<!tpu.dma_semaphore, #tpu.memory_space<semaphore_mem>>) src(%dma_wait3A_69 : memref<128xi32, #tpu.memory_space<hbm>>) dst(%arg13 : memref<128xi32, #tpu.memory_space<vmem>>)
    %dma_start3A_70 = arith.constant 0 : i32
    %dma_start3A_71 = arith.constant 0 : i32
    %dma_start3A_72 = tpu.memref_slice %arg9[%dma_start3A_70, %dma_start3A_71] : memref<10016x128xf32, #tpu.memory_space<vmem_shared>> -> memref<10016x128xf32, #tpu.memory_space<vmem_shared>>
    tpu.enqueue_indirect_dma source(%arg15 : memref<128x128xf32, #tpu.memory_space<vmem>>) target(%dma_start3A_72 : memref<10016x128xf32, #tpu.memory_space<vmem_shared>>) offsets(%arg13 : memref<128xi32, #tpu.memory_space<vmem>>) semaphore(%arg19 : memref<!tpu.dma_semaphore, #tpu.memory_space<semaphore_mem>>) {add = true}
    %add3A_73 = arith.constant 5024 : i32
    %add3A_74 = arith.addi %add3A, %add3A_73 : i32
    %min3A_75 = arith.constant 4999 : i32
    %min3A_76 = arith.minsi %add3A_74, %min3A_75 : i32
    %dma_start3A_77 = arith.constant 0 : i32
    %dma_start3A_78 = tpu.memref_slice %arg3[%min3A_76, %dma_start3A_77] : memref<5000x128xi32, #tpu.memory_space<hbm>> -> memref<1x128xi32, #tpu.memory_space<hbm>>
    %dma_start3A_79 = tpu.memref_squeeze %dma_start3A_78 : memref<1x128xi32, #tpu.memory_space<hbm>> -> memref<128xi32, #tpu.memory_space<hbm>>
    %dma_start3A_80 = arith.constant 0 : i32
    %dma_start3A_81 = tpu.memref_slice %arg3[%min3A_76, %dma_start3A_80] : memref<5000x128xi32, #tpu.memory_space<hbm>> -> memref<1x128xi32, #tpu.memory_space<hbm>>
    %dma_start3A_82 = tpu.memref_squeeze %dma_start3A_81 : memref<1x128xi32, #tpu.memory_space<hbm>> -> memref<128xi32, #tpu.memory_space<hbm>>
    tpu.enqueue_dma source(%dma_start3A_82 : memref<128xi32, #tpu.memory_space<hbm>>) target(%arg11 : memref<128xi32, #tpu.memory_space<vmem>>) target_semaphore(%arg21 : memref<!tpu.dma_semaphore, #tpu.memory_space<semaphore_mem>>)
    %dma_wait3A_83 = arith.constant 0 : i32
    %dma_wait3A_84 = arith.constant 0 : i32
    %dma_wait3A_85 = tpu.memref_slice %arg9[%dma_wait3A_83, %dma_wait3A_84] : memref<10016x128xf32, #tpu.memory_space<vmem_shared>> -> memref<10016x128xf32, #tpu.memory_space<vmem_shared>>
    tpu.wait_indirect_dma semaphore(%arg18 : memref<!tpu.dma_semaphore, #tpu.memory_space<semaphore_mem>>) src(%arg14 : memref<128x128xf32, #tpu.memory_space<vmem>>) dst(%dma_wait3A_85 : memref<10016x128xf32, #tpu.memory_space<vmem_shared>>)
    %add3A_86 = arith.constant 4992 : i32
    %add3A_87 = arith.addi %add3A, %add3A_86 : i32
    %min3A_88 = arith.constant 4999 : i32
    %min3A_89 = arith.minsi %add3A_87, %min3A_88 : i32
    %dma_start3A_90 = arith.constant 0 : i32
    %dma_start3A_91 = tpu.memref_slice %arg4[%min3A_89, %dma_start3A_90] : memref<5000x128xi32, #tpu.memory_space<hbm>> -> memref<1x128xi32, #tpu.memory_space<hbm>>
    %dma_start3A_92 = tpu.memref_squeeze %dma_start3A_91 : memref<1x128xi32, #tpu.memory_space<hbm>> -> memref<128xi32, #tpu.memory_space<hbm>>
    %dma_start3A_93 = arith.constant 0 : i32
    %dma_start3A_94 = tpu.memref_slice %arg4[%min3A_89, %dma_start3A_93] : memref<5000x128xi32, #tpu.memory_space<hbm>> -> memref<1x128xi32, #tpu.memory_space<hbm>>
    %dma_start3A_95 = tpu.memref_squeeze %dma_start3A_94 : memref<1x128xi32, #tpu.memory_space<hbm>> -> memref<128xi32, #tpu.memory_space<hbm>>
    tpu.enqueue_dma source(%dma_start3A_95 : memref<128xi32, #tpu.memory_space<hbm>>) target(%arg12 : memref<128xi32, #tpu.memory_space<vmem>>) target_semaphore(%arg22 : memref<!tpu.dma_semaphore, #tpu.memory_space<semaphore_mem>>)
    %add3A_96 = arith.constant 4992 : i32
    %add3A_97 = arith.addi %add3A, %add3A_96 : i32
    %min3A_98 = arith.constant 4999 : i32
    %min3A_99 = arith.minsi %add3A_97, %min3A_98 : i32
    %dma_wait3A_100 = arith.constant 0 : i32
    %dma_wait3A_101 = tpu.memref_slice %arg3[%min3A_99, %dma_wait3A_100] : memref<5000x128xi32, #tpu.memory_space<hbm>> -> memref<1x128xi32, #tpu.memory_space<hbm>>
    %dma_wait3A_102 = tpu.memref_squeeze %dma_wait3A_101 : memref<1x128xi32, #tpu.memory_space<hbm>> -> memref<128xi32, #tpu.memory_space<hbm>>
    %dma_wait3A_103 = arith.constant 0 : i32
    %dma_wait3A_104 = tpu.memref_slice %arg3[%min3A_99, %dma_wait3A_103] : memref<5000x128xi32, #tpu.memory_space<hbm>> -> memref<1x128xi32, #tpu.memory_space<hbm>>
    %dma_wait3A_105 = tpu.memref_squeeze %dma_wait3A_104 : memref<1x128xi32, #tpu.memory_space<hbm>> -> memref<128xi32, #tpu.memory_space<hbm>>
    tpu.wait_dma2 semaphore(%arg20 : memref<!tpu.dma_semaphore, #tpu.memory_space<semaphore_mem>>) src(%dma_wait3A_105 : memref<128xi32, #tpu.memory_space<hbm>>) dst(%arg10 : memref<128xi32, #tpu.memory_space<vmem>>)
    %dma_start3A_106 = arith.constant 0 : i32
    %dma_start3A_107 = arith.constant 0 : i32
    %dma_start3A_108 = tpu.memref_slice %arg2[%dma_start3A_106, %dma_start3A_107] : memref<10000x128xf32, #tpu.memory_space<hbm>> -> memref<10000x128xf32, #tpu.memory_space<hbm>>
    tpu.enqueue_indirect_dma source(%dma_start3A_108 : memref<10000x128xf32, #tpu.memory_space<hbm>>) target(%arg14 : memref<128x128xf32, #tpu.memory_space<vmem>>) offsets(%arg10 : memref<128xi32, #tpu.memory_space<vmem>>) semaphore(%arg16 : memref<!tpu.dma_semaphore, #tpu.memory_space<semaphore_mem>>)
    %lt3A = arith.constant 8 : i32
    %lt3A_109 = arith.cmpi slt, %add3A, %lt3A : i32
    %convert_element_type3A = arith.extui %lt3A_109 : i1 to i32
    %cond3A = arith.constant 0 : i32
    %cond3A_110 = arith.cmpi ne, %convert_element_type3A, %cond3A : i32
    scf.if %cond3A_110 {
      %dma_wait3A_118 = arith.constant 0 : i32
      %dma_wait3A_119 = arith.constant 0 : i32
      %dma_wait3A_120 = tpu.memref_slice %arg2[%dma_wait3A_118, %dma_wait3A_119] : memref<10000x128xf32, #tpu.memory_space<hbm>> -> memref<10000x128xf32, #tpu.memory_space<hbm>>
      tpu.wait_indirect_dma semaphore(%arg16 : memref<!tpu.dma_semaphore, #tpu.memory_space<semaphore_mem>>) src(%dma_wait3A_120 : memref<10000x128xf32, #tpu.memory_space<hbm>>) dst(%arg14 : memref<128x128xf32, #tpu.memory_space<vmem>>)
      %add3A_121 = arith.constant 4992 : i32
      %add3A_122 = arith.addi %add3A, %add3A_121 : i32
      %min3A_123 = arith.constant 4999 : i32
      %min3A_124 = arith.minsi %add3A_122, %min3A_123 : i32
      %dma_wait3A_125 = arith.constant 0 : i32
      %dma_wait3A_126 = tpu.memref_slice %arg4[%min3A_124, %dma_wait3A_125] : memref<5000x128xi32, #tpu.memory_space<hbm>> -> memref<1x128xi32, #tpu.memory_space<hbm>>
      %dma_wait3A_127 = tpu.memref_squeeze %dma_wait3A_126 : memref<1x128xi32, #tpu.memory_space<hbm>> -> memref<128xi32, #tpu.memory_space<hbm>>
      %dma_wait3A_128 = arith.constant 0 : i32
      %dma_wait3A_129 = tpu.memref_slice %arg4[%min3A_124, %dma_wait3A_128] : memref<5000x128xi32, #tpu.memory_space<hbm>> -> memref<1x128xi32, #tpu.memory_space<hbm>>
      %dma_wait3A_130 = tpu.memref_squeeze %dma_wait3A_129 : memref<1x128xi32, #tpu.memory_space<hbm>> -> memref<128xi32, #tpu.memory_space<hbm>>
      tpu.wait_dma2 semaphore(%arg22 : memref<!tpu.dma_semaphore, #tpu.memory_space<semaphore_mem>>) src(%dma_wait3A_130 : memref<128xi32, #tpu.memory_space<hbm>>) dst(%arg12 : memref<128xi32, #tpu.memory_space<vmem>>)
      %dma_start3A_131 = arith.constant 0 : i32
      %dma_start3A_132 = arith.constant 0 : i32
      %dma_start3A_133 = tpu.memref_slice %arg9[%dma_start3A_131, %dma_start3A_132] : memref<10016x128xf32, #tpu.memory_space<vmem_shared>> -> memref<10016x128xf32, #tpu.memory_space<vmem_shared>>
      tpu.enqueue_indirect_dma source(%arg14 : memref<128x128xf32, #tpu.memory_space<vmem>>) target(%dma_start3A_133 : memref<10016x128xf32, #tpu.memory_space<vmem_shared>>) offsets(%arg12 : memref<128xi32, #tpu.memory_space<vmem>>) semaphore(%arg18 : memref<!tpu.dma_semaphore, #tpu.memory_space<semaphore_mem>>) {add = true}
      %dma_wait3A_134 = arith.constant 0 : i32
      %dma_wait3A_135 = arith.constant 0 : i32
      %dma_wait3A_136 = tpu.memref_slice %arg9[%dma_wait3A_134, %dma_wait3A_135] : memref<10016x128xf32, #tpu.memory_space<vmem_shared>> -> memref<10016x128xf32, #tpu.memory_space<vmem_shared>>
      tpu.wait_indirect_dma semaphore(%arg19 : memref<!tpu.dma_semaphore, #tpu.memory_space<semaphore_mem>>) src(%arg15 : memref<128x128xf32, #tpu.memory_space<vmem>>) dst(%dma_wait3A_136 : memref<10016x128xf32, #tpu.memory_space<vmem_shared>>)
      %add3A_137 = arith.constant 5024 : i32
      %add3A_138 = arith.addi %add3A, %add3A_137 : i32
      %min3A_139 = arith.constant 4999 : i32
      %min3A_140 = arith.minsi %add3A_138, %min3A_139 : i32
      %dma_wait3A_141 = arith.constant 0 : i32
      %dma_wait3A_142 = tpu.memref_slice %arg3[%min3A_140, %dma_wait3A_141] : memref<5000x128xi32, #tpu.memory_space<hbm>> -> memref<1x128xi32, #tpu.memory_space<hbm>>
      %dma_wait3A_143 = tpu.memref_squeeze %dma_wait3A_142 : memref<1x128xi32, #tpu.memory_space<hbm>> -> memref<128xi32, #tpu.memory_space<hbm>>
      %dma_wait3A_144 = arith.constant 0 : i32
      %dma_wait3A_145 = tpu.memref_slice %arg3[%min3A_140, %dma_wait3A_144] : memref<5000x128xi32, #tpu.memory_space<hbm>> -> memref<1x128xi32, #tpu.memory_space<hbm>>
      %dma_wait3A_146 = tpu.memref_squeeze %dma_wait3A_145 : memref<1x128xi32, #tpu.memory_space<hbm>> -> memref<128xi32, #tpu.memory_space<hbm>>
      tpu.wait_dma2 semaphore(%arg21 : memref<!tpu.dma_semaphore, #tpu.memory_space<semaphore_mem>>) src(%dma_wait3A_146 : memref<128xi32, #tpu.memory_space<hbm>>) dst(%arg11 : memref<128xi32, #tpu.memory_space<vmem>>)
      %dma_wait3A_147 = arith.constant 0 : i32
      %dma_wait3A_148 = arith.constant 0 : i32
      %dma_wait3A_149 = tpu.memref_slice %arg9[%dma_wait3A_147, %dma_wait3A_148] : memref<10016x128xf32, #tpu.memory_space<vmem_shared>> -> memref<10016x128xf32, #tpu.memory_space<vmem_shared>>
      tpu.wait_indirect_dma semaphore(%arg18 : memref<!tpu.dma_semaphore, #tpu.memory_space<semaphore_mem>>) src(%arg14 : memref<128x128xf32, #tpu.memory_space<vmem>>) dst(%dma_wait3A_149 : memref<10016x128xf32, #tpu.memory_space<vmem_shared>>)
    } else {
    }
    %ge3A = arith.constant 8 : i32
    %ge3A_111 = arith.cmpi sge, %add3A, %ge3A : i32
    %convert_element_type3A_112 = arith.extui %ge3A_111 : i1 to i32
    %cond3A_113 = arith.constant 0 : i32
    %cond3A_114 = arith.cmpi ne, %convert_element_type3A_112, %cond3A_113 : i32
    scf.if %cond3A_114 {
      %dma_wait3A_118 = arith.constant 0 : i32
      %dma_wait3A_119 = arith.constant 0 : i32
      %dma_wait3A_120 = tpu.memref_slice %arg2[%dma_wait3A_118, %dma_wait3A_119] : memref<10000x128xf32, #tpu.memory_space<hbm>> -> memref<10000x128xf32, #tpu.memory_space<hbm>>
      tpu.wait_indirect_dma semaphore(%arg16 : memref<!tpu.dma_semaphore, #tpu.memory_space<semaphore_mem>>) src(%dma_wait3A_120 : memref<10000x128xf32, #tpu.memory_space<hbm>>) dst(%arg14 : memref<128x128xf32, #tpu.memory_space<vmem>>)
      %add3A_121 = arith.constant 4992 : i32
      %add3A_122 = arith.addi %add3A, %add3A_121 : i32
      %min3A_123 = arith.constant 4999 : i32
      %min3A_124 = arith.minsi %add3A_122, %min3A_123 : i32
      %dma_wait3A_125 = arith.constant 0 : i32
      %dma_wait3A_126 = tpu.memref_slice %arg4[%min3A_124, %dma_wait3A_125] : memref<5000x128xi32, #tpu.memory_space<hbm>> -> memref<1x128xi32, #tpu.memory_space<hbm>>
      %dma_wait3A_127 = tpu.memref_squeeze %dma_wait3A_126 : memref<1x128xi32, #tpu.memory_space<hbm>> -> memref<128xi32, #tpu.memory_space<hbm>>
      %dma_wait3A_128 = arith.constant 0 : i32
      %dma_wait3A_129 = tpu.memref_slice %arg4[%min3A_124, %dma_wait3A_128] : memref<5000x128xi32, #tpu.memory_space<hbm>> -> memref<1x128xi32, #tpu.memory_space<hbm>>
      %dma_wait3A_130 = tpu.memref_squeeze %dma_wait3A_129 : memref<1x128xi32, #tpu.memory_space<hbm>> -> memref<128xi32, #tpu.memory_space<hbm>>
      tpu.wait_dma2 semaphore(%arg22 : memref<!tpu.dma_semaphore, #tpu.memory_space<semaphore_mem>>) src(%dma_wait3A_130 : memref<128xi32, #tpu.memory_space<hbm>>) dst(%arg12 : memref<128xi32, #tpu.memory_space<vmem>>)
      %dma_wait3A_131 = arith.constant 0 : i32
      %dma_wait3A_132 = arith.constant 0 : i32
      %dma_wait3A_133 = tpu.memref_slice %arg9[%dma_wait3A_131, %dma_wait3A_132] : memref<10016x128xf32, #tpu.memory_space<vmem_shared>> -> memref<10016x128xf32, #tpu.memory_space<vmem_shared>>
      tpu.wait_indirect_dma semaphore(%arg19 : memref<!tpu.dma_semaphore, #tpu.memory_space<semaphore_mem>>) src(%arg15 : memref<128x128xf32, #tpu.memory_space<vmem>>) dst(%dma_wait3A_133 : memref<10016x128xf32, #tpu.memory_space<vmem_shared>>)
      %add3A_134 = arith.constant 5024 : i32
      %add3A_135 = arith.addi %add3A, %add3A_134 : i32
      %min3A_136 = arith.constant 4999 : i32
      %min3A_137 = arith.minsi %add3A_135, %min3A_136 : i32
      %dma_wait3A_138 = arith.constant 0 : i32
      %dma_wait3A_139 = tpu.memref_slice %arg3[%min3A_137, %dma_wait3A_138] : memref<5000x128xi32, #tpu.memory_space<hbm>> -> memref<1x128xi32, #tpu.memory_space<hbm>>
      %dma_wait3A_140 = tpu.memref_squeeze %dma_wait3A_139 : memref<1x128xi32, #tpu.memory_space<hbm>> -> memref<128xi32, #tpu.memory_space<hbm>>
      %dma_wait3A_141 = arith.constant 0 : i32
      %dma_wait3A_142 = tpu.memref_slice %arg3[%min3A_137, %dma_wait3A_141] : memref<5000x128xi32, #tpu.memory_space<hbm>> -> memref<1x128xi32, #tpu.memory_space<hbm>>
      %dma_wait3A_143 = tpu.memref_squeeze %dma_wait3A_142 : memref<1x128xi32, #tpu.memory_space<hbm>> -> memref<128xi32, #tpu.memory_space<hbm>>
      tpu.wait_dma2 semaphore(%arg21 : memref<!tpu.dma_semaphore, #tpu.memory_space<semaphore_mem>>) src(%dma_wait3A_143 : memref<128xi32, #tpu.memory_space<hbm>>) dst(%arg11 : memref<128xi32, #tpu.memory_space<vmem>>)
    } else {
    }
    %barrier3A_115 = arith.constant 0 : index
    tpu.barrier barrier_id(%barrier3A_115)
    %mul3A_116 = arith.constant 626 : i32
    %mul3A_117 = arith.muli %arg1, %mul3A_116 : i32
    "tpu.region"() ({
      %run_scoped3A = tpu.sem_alloc : memref<!tpu.dma_semaphore, #tpu.memory_space<semaphore_mem>>
      %dma_start3A_118 = arith.constant 0 : i32
      %dma_start3A_119 = arith.constant 0 : i32
      %dma_start3A_120 = tpu.memref_slice %arg8[%add3A, %dma_start3A_118, %dma_start3A_119] : memref<32x626x128xf32, #tpu.memory_space<hbm>> -> memref<1x626x128xf32, #tpu.memory_space<hbm>>
      %dma_start3A_121 = tpu.memref_squeeze %dma_start3A_120 : memref<1x626x128xf32, #tpu.memory_space<hbm>> -> memref<626x128xf32, #tpu.memory_space<hbm>>
      %dma_start3A_122 = arith.constant 0 : i32
      %dma_start3A_123 = tpu.memref_slice %arg9[%mul3A_117, %dma_start3A_122] : memref<10016x128xf32, #tpu.memory_space<vmem_shared>> -> memref<626x128xf32, #tpu.memory_space<vmem_shared>>
      tpu.enqueue_dma source(%dma_start3A_123 : memref<626x128xf32, #tpu.memory_space<vmem_shared>>) target(%dma_start3A_121 : memref<626x128xf32, #tpu.memory_space<hbm>>) target_semaphore(%run_scoped3A : memref<!tpu.dma_semaphore, #tpu.memory_space<semaphore_mem>>)
      %dma_wait3A_124 = arith.constant 0 : i32
      %dma_wait3A_125 = arith.constant 0 : i32
      %dma_wait3A_126 = tpu.memref_slice %arg8[%add3A, %dma_wait3A_124, %dma_wait3A_125] : memref<32x626x128xf32, #tpu.memory_space<hbm>> -> memref<1x626x128xf32, #tpu.memory_space<hbm>>
      %dma_wait3A_127 = tpu.memref_squeeze %dma_wait3A_126 : memref<1x626x128xf32, #tpu.memory_space<hbm>> -> memref<626x128xf32, #tpu.memory_space<hbm>>
      %dma_wait3A_128 = arith.constant 0 : i32
      %dma_wait3A_129 = tpu.memref_slice %arg9[%mul3A_117, %dma_wait3A_128] : memref<10016x128xf32, #tpu.memory_space<vmem_shared>> -> memref<626x128xf32, #tpu.memory_space<vmem_shared>>
      tpu.wait_dma2 semaphore(%run_scoped3A : memref<!tpu.dma_semaphore, #tpu.memory_space<semaphore_mem>>) src(%dma_wait3A_129 : memref<626x128xf32, #tpu.memory_space<vmem_shared>>) dst(%dma_wait3A_127 : memref<626x128xf32, #tpu.memory_space<hbm>>)
      tpu.yield
    }) : () -> ()
    return
  }
}

#map = affine_map<(d0, d1) -> (0, 0)>
#map1 = affine_map<(d0, d1) -> (0, 0, 0)>
module attributes {stable_mosaic.version = 14 : i64} {
  func.func @body(%arg0: i32, %arg1: i32, %arg2: memref<10000x128xf32, #tpu.memory_space<hbm>>, %arg3: memref<5000x128xi32, #tpu.memory_space<hbm>>, %arg4: memref<5000x128xi32, #tpu.memory_space<hbm>>, %arg5: memref<626x128xf32, #tpu.memory_space<hbm>>, %arg6: memref<626x16xf32, #tpu.memory_space<hbm>>, %arg7: memref<128x16xf32, #tpu.memory_space<hbm>>, %arg8: memref<32x626x128xf32, #tpu.memory_space<hbm>>, %arg9: memref<32x626x16xf32, #tpu.memory_space<hbm>>, %arg10: memref<10016x128xf32, #tpu.memory_space<vmem_shared>>, %arg11: memref<128xi32, #tpu.memory_space<vmem>>, %arg12: memref<128xi32, #tpu.memory_space<vmem>>, %arg13: memref<128xi32, #tpu.memory_space<vmem>>, %arg14: memref<128xi32, #tpu.memory_space<vmem>>, %arg15: memref<128x128xf32, #tpu.memory_space<vmem>>, %arg16: memref<128x128xf32, #tpu.memory_space<vmem>>, %arg17: memref<!tpu.dma_semaphore, #tpu.memory_space<semaphore_mem>>, %arg18: memref<!tpu.dma_semaphore, #tpu.memory_space<semaphore_mem>>, %arg19: memref<!tpu.dma_semaphore, #tpu.memory_space<semaphore_mem>>, %arg20: memref<!tpu.dma_semaphore, #tpu.memory_space<semaphore_mem>>, %arg21: memref<!tpu.dma_semaphore, #tpu.memory_space<semaphore_mem>>, %arg22: memref<!tpu.dma_semaphore, #tpu.memory_space<semaphore_mem>>, %arg23: memref<!tpu.dma_semaphore, #tpu.memory_space<semaphore_mem>>, %arg24: memref<!tpu.dma_semaphore, #tpu.memory_space<semaphore_mem>>, %arg25: memref<10016x16xf32, #tpu.memory_space<vmem_shared>>, %arg26: memref<128x16xf32, #tpu.memory_space<vmem>>, %arg27: memref<!tpu.dma_semaphore, #tpu.memory_space<semaphore_mem>>, %arg28: memref<!tpu.dma_semaphore, #tpu.memory_space<semaphore_mem>>) attributes {dimension_semantics = [#tpu.dimension_semantics<core_parallel>, #tpu.dimension_semantics<subcore_parallel>], iteration_bounds = array<i64: 2, 16>, scalar_prefetch = 0 : i64, scratch_operands = 19 : i64, tpu.core_type = #tpu.core_type<sc_vector_subcore>, window_params = [{transform_indices = #map}, {transform_indices = #map}, {transform_indices = #map}, {transform_indices = #map}, {transform_indices = #map}, {transform_indices = #map}, {transform_indices = #map1}, {transform_indices = #map1}]} {
    %mul3A = arith.constant 16 : i32
    %mul3A_0 = arith.muli %arg0, %mul3A : i32
    %add3A = arith.addi %mul3A_0, %arg1 : i32
    %mul3A_1 = arith.constant 626 : i32
    %mul3A_2 = arith.muli %arg1, %mul3A_1 : i32
    "tpu.region"() ({
      %run_scoped3A = tpu.sem_alloc : memref<!tpu.dma_semaphore, #tpu.memory_space<semaphore_mem>>
      %dma_start3A_131 = arith.constant 0 : i32
      %dma_start3A_132 = tpu.memref_slice %arg10[%mul3A_2, %dma_start3A_131] : memref<10016x128xf32, #tpu.memory_space<vmem_shared>> -> memref<626x128xf32, #tpu.memory_space<vmem_shared>>
      tpu.enqueue_dma source(%arg5 : memref<626x128xf32, #tpu.memory_space<hbm>>) target(%dma_start3A_132 : memref<626x128xf32, #tpu.memory_space<vmem_shared>>) target_semaphore(%run_scoped3A : memref<!tpu.dma_semaphore, #tpu.memory_space<semaphore_mem>>)
      %dma_wait3A_133 = arith.constant 0 : i32
      %dma_wait3A_134 = tpu.memref_slice %arg10[%mul3A_2, %dma_wait3A_133] : memref<10016x128xf32, #tpu.memory_space<vmem_shared>> -> memref<626x128xf32, #tpu.memory_space<vmem_shared>>
      tpu.wait_dma2 semaphore(%run_scoped3A : memref<!tpu.dma_semaphore, #tpu.memory_space<semaphore_mem>>) src(%arg5 : memref<626x128xf32, #tpu.memory_space<hbm>>) dst(%dma_wait3A_134 : memref<626x128xf32, #tpu.memory_space<vmem_shared>>)
      tpu.yield
    }) : () -> ()
    %mul3A_3 = arith.constant 626 : i32
    %mul3A_4 = arith.muli %arg1, %mul3A_3 : i32
    "tpu.region"() ({
      %run_scoped3A = tpu.sem_alloc : memref<!tpu.dma_semaphore, #tpu.memory_space<semaphore_mem>>
      %dma_start3A_131 = arith.constant 0 : i32
      %dma_start3A_132 = tpu.memref_slice %arg25[%mul3A_4, %dma_start3A_131] : memref<10016x16xf32, #tpu.memory_space<vmem_shared>> -> memref<626x16xf32, #tpu.memory_space<vmem_shared>>
      tpu.enqueue_dma source(%arg6 : memref<626x16xf32, #tpu.memory_space<hbm>>) target(%dma_start3A_132 : memref<626x16xf32, #tpu.memory_space<vmem_shared>>) target_semaphore(%run_scoped3A : memref<!tpu.dma_semaphore, #tpu.memory_space<semaphore_mem>>)
      %dma_wait3A_133 = arith.constant 0 : i32
      %dma_wait3A_134 = tpu.memref_slice %arg25[%mul3A_4, %dma_wait3A_133] : memref<10016x16xf32, #tpu.memory_space<vmem_shared>> -> memref<626x16xf32, #tpu.memory_space<vmem_shared>>
      tpu.wait_dma2 semaphore(%run_scoped3A : memref<!tpu.dma_semaphore, #tpu.memory_space<semaphore_mem>>) src(%arg6 : memref<626x16xf32, #tpu.memory_space<hbm>>) dst(%dma_wait3A_134 : memref<626x16xf32, #tpu.memory_space<vmem_shared>>)
      tpu.yield
    }) : () -> ()
    "tpu.region"() ({
      %run_scoped3A = tpu.sem_alloc : memref<!tpu.dma_semaphore, #tpu.memory_space<semaphore_mem>>
      tpu.enqueue_dma source(%arg7 : memref<128x16xf32, #tpu.memory_space<hbm>>) target(%arg26 : memref<128x16xf32, #tpu.memory_space<vmem>>) target_semaphore(%run_scoped3A : memref<!tpu.dma_semaphore, #tpu.memory_space<semaphore_mem>>)
      tpu.wait_dma2 semaphore(%run_scoped3A : memref<!tpu.dma_semaphore, #tpu.memory_space<semaphore_mem>>) src(%arg7 : memref<128x16xf32, #tpu.memory_space<hbm>>) dst(%arg26 : memref<128x16xf32, #tpu.memory_space<vmem>>)
      tpu.yield
    }) : () -> ()
    %barrier3A = arith.constant 0 : index
    tpu.barrier barrier_id(%barrier3A)
    "tpu.region"() ({
      %run_scoped3A = tpu.sem_alloc : memref<!tpu.dma_semaphore, #tpu.memory_space<semaphore_mem>>
      %dma_start3A_131 = arith.constant 0 : i32
      %dma_start3A_132 = tpu.memref_slice %arg3[%add3A, %dma_start3A_131] : memref<5000x128xi32, #tpu.memory_space<hbm>> -> memref<1x128xi32, #tpu.memory_space<hbm>>
      %dma_start3A_133 = tpu.memref_squeeze %dma_start3A_132 : memref<1x128xi32, #tpu.memory_space<hbm>> -> memref<128xi32, #tpu.memory_space<hbm>>
      %dma_start3A_134 = arith.constant 0 : i32
      %dma_start3A_135 = tpu.memref_slice %arg3[%add3A, %dma_start3A_134] : memref<5000x128xi32, #tpu.memory_space<hbm>> -> memref<1x128xi32, #tpu.memory_space<hbm>>
      %dma_start3A_136 = tpu.memref_squeeze %dma_start3A_135 : memref<1x128xi32, #tpu.memory_space<hbm>> -> memref<128xi32, #tpu.memory_space<hbm>>
      tpu.enqueue_dma source(%dma_start3A_136 : memref<128xi32, #tpu.memory_space<hbm>>) target(%arg11 : memref<128xi32, #tpu.memory_space<vmem>>) target_semaphore(%run_scoped3A : memref<!tpu.dma_semaphore, #tpu.memory_space<semaphore_mem>>)
      %dma_wait3A_137 = arith.constant 0 : i32
      %dma_wait3A_138 = tpu.memref_slice %arg3[%add3A, %dma_wait3A_137] : memref<5000x128xi32, #tpu.memory_space<hbm>> -> memref<1x128xi32, #tpu.memory_space<hbm>>
      %dma_wait3A_139 = tpu.memref_squeeze %dma_wait3A_138 : memref<1x128xi32, #tpu.memory_space<hbm>> -> memref<128xi32, #tpu.memory_space<hbm>>
      %dma_wait3A_140 = arith.constant 0 : i32
      %dma_wait3A_141 = tpu.memref_slice %arg3[%add3A, %dma_wait3A_140] : memref<5000x128xi32, #tpu.memory_space<hbm>> -> memref<1x128xi32, #tpu.memory_space<hbm>>
      %dma_wait3A_142 = tpu.memref_squeeze %dma_wait3A_141 : memref<1x128xi32, #tpu.memory_space<hbm>> -> memref<128xi32, #tpu.memory_space<hbm>>
      tpu.wait_dma2 semaphore(%run_scoped3A : memref<!tpu.dma_semaphore, #tpu.memory_space<semaphore_mem>>) src(%dma_wait3A_142 : memref<128xi32, #tpu.memory_space<hbm>>) dst(%arg11 : memref<128xi32, #tpu.memory_space<vmem>>)
      tpu.yield
    }) : () -> ()
    "tpu.region"() ({
      %run_scoped3A = tpu.sem_alloc : memref<!tpu.dma_semaphore, #tpu.memory_space<semaphore_mem>>
      %dma_start3A_131 = arith.constant 0 : i32
      %dma_start3A_132 = tpu.memref_slice %arg4[%add3A, %dma_start3A_131] : memref<5000x128xi32, #tpu.memory_space<hbm>> -> memref<1x128xi32, #tpu.memory_space<hbm>>
      %dma_start3A_133 = tpu.memref_squeeze %dma_start3A_132 : memref<1x128xi32, #tpu.memory_space<hbm>> -> memref<128xi32, #tpu.memory_space<hbm>>
      %dma_start3A_134 = arith.constant 0 : i32
      %dma_start3A_135 = tpu.memref_slice %arg4[%add3A, %dma_start3A_134] : memref<5000x128xi32, #tpu.memory_space<hbm>> -> memref<1x128xi32, #tpu.memory_space<hbm>>
      %dma_start3A_136 = tpu.memref_squeeze %dma_start3A_135 : memref<1x128xi32, #tpu.memory_space<hbm>> -> memref<128xi32, #tpu.memory_space<hbm>>
      tpu.enqueue_dma source(%dma_start3A_136 : memref<128xi32, #tpu.memory_space<hbm>>) target(%arg13 : memref<128xi32, #tpu.memory_space<vmem>>) target_semaphore(%run_scoped3A : memref<!tpu.dma_semaphore, #tpu.memory_space<semaphore_mem>>)
      %dma_wait3A_137 = arith.constant 0 : i32
      %dma_wait3A_138 = tpu.memref_slice %arg4[%add3A, %dma_wait3A_137] : memref<5000x128xi32, #tpu.memory_space<hbm>> -> memref<1x128xi32, #tpu.memory_space<hbm>>
      %dma_wait3A_139 = tpu.memref_squeeze %dma_wait3A_138 : memref<1x128xi32, #tpu.memory_space<hbm>> -> memref<128xi32, #tpu.memory_space<hbm>>
      %dma_wait3A_140 = arith.constant 0 : i32
      %dma_wait3A_141 = tpu.memref_slice %arg4[%add3A, %dma_wait3A_140] : memref<5000x128xi32, #tpu.memory_space<hbm>> -> memref<1x128xi32, #tpu.memory_space<hbm>>
      %dma_wait3A_142 = tpu.memref_squeeze %dma_wait3A_141 : memref<1x128xi32, #tpu.memory_space<hbm>> -> memref<128xi32, #tpu.memory_space<hbm>>
      tpu.wait_dma2 semaphore(%run_scoped3A : memref<!tpu.dma_semaphore, #tpu.memory_space<semaphore_mem>>) src(%dma_wait3A_142 : memref<128xi32, #tpu.memory_space<hbm>>) dst(%arg13 : memref<128xi32, #tpu.memory_space<vmem>>)
      tpu.yield
    }) : () -> ()
    %dma_start3A = arith.constant 0 : i32
    %dma_start3A_5 = arith.constant 0 : i32
    %dma_start3A_6 = tpu.memref_slice %arg2[%dma_start3A, %dma_start3A_5] : memref<10000x128xf32, #tpu.memory_space<hbm>> -> memref<10000x128xf32, #tpu.memory_space<hbm>>
    tpu.enqueue_indirect_dma source(%dma_start3A_6 : memref<10000x128xf32, #tpu.memory_space<hbm>>) target(%arg15 : memref<128x128xf32, #tpu.memory_space<vmem>>) offsets(%arg11 : memref<128xi32, #tpu.memory_space<vmem>>) semaphore(%arg17 : memref<!tpu.dma_semaphore, #tpu.memory_space<semaphore_mem>>)
    %add3A_7 = arith.constant 32 : i32
    %add3A_8 = arith.addi %add3A, %add3A_7 : i32
    %min3A = arith.constant 4999 : i32
    %min3A_9 = arith.minsi %add3A_8, %min3A : i32
    %dma_start3A_10 = arith.constant 0 : i32
    %dma_start3A_11 = tpu.memref_slice %arg3[%min3A_9, %dma_start3A_10] : memref<5000x128xi32, #tpu.memory_space<hbm>> -> memref<1x128xi32, #tpu.memory_space<hbm>>
    %dma_start3A_12 = tpu.memref_squeeze %dma_start3A_11 : memref<1x128xi32, #tpu.memory_space<hbm>> -> memref<128xi32, #tpu.memory_space<hbm>>
    %dma_start3A_13 = arith.constant 0 : i32
    %dma_start3A_14 = tpu.memref_slice %arg3[%min3A_9, %dma_start3A_13] : memref<5000x128xi32, #tpu.memory_space<hbm>> -> memref<1x128xi32, #tpu.memory_space<hbm>>
    %dma_start3A_15 = tpu.memref_squeeze %dma_start3A_14 : memref<1x128xi32, #tpu.memory_space<hbm>> -> memref<128xi32, #tpu.memory_space<hbm>>
    tpu.enqueue_dma source(%dma_start3A_15 : memref<128xi32, #tpu.memory_space<hbm>>) target(%arg12 : memref<128xi32, #tpu.memory_space<vmem>>) target_semaphore(%arg22 : memref<!tpu.dma_semaphore, #tpu.memory_space<semaphore_mem>>)
    %dma_wait3A = arith.constant 0 : i32
    %dma_wait3A_16 = arith.constant 0 : i32
    %dma_wait3A_17 = tpu.memref_slice %arg2[%dma_wait3A, %dma_wait3A_16] : memref<10000x128xf32, #tpu.memory_space<hbm>> -> memref<10000x128xf32, #tpu.memory_space<hbm>>
    tpu.wait_indirect_dma semaphore(%arg17 : memref<!tpu.dma_semaphore, #tpu.memory_space<semaphore_mem>>) src(%dma_wait3A_17 : memref<10000x128xf32, #tpu.memory_space<hbm>>) dst(%arg15 : memref<128x128xf32, #tpu.memory_space<vmem>>)
    %dma_start3A_18 = arith.constant 0 : i32
    %dma_start3A_19 = arith.constant 0 : i32
    %dma_start3A_20 = tpu.memref_slice %arg10[%dma_start3A_18, %dma_start3A_19] : memref<10016x128xf32, #tpu.memory_space<vmem_shared>> -> memref<10016x128xf32, #tpu.memory_space<vmem_shared>>
    tpu.enqueue_indirect_dma source(%arg15 : memref<128x128xf32, #tpu.memory_space<vmem>>) target(%dma_start3A_20 : memref<10016x128xf32, #tpu.memory_space<vmem_shared>>) offsets(%arg13 : memref<128xi32, #tpu.memory_space<vmem>>) semaphore(%arg19 : memref<!tpu.dma_semaphore, #tpu.memory_space<semaphore_mem>>) {add = true}
    %dma_start3A_21 = arith.constant 0 : i32
    %dma_start3A_22 = arith.constant 0 : i32
    %dma_start3A_23 = tpu.memref_slice %arg25[%dma_start3A_21, %dma_start3A_22] : memref<10016x16xf32, #tpu.memory_space<vmem_shared>> -> memref<10016x16xf32, #tpu.memory_space<vmem_shared>>
    tpu.enqueue_indirect_dma source(%arg26 : memref<128x16xf32, #tpu.memory_space<vmem>>) target(%dma_start3A_23 : memref<10016x16xf32, #tpu.memory_space<vmem_shared>>) offsets(%arg13 : memref<128xi32, #tpu.memory_space<vmem>>) semaphore(%arg27 : memref<!tpu.dma_semaphore, #tpu.memory_space<semaphore_mem>>) {add = true}
    %add3A_24 = arith.constant 64 : i32
    %add3A_25 = arith.addi %add3A, %add3A_24 : i32
    %min3A_26 = arith.constant 4999 : i32
    %min3A_27 = arith.minsi %add3A_25, %min3A_26 : i32
    %dma_start3A_28 = arith.constant 0 : i32
    %dma_start3A_29 = tpu.memref_slice %arg3[%min3A_27, %dma_start3A_28] : memref<5000x128xi32, #tpu.memory_space<hbm>> -> memref<1x128xi32, #tpu.memory_space<hbm>>
    %dma_start3A_30 = tpu.memref_squeeze %dma_start3A_29 : memref<1x128xi32, #tpu.memory_space<hbm>> -> memref<128xi32, #tpu.memory_space<hbm>>
    %dma_start3A_31 = arith.constant 0 : i32
    %dma_start3A_32 = tpu.memref_slice %arg3[%min3A_27, %dma_start3A_31] : memref<5000x128xi32, #tpu.memory_space<hbm>> -> memref<1x128xi32, #tpu.memory_space<hbm>>
    %dma_start3A_33 = tpu.memref_squeeze %dma_start3A_32 : memref<1x128xi32, #tpu.memory_space<hbm>> -> memref<128xi32, #tpu.memory_space<hbm>>
    tpu.enqueue_dma source(%dma_start3A_33 : memref<128xi32, #tpu.memory_space<hbm>>) target(%arg11 : memref<128xi32, #tpu.memory_space<vmem>>) target_semaphore(%arg21 : memref<!tpu.dma_semaphore, #tpu.memory_space<semaphore_mem>>)
    %add3A_34 = arith.constant 32 : i32
    %add3A_35 = arith.addi %add3A, %add3A_34 : i32
    %min3A_36 = arith.constant 4999 : i32
    %min3A_37 = arith.minsi %add3A_35, %min3A_36 : i32
    %dma_start3A_38 = arith.constant 0 : i32
    %dma_start3A_39 = tpu.memref_slice %arg4[%min3A_37, %dma_start3A_38] : memref<5000x128xi32, #tpu.memory_space<hbm>> -> memref<1x128xi32, #tpu.memory_space<hbm>>
    %dma_start3A_40 = tpu.memref_squeeze %dma_start3A_39 : memref<1x128xi32, #tpu.memory_space<hbm>> -> memref<128xi32, #tpu.memory_space<hbm>>
    %dma_start3A_41 = arith.constant 0 : i32
    %dma_start3A_42 = tpu.memref_slice %arg4[%min3A_37, %dma_start3A_41] : memref<5000x128xi32, #tpu.memory_space<hbm>> -> memref<1x128xi32, #tpu.memory_space<hbm>>
    %dma_start3A_43 = tpu.memref_squeeze %dma_start3A_42 : memref<1x128xi32, #tpu.memory_space<hbm>> -> memref<128xi32, #tpu.memory_space<hbm>>
    tpu.enqueue_dma source(%dma_start3A_43 : memref<128xi32, #tpu.memory_space<hbm>>) target(%arg14 : memref<128xi32, #tpu.memory_space<vmem>>) target_semaphore(%arg24 : memref<!tpu.dma_semaphore, #tpu.memory_space<semaphore_mem>>)
    %add3A_44 = arith.constant 32 : i32
    %add3A_45 = arith.addi %add3A, %add3A_44 : i32
    %min3A_46 = arith.constant 4999 : i32
    %min3A_47 = arith.minsi %add3A_45, %min3A_46 : i32
    %dma_wait3A_48 = arith.constant 0 : i32
    %dma_wait3A_49 = tpu.memref_slice %arg3[%min3A_47, %dma_wait3A_48] : memref<5000x128xi32, #tpu.memory_space<hbm>> -> memref<1x128xi32, #tpu.memory_space<hbm>>
    %dma_wait3A_50 = tpu.memref_squeeze %dma_wait3A_49 : memref<1x128xi32, #tpu.memory_space<hbm>> -> memref<128xi32, #tpu.memory_space<hbm>>
    %dma_wait3A_51 = arith.constant 0 : i32
    %dma_wait3A_52 = tpu.memref_slice %arg3[%min3A_47, %dma_wait3A_51] : memref<5000x128xi32, #tpu.memory_space<hbm>> -> memref<1x128xi32, #tpu.memory_space<hbm>>
    %dma_wait3A_53 = tpu.memref_squeeze %dma_wait3A_52 : memref<1x128xi32, #tpu.memory_space<hbm>> -> memref<128xi32, #tpu.memory_space<hbm>>
    tpu.wait_dma2 semaphore(%arg22 : memref<!tpu.dma_semaphore, #tpu.memory_space<semaphore_mem>>) src(%dma_wait3A_53 : memref<128xi32, #tpu.memory_space<hbm>>) dst(%arg12 : memref<128xi32, #tpu.memory_space<vmem>>)
    %dma_start3A_54 = arith.constant 0 : i32
    %dma_start3A_55 = arith.constant 0 : i32
    %dma_start3A_56 = tpu.memref_slice %arg2[%dma_start3A_54, %dma_start3A_55] : memref<10000x128xf32, #tpu.memory_space<hbm>> -> memref<10000x128xf32, #tpu.memory_space<hbm>>
    tpu.enqueue_indirect_dma source(%dma_start3A_56 : memref<10000x128xf32, #tpu.memory_space<hbm>>) target(%arg16 : memref<128x128xf32, #tpu.memory_space<vmem>>) offsets(%arg12 : memref<128xi32, #tpu.memory_space<vmem>>) semaphore(%arg18 : memref<!tpu.dma_semaphore, #tpu.memory_space<semaphore_mem>>)
    %scan3A = arith.constant 0 : i32
    %scan3A_57 = arith.constant 0 : i32
    %scan3A_58 = arith.constant 77 : i32
    %scan3A_59 = arith.addi %scan3A_57, %scan3A_58 : i32
    %scan3A_60 = arith.constant 1 : i32
    scf.for %scan3A_131 = %scan3A_57 to %scan3A_59 step %scan3A_60  : i32 {
      %mul3A_132 = arith.constant 2 : i32
      %mul3A_133 = arith.muli %mul3A_132, %scan3A_131 : i32
      %add3A_134 = arith.constant 1 : i32
      %add3A_135 = arith.addi %mul3A_133, %add3A_134 : i32
      %dma_wait3A_136 = arith.constant 0 : i32
      %dma_wait3A_137 = arith.constant 0 : i32
      %dma_wait3A_138 = tpu.memref_slice %arg2[%dma_wait3A_136, %dma_wait3A_137] : memref<10000x128xf32, #tpu.memory_space<hbm>> -> memref<10000x128xf32, #tpu.memory_space<hbm>>
      tpu.wait_indirect_dma semaphore(%arg18 : memref<!tpu.dma_semaphore, #tpu.memory_space<semaphore_mem>>) src(%dma_wait3A_138 : memref<10000x128xf32, #tpu.memory_space<hbm>>) dst(%arg16 : memref<128x128xf32, #tpu.memory_space<vmem>>)
      %mul3A_139 = arith.constant 32 : i32
      %mul3A_140 = arith.muli %mul3A_139, %add3A_135 : i32
      %add3A_141 = arith.addi %add3A, %mul3A_140 : i32
      %min3A_142 = arith.constant 4999 : i32
      %min3A_143 = arith.minsi %add3A_141, %min3A_142 : i32
      %dma_wait3A_144 = arith.constant 0 : i32
      %dma_wait3A_145 = tpu.memref_slice %arg4[%min3A_143, %dma_wait3A_144] : memref<5000x128xi32, #tpu.memory_space<hbm>> -> memref<1x128xi32, #tpu.memory_space<hbm>>
      %dma_wait3A_146 = tpu.memref_squeeze %dma_wait3A_145 : memref<1x128xi32, #tpu.memory_space<hbm>> -> memref<128xi32, #tpu.memory_space<hbm>>
      %dma_wait3A_147 = arith.constant 0 : i32
      %dma_wait3A_148 = tpu.memref_slice %arg4[%min3A_143, %dma_wait3A_147] : memref<5000x128xi32, #tpu.memory_space<hbm>> -> memref<1x128xi32, #tpu.memory_space<hbm>>
      %dma_wait3A_149 = tpu.memref_squeeze %dma_wait3A_148 : memref<1x128xi32, #tpu.memory_space<hbm>> -> memref<128xi32, #tpu.memory_space<hbm>>
      tpu.wait_dma2 semaphore(%arg24 : memref<!tpu.dma_semaphore, #tpu.memory_space<semaphore_mem>>) src(%dma_wait3A_149 : memref<128xi32, #tpu.memory_space<hbm>>) dst(%arg14 : memref<128xi32, #tpu.memory_space<vmem>>)
      %dma_start3A_150 = arith.constant 0 : i32
      %dma_start3A_151 = arith.constant 0 : i32
      %dma_start3A_152 = tpu.memref_slice %arg10[%dma_start3A_150, %dma_start3A_151] : memref<10016x128xf32, #tpu.memory_space<vmem_shared>> -> memref<10016x128xf32, #tpu.memory_space<vmem_shared>>
      tpu.enqueue_indirect_dma source(%arg16 : memref<128x128xf32, #tpu.memory_space<vmem>>) target(%dma_start3A_152 : memref<10016x128xf32, #tpu.memory_space<vmem_shared>>) offsets(%arg14 : memref<128xi32, #tpu.memory_space<vmem>>) semaphore(%arg20 : memref<!tpu.dma_semaphore, #tpu.memory_space<semaphore_mem>>) {add = true}
      %dma_start3A_153 = arith.constant 0 : i32
      %dma_start3A_154 = arith.constant 0 : i32
      %dma_start3A_155 = tpu.memref_slice %arg25[%dma_start3A_153, %dma_start3A_154] : memref<10016x16xf32, #tpu.memory_space<vmem_shared>> -> memref<10016x16xf32, #tpu.memory_space<vmem_shared>>
      tpu.enqueue_indirect_dma source(%arg26 : memref<128x16xf32, #tpu.memory_space<vmem>>) target(%dma_start3A_155 : memref<10016x16xf32, #tpu.memory_space<vmem_shared>>) offsets(%arg14 : memref<128xi32, #tpu.memory_space<vmem>>) semaphore(%arg28 : memref<!tpu.dma_semaphore, #tpu.memory_space<semaphore_mem>>) {add = true}
      %add3A_156 = arith.constant 2 : i32
      %add3A_157 = arith.addi %add3A_135, %add3A_156 : i32
      %mul3A_158 = arith.constant 32 : i32
      %mul3A_159 = arith.muli %mul3A_158, %add3A_157 : i32
      %add3A_160 = arith.addi %add3A, %mul3A_159 : i32
      %min3A_161 = arith.constant 4999 : i32
      %min3A_162 = arith.minsi %add3A_160, %min3A_161 : i32
      %dma_start3A_163 = arith.constant 0 : i32
      %dma_start3A_164 = tpu.memref_slice %arg3[%min3A_162, %dma_start3A_163] : memref<5000x128xi32, #tpu.memory_space<hbm>> -> memref<1x128xi32, #tpu.memory_space<hbm>>
      %dma_start3A_165 = tpu.memref_squeeze %dma_start3A_164 : memref<1x128xi32, #tpu.memory_space<hbm>> -> memref<128xi32, #tpu.memory_space<hbm>>
      %dma_start3A_166 = arith.constant 0 : i32
      %dma_start3A_167 = tpu.memref_slice %arg3[%min3A_162, %dma_start3A_166] : memref<5000x128xi32, #tpu.memory_space<hbm>> -> memref<1x128xi32, #tpu.memory_space<hbm>>
      %dma_start3A_168 = tpu.memref_squeeze %dma_start3A_167 : memref<1x128xi32, #tpu.memory_space<hbm>> -> memref<128xi32, #tpu.memory_space<hbm>>
      tpu.enqueue_dma source(%dma_start3A_168 : memref<128xi32, #tpu.memory_space<hbm>>) target(%arg12 : memref<128xi32, #tpu.memory_space<vmem>>) target_semaphore(%arg22 : memref<!tpu.dma_semaphore, #tpu.memory_space<semaphore_mem>>)
      %dma_wait3A_169 = arith.constant 0 : i32
      %dma_wait3A_170 = arith.constant 0 : i32
      %dma_wait3A_171 = tpu.memref_slice %arg10[%dma_wait3A_169, %dma_wait3A_170] : memref<10016x128xf32, #tpu.memory_space<vmem_shared>> -> memref<10016x128xf32, #tpu.memory_space<vmem_shared>>
      tpu.wait_indirect_dma semaphore(%arg19 : memref<!tpu.dma_semaphore, #tpu.memory_space<semaphore_mem>>) src(%arg15 : memref<128x128xf32, #tpu.memory_space<vmem>>) dst(%dma_wait3A_171 : memref<10016x128xf32, #tpu.memory_space<vmem_shared>>)
      %dma_wait3A_172 = arith.constant 0 : i32
      %dma_wait3A_173 = arith.constant 0 : i32
      %dma_wait3A_174 = tpu.memref_slice %arg25[%dma_wait3A_172, %dma_wait3A_173] : memref<10016x16xf32, #tpu.memory_space<vmem_shared>> -> memref<10016x16xf32, #tpu.memory_space<vmem_shared>>
      tpu.wait_indirect_dma semaphore(%arg27 : memref<!tpu.dma_semaphore, #tpu.memory_space<semaphore_mem>>) src(%arg26 : memref<128x16xf32, #tpu.memory_space<vmem>>) dst(%dma_wait3A_174 : memref<10016x16xf32, #tpu.memory_space<vmem_shared>>)
      %add3A_175 = arith.constant 1 : i32
      %add3A_176 = arith.addi %add3A_135, %add3A_175 : i32
      %mul3A_177 = arith.constant 32 : i32
      %mul3A_178 = arith.muli %mul3A_177, %add3A_176 : i32
      %add3A_179 = arith.addi %add3A, %mul3A_178 : i32
      %min3A_180 = arith.constant 4999 : i32
      %min3A_181 = arith.minsi %add3A_179, %min3A_180 : i32
      %dma_start3A_182 = arith.constant 0 : i32
      %dma_start3A_183 = tpu.memref_slice %arg4[%min3A_181, %dma_start3A_182] : memref<5000x128xi32, #tpu.memory_space<hbm>> -> memref<1x128xi32, #tpu.memory_space<hbm>>
      %dma_start3A_184 = tpu.memref_squeeze %dma_start3A_183 : memref<1x128xi32, #tpu.memory_space<hbm>> -> memref<128xi32, #tpu.memory_space<hbm>>
      %dma_start3A_185 = arith.constant 0 : i32
      %dma_start3A_186 = tpu.memref_slice %arg4[%min3A_181, %dma_start3A_185] : memref<5000x128xi32, #tpu.memory_space<hbm>> -> memref<1x128xi32, #tpu.memory_space<hbm>>
      %dma_start3A_187 = tpu.memref_squeeze %dma_start3A_186 : memref<1x128xi32, #tpu.memory_space<hbm>> -> memref<128xi32, #tpu.memory_space<hbm>>
      tpu.enqueue_dma source(%dma_start3A_187 : memref<128xi32, #tpu.memory_space<hbm>>) target(%arg13 : memref<128xi32, #tpu.memory_space<vmem>>) target_semaphore(%arg23 : memref<!tpu.dma_semaphore, #tpu.memory_space<semaphore_mem>>)
      %add3A_188 = arith.constant 1 : i32
      %add3A_189 = arith.addi %add3A_135, %add3A_188 : i32
      %mul3A_190 = arith.constant 32 : i32
      %mul3A_191 = arith.muli %mul3A_190, %add3A_189 : i32
      %add3A_192 = arith.addi %add3A, %mul3A_191 : i32
      %min3A_193 = arith.constant 4999 : i32
      %min3A_194 = arith.minsi %add3A_192, %min3A_193 : i32
      %dma_wait3A_195 = arith.constant 0 : i32
      %dma_wait3A_196 = tpu.memref_slice %arg3[%min3A_194, %dma_wait3A_195] : memref<5000x128xi32, #tpu.memory_space<hbm>> -> memref<1x128xi32, #tpu.memory_space<hbm>>
      %dma_wait3A_197 = tpu.memref_squeeze %dma_wait3A_196 : memref<1x128xi32, #tpu.memory_space<hbm>> -> memref<128xi32, #tpu.memory_space<hbm>>
      %dma_wait3A_198 = arith.constant 0 : i32
      %dma_wait3A_199 = tpu.memref_slice %arg3[%min3A_194, %dma_wait3A_198] : memref<5000x128xi32, #tpu.memory_space<hbm>> -> memref<1x128xi32, #tpu.memory_space<hbm>>
      %dma_wait3A_200 = tpu.memref_squeeze %dma_wait3A_199 : memref<1x128xi32, #tpu.memory_space<hbm>> -> memref<128xi32, #tpu.memory_space<hbm>>
      tpu.wait_dma2 semaphore(%arg21 : memref<!tpu.dma_semaphore, #tpu.memory_space<semaphore_mem>>) src(%dma_wait3A_200 : memref<128xi32, #tpu.memory_space<hbm>>) dst(%arg11 : memref<128xi32, #tpu.memory_space<vmem>>)
      %dma_start3A_201 = arith.constant 0 : i32
      %dma_start3A_202 = arith.constant 0 : i32
      %dma_start3A_203 = tpu.memref_slice %arg2[%dma_start3A_201, %dma_start3A_202] : memref<10000x128xf32, #tpu.memory_space<hbm>> -> memref<10000x128xf32, #tpu.memory_space<hbm>>
      tpu.enqueue_indirect_dma source(%dma_start3A_203 : memref<10000x128xf32, #tpu.memory_space<hbm>>) target(%arg15 : memref<128x128xf32, #tpu.memory_space<vmem>>) offsets(%arg11 : memref<128xi32, #tpu.memory_space<vmem>>) semaphore(%arg17 : memref<!tpu.dma_semaphore, #tpu.memory_space<semaphore_mem>>)
      %mul3A_204 = arith.constant 2 : i32
      %mul3A_205 = arith.muli %mul3A_204, %scan3A_131 : i32
      %add3A_206 = arith.constant 2 : i32
      %add3A_207 = arith.addi %mul3A_205, %add3A_206 : i32
      %dma_wait3A_208 = arith.constant 0 : i32
      %dma_wait3A_209 = arith.constant 0 : i32
      %dma_wait3A_210 = tpu.memref_slice %arg2[%dma_wait3A_208, %dma_wait3A_209] : memref<10000x128xf32, #tpu.memory_space<hbm>> -> memref<10000x128xf32, #tpu.memory_space<hbm>>
      tpu.wait_indirect_dma semaphore(%arg17 : memref<!tpu.dma_semaphore, #tpu.memory_space<semaphore_mem>>) src(%dma_wait3A_210 : memref<10000x128xf32, #tpu.memory_space<hbm>>) dst(%arg15 : memref<128x128xf32, #tpu.memory_space<vmem>>)
      %mul3A_211 = arith.constant 32 : i32
      %mul3A_212 = arith.muli %mul3A_211, %add3A_207 : i32
      %add3A_213 = arith.addi %add3A, %mul3A_212 : i32
      %min3A_214 = arith.constant 4999 : i32
      %min3A_215 = arith.minsi %add3A_213, %min3A_214 : i32
      %dma_wait3A_216 = arith.constant 0 : i32
      %dma_wait3A_217 = tpu.memref_slice %arg4[%min3A_215, %dma_wait3A_216] : memref<5000x128xi32, #tpu.memory_space<hbm>> -> memref<1x128xi32, #tpu.memory_space<hbm>>
      %dma_wait3A_218 = tpu.memref_squeeze %dma_wait3A_217 : memref<1x128xi32, #tpu.memory_space<hbm>> -> memref<128xi32, #tpu.memory_space<hbm>>
      %dma_wait3A_219 = arith.constant 0 : i32
      %dma_wait3A_220 = tpu.memref_slice %arg4[%min3A_215, %dma_wait3A_219] : memref<5000x128xi32, #tpu.memory_space<hbm>> -> memref<1x128xi32, #tpu.memory_space<hbm>>
      %dma_wait3A_221 = tpu.memref_squeeze %dma_wait3A_220 : memref<1x128xi32, #tpu.memory_space<hbm>> -> memref<128xi32, #tpu.memory_space<hbm>>
      tpu.wait_dma2 semaphore(%arg23 : memref<!tpu.dma_semaphore, #tpu.memory_space<semaphore_mem>>) src(%dma_wait3A_221 : memref<128xi32, #tpu.memory_space<hbm>>) dst(%arg13 : memref<128xi32, #tpu.memory_space<vmem>>)
      %dma_start3A_222 = arith.constant 0 : i32
      %dma_start3A_223 = arith.constant 0 : i32
      %dma_start3A_224 = tpu.memref_slice %arg10[%dma_start3A_222, %dma_start3A_223] : memref<10016x128xf32, #tpu.memory_space<vmem_shared>> -> memref<10016x128xf32, #tpu.memory_space<vmem_shared>>
      tpu.enqueue_indirect_dma source(%arg15 : memref<128x128xf32, #tpu.memory_space<vmem>>) target(%dma_start3A_224 : memref<10016x128xf32, #tpu.memory_space<vmem_shared>>) offsets(%arg13 : memref<128xi32, #tpu.memory_space<vmem>>) semaphore(%arg19 : memref<!tpu.dma_semaphore, #tpu.memory_space<semaphore_mem>>) {add = true}
      %dma_start3A_225 = arith.constant 0 : i32
      %dma_start3A_226 = arith.constant 0 : i32
      %dma_start3A_227 = tpu.memref_slice %arg25[%dma_start3A_225, %dma_start3A_226] : memref<10016x16xf32, #tpu.memory_space<vmem_shared>> -> memref<10016x16xf32, #tpu.memory_space<vmem_shared>>
      tpu.enqueue_indirect_dma source(%arg26 : memref<128x16xf32, #tpu.memory_space<vmem>>) target(%dma_start3A_227 : memref<10016x16xf32, #tpu.memory_space<vmem_shared>>) offsets(%arg13 : memref<128xi32, #tpu.memory_space<vmem>>) semaphore(%arg27 : memref<!tpu.dma_semaphore, #tpu.memory_space<semaphore_mem>>) {add = true}
      %add3A_228 = arith.constant 2 : i32
      %add3A_229 = arith.addi %add3A_207, %add3A_228 : i32
      %mul3A_230 = arith.constant 32 : i32
      %mul3A_231 = arith.muli %mul3A_230, %add3A_229 : i32
      %add3A_232 = arith.addi %add3A, %mul3A_231 : i32
      %min3A_233 = arith.constant 4999 : i32
      %min3A_234 = arith.minsi %add3A_232, %min3A_233 : i32
      %dma_start3A_235 = arith.constant 0 : i32
      %dma_start3A_236 = tpu.memref_slice %arg3[%min3A_234, %dma_start3A_235] : memref<5000x128xi32, #tpu.memory_space<hbm>> -> memref<1x128xi32, #tpu.memory_space<hbm>>
      %dma_start3A_237 = tpu.memref_squeeze %dma_start3A_236 : memref<1x128xi32, #tpu.memory_space<hbm>> -> memref<128xi32, #tpu.memory_space<hbm>>
      %dma_start3A_238 = arith.constant 0 : i32
      %dma_start3A_239 = tpu.memref_slice %arg3[%min3A_234, %dma_start3A_238] : memref<5000x128xi32, #tpu.memory_space<hbm>> -> memref<1x128xi32, #tpu.memory_space<hbm>>
      %dma_start3A_240 = tpu.memref_squeeze %dma_start3A_239 : memref<1x128xi32, #tpu.memory_space<hbm>> -> memref<128xi32, #tpu.memory_space<hbm>>
      tpu.enqueue_dma source(%dma_start3A_240 : memref<128xi32, #tpu.memory_space<hbm>>) target(%arg11 : memref<128xi32, #tpu.memory_space<vmem>>) target_semaphore(%arg21 : memref<!tpu.dma_semaphore, #tpu.memory_space<semaphore_mem>>)
      %dma_wait3A_241 = arith.constant 0 : i32
      %dma_wait3A_242 = arith.constant 0 : i32
      %dma_wait3A_243 = tpu.memref_slice %arg10[%dma_wait3A_241, %dma_wait3A_242] : memref<10016x128xf32, #tpu.memory_space<vmem_shared>> -> memref<10016x128xf32, #tpu.memory_space<vmem_shared>>
      tpu.wait_indirect_dma semaphore(%arg20 : memref<!tpu.dma_semaphore, #tpu.memory_space<semaphore_mem>>) src(%arg16 : memref<128x128xf32, #tpu.memory_space<vmem>>) dst(%dma_wait3A_243 : memref<10016x128xf32, #tpu.memory_space<vmem_shared>>)
      %dma_wait3A_244 = arith.constant 0 : i32
      %dma_wait3A_245 = arith.constant 0 : i32
      %dma_wait3A_246 = tpu.memref_slice %arg25[%dma_wait3A_244, %dma_wait3A_245] : memref<10016x16xf32, #tpu.memory_space<vmem_shared>> -> memref<10016x16xf32, #tpu.memory_space<vmem_shared>>
      tpu.wait_indirect_dma semaphore(%arg28 : memref<!tpu.dma_semaphore, #tpu.memory_space<semaphore_mem>>) src(%arg26 : memref<128x16xf32, #tpu.memory_space<vmem>>) dst(%dma_wait3A_246 : memref<10016x16xf32, #tpu.memory_space<vmem_shared>>)
      %add3A_247 = arith.constant 1 : i32
      %add3A_248 = arith.addi %add3A_207, %add3A_247 : i32
      %mul3A_249 = arith.constant 32 : i32
      %mul3A_250 = arith.muli %mul3A_249, %add3A_248 : i32
      %add3A_251 = arith.addi %add3A, %mul3A_250 : i32
      %min3A_252 = arith.constant 4999 : i32
      %min3A_253 = arith.minsi %add3A_251, %min3A_252 : i32
      %dma_start3A_254 = arith.constant 0 : i32
      %dma_start3A_255 = tpu.memref_slice %arg4[%min3A_253, %dma_start3A_254] : memref<5000x128xi32, #tpu.memory_space<hbm>> -> memref<1x128xi32, #tpu.memory_space<hbm>>
      %dma_start3A_256 = tpu.memref_squeeze %dma_start3A_255 : memref<1x128xi32, #tpu.memory_space<hbm>> -> memref<128xi32, #tpu.memory_space<hbm>>
      %dma_start3A_257 = arith.constant 0 : i32
      %dma_start3A_258 = tpu.memref_slice %arg4[%min3A_253, %dma_start3A_257] : memref<5000x128xi32, #tpu.memory_space<hbm>> -> memref<1x128xi32, #tpu.memory_space<hbm>>
      %dma_start3A_259 = tpu.memref_squeeze %dma_start3A_258 : memref<1x128xi32, #tpu.memory_space<hbm>> -> memref<128xi32, #tpu.memory_space<hbm>>
      tpu.enqueue_dma source(%dma_start3A_259 : memref<128xi32, #tpu.memory_space<hbm>>) target(%arg14 : memref<128xi32, #tpu.memory_space<vmem>>) target_semaphore(%arg24 : memref<!tpu.dma_semaphore, #tpu.memory_space<semaphore_mem>>)
      %add3A_260 = arith.constant 1 : i32
      %add3A_261 = arith.addi %add3A_207, %add3A_260 : i32
      %mul3A_262 = arith.constant 32 : i32
      %mul3A_263 = arith.muli %mul3A_262, %add3A_261 : i32
      %add3A_264 = arith.addi %add3A, %mul3A_263 : i32
      %min3A_265 = arith.constant 4999 : i32
      %min3A_266 = arith.minsi %add3A_264, %min3A_265 : i32
      %dma_wait3A_267 = arith.constant 0 : i32
      %dma_wait3A_268 = tpu.memref_slice %arg3[%min3A_266, %dma_wait3A_267] : memref<5000x128xi32, #tpu.memory_space<hbm>> -> memref<1x128xi32, #tpu.memory_space<hbm>>
      %dma_wait3A_269 = tpu.memref_squeeze %dma_wait3A_268 : memref<1x128xi32, #tpu.memory_space<hbm>> -> memref<128xi32, #tpu.memory_space<hbm>>
      %dma_wait3A_270 = arith.constant 0 : i32
      %dma_wait3A_271 = tpu.memref_slice %arg3[%min3A_266, %dma_wait3A_270] : memref<5000x128xi32, #tpu.memory_space<hbm>> -> memref<1x128xi32, #tpu.memory_space<hbm>>
      %dma_wait3A_272 = tpu.memref_squeeze %dma_wait3A_271 : memref<1x128xi32, #tpu.memory_space<hbm>> -> memref<128xi32, #tpu.memory_space<hbm>>
      tpu.wait_dma2 semaphore(%arg22 : memref<!tpu.dma_semaphore, #tpu.memory_space<semaphore_mem>>) src(%dma_wait3A_272 : memref<128xi32, #tpu.memory_space<hbm>>) dst(%arg12 : memref<128xi32, #tpu.memory_space<vmem>>)
      %dma_start3A_273 = arith.constant 0 : i32
      %dma_start3A_274 = arith.constant 0 : i32
      %dma_start3A_275 = tpu.memref_slice %arg2[%dma_start3A_273, %dma_start3A_274] : memref<10000x128xf32, #tpu.memory_space<hbm>> -> memref<10000x128xf32, #tpu.memory_space<hbm>>
      tpu.enqueue_indirect_dma source(%dma_start3A_275 : memref<10000x128xf32, #tpu.memory_space<hbm>>) target(%arg16 : memref<128x128xf32, #tpu.memory_space<vmem>>) offsets(%arg12 : memref<128xi32, #tpu.memory_space<vmem>>) semaphore(%arg18 : memref<!tpu.dma_semaphore, #tpu.memory_space<semaphore_mem>>)
    }
    %scan3A_61 = arith.constant 77 : i32
    %dma_wait3A_62 = arith.constant 0 : i32
    %dma_wait3A_63 = arith.constant 0 : i32
    %dma_wait3A_64 = tpu.memref_slice %arg2[%dma_wait3A_62, %dma_wait3A_63] : memref<10000x128xf32, #tpu.memory_space<hbm>> -> memref<10000x128xf32, #tpu.memory_space<hbm>>
    tpu.wait_indirect_dma semaphore(%arg18 : memref<!tpu.dma_semaphore, #tpu.memory_space<semaphore_mem>>) src(%dma_wait3A_64 : memref<10000x128xf32, #tpu.memory_space<hbm>>) dst(%arg16 : memref<128x128xf32, #tpu.memory_space<vmem>>)
    %add3A_65 = arith.constant 4960 : i32
    %add3A_66 = arith.addi %add3A, %add3A_65 : i32
    %min3A_67 = arith.constant 4999 : i32
    %min3A_68 = arith.minsi %add3A_66, %min3A_67 : i32
    %dma_wait3A_69 = arith.constant 0 : i32
    %dma_wait3A_70 = tpu.memref_slice %arg4[%min3A_68, %dma_wait3A_69] : memref<5000x128xi32, #tpu.memory_space<hbm>> -> memref<1x128xi32, #tpu.memory_space<hbm>>
    %dma_wait3A_71 = tpu.memref_squeeze %dma_wait3A_70 : memref<1x128xi32, #tpu.memory_space<hbm>> -> memref<128xi32, #tpu.memory_space<hbm>>
    %dma_wait3A_72 = arith.constant 0 : i32
    %dma_wait3A_73 = tpu.memref_slice %arg4[%min3A_68, %dma_wait3A_72] : memref<5000x128xi32, #tpu.memory_space<hbm>> -> memref<1x128xi32, #tpu.memory_space<hbm>>
    %dma_wait3A_74 = tpu.memref_squeeze %dma_wait3A_73 : memref<1x128xi32, #tpu.memory_space<hbm>> -> memref<128xi32, #tpu.memory_space<hbm>>
    tpu.wait_dma2 semaphore(%arg24 : memref<!tpu.dma_semaphore, #tpu.memory_space<semaphore_mem>>) src(%dma_wait3A_74 : memref<128xi32, #tpu.memory_space<hbm>>) dst(%arg14 : memref<128xi32, #tpu.memory_space<vmem>>)
    %dma_start3A_75 = arith.constant 0 : i32
    %dma_start3A_76 = arith.constant 0 : i32
    %dma_start3A_77 = tpu.memref_slice %arg10[%dma_start3A_75, %dma_start3A_76] : memref<10016x128xf32, #tpu.memory_space<vmem_shared>> -> memref<10016x128xf32, #tpu.memory_space<vmem_shared>>
    tpu.enqueue_indirect_dma source(%arg16 : memref<128x128xf32, #tpu.memory_space<vmem>>) target(%dma_start3A_77 : memref<10016x128xf32, #tpu.memory_space<vmem_shared>>) offsets(%arg14 : memref<128xi32, #tpu.memory_space<vmem>>) semaphore(%arg20 : memref<!tpu.dma_semaphore, #tpu.memory_space<semaphore_mem>>) {add = true}
    %dma_start3A_78 = arith.constant 0 : i32
    %dma_start3A_79 = arith.constant 0 : i32
    %dma_start3A_80 = tpu.memref_slice %arg25[%dma_start3A_78, %dma_start3A_79] : memref<10016x16xf32, #tpu.memory_space<vmem_shared>> -> memref<10016x16xf32, #tpu.memory_space<vmem_shared>>
    tpu.enqueue_indirect_dma source(%arg26 : memref<128x16xf32, #tpu.memory_space<vmem>>) target(%dma_start3A_80 : memref<10016x16xf32, #tpu.memory_space<vmem_shared>>) offsets(%arg14 : memref<128xi32, #tpu.memory_space<vmem>>) semaphore(%arg28 : memref<!tpu.dma_semaphore, #tpu.memory_space<semaphore_mem>>) {add = true}
    %add3A_81 = arith.constant 5024 : i32
    %add3A_82 = arith.addi %add3A, %add3A_81 : i32
    %min3A_83 = arith.constant 4999 : i32
    %min3A_84 = arith.minsi %add3A_82, %min3A_83 : i32
    %dma_start3A_85 = arith.constant 0 : i32
    %dma_start3A_86 = tpu.memref_slice %arg3[%min3A_84, %dma_start3A_85] : memref<5000x128xi32, #tpu.memory_space<hbm>> -> memref<1x128xi32, #tpu.memory_space<hbm>>
    %dma_start3A_87 = tpu.memref_squeeze %dma_start3A_86 : memref<1x128xi32, #tpu.memory_space<hbm>> -> memref<128xi32, #tpu.memory_space<hbm>>
    %dma_start3A_88 = arith.constant 0 : i32
    %dma_start3A_89 = tpu.memref_slice %arg3[%min3A_84, %dma_start3A_88] : memref<5000x128xi32, #tpu.memory_space<hbm>> -> memref<1x128xi32, #tpu.memory_space<hbm>>
    %dma_start3A_90 = tpu.memref_squeeze %dma_start3A_89 : memref<1x128xi32, #tpu.memory_space<hbm>> -> memref<128xi32, #tpu.memory_space<hbm>>
    tpu.enqueue_dma source(%dma_start3A_90 : memref<128xi32, #tpu.memory_space<hbm>>) target(%arg12 : memref<128xi32, #tpu.memory_space<vmem>>) target_semaphore(%arg22 : memref<!tpu.dma_semaphore, #tpu.memory_space<semaphore_mem>>)
    %dma_wait3A_91 = arith.constant 0 : i32
    %dma_wait3A_92 = arith.constant 0 : i32
    %dma_wait3A_93 = tpu.memref_slice %arg10[%dma_wait3A_91, %dma_wait3A_92] : memref<10016x128xf32, #tpu.memory_space<vmem_shared>> -> memref<10016x128xf32, #tpu.memory_space<vmem_shared>>
    tpu.wait_indirect_dma semaphore(%arg19 : memref<!tpu.dma_semaphore, #tpu.memory_space<semaphore_mem>>) src(%arg15 : memref<128x128xf32, #tpu.memory_space<vmem>>) dst(%dma_wait3A_93 : memref<10016x128xf32, #tpu.memory_space<vmem_shared>>)
    %dma_wait3A_94 = arith.constant 0 : i32
    %dma_wait3A_95 = arith.constant 0 : i32
    %dma_wait3A_96 = tpu.memref_slice %arg25[%dma_wait3A_94, %dma_wait3A_95] : memref<10016x16xf32, #tpu.memory_space<vmem_shared>> -> memref<10016x16xf32, #tpu.memory_space<vmem_shared>>
    tpu.wait_indirect_dma semaphore(%arg27 : memref<!tpu.dma_semaphore, #tpu.memory_space<semaphore_mem>>) src(%arg26 : memref<128x16xf32, #tpu.memory_space<vmem>>) dst(%dma_wait3A_96 : memref<10016x16xf32, #tpu.memory_space<vmem_shared>>)
    %add3A_97 = arith.constant 4992 : i32
    %add3A_98 = arith.addi %add3A, %add3A_97 : i32
    %min3A_99 = arith.constant 4999 : i32
    %min3A_100 = arith.minsi %add3A_98, %min3A_99 : i32
    %dma_start3A_101 = arith.constant 0 : i32
    %dma_start3A_102 = tpu.memref_slice %arg4[%min3A_100, %dma_start3A_101] : memref<5000x128xi32, #tpu.memory_space<hbm>> -> memref<1x128xi32, #tpu.memory_space<hbm>>
    %dma_start3A_103 = tpu.memref_squeeze %dma_start3A_102 : memref<1x128xi32, #tpu.memory_space<hbm>> -> memref<128xi32, #tpu.memory_space<hbm>>
    %dma_start3A_104 = arith.constant 0 : i32
    %dma_start3A_105 = tpu.memref_slice %arg4[%min3A_100, %dma_start3A_104] : memref<5000x128xi32, #tpu.memory_space<hbm>> -> memref<1x128xi32, #tpu.memory_space<hbm>>
    %dma_start3A_106 = tpu.memref_squeeze %dma_start3A_105 : memref<1x128xi32, #tpu.memory_space<hbm>> -> memref<128xi32, #tpu.memory_space<hbm>>
    tpu.enqueue_dma source(%dma_start3A_106 : memref<128xi32, #tpu.memory_space<hbm>>) target(%arg13 : memref<128xi32, #tpu.memory_space<vmem>>) target_semaphore(%arg23 : memref<!tpu.dma_semaphore, #tpu.memory_space<semaphore_mem>>)
    %add3A_107 = arith.constant 4992 : i32
    %add3A_108 = arith.addi %add3A, %add3A_107 : i32
    %min3A_109 = arith.constant 4999 : i32
    %min3A_110 = arith.minsi %add3A_108, %min3A_109 : i32
    %dma_wait3A_111 = arith.constant 0 : i32
    %dma_wait3A_112 = tpu.memref_slice %arg3[%min3A_110, %dma_wait3A_111] : memref<5000x128xi32, #tpu.memory_space<hbm>> -> memref<1x128xi32, #tpu.memory_space<hbm>>
    %dma_wait3A_113 = tpu.memref_squeeze %dma_wait3A_112 : memref<1x128xi32, #tpu.memory_space<hbm>> -> memref<128xi32, #tpu.memory_space<hbm>>
    %dma_wait3A_114 = arith.constant 0 : i32
    %dma_wait3A_115 = tpu.memref_slice %arg3[%min3A_110, %dma_wait3A_114] : memref<5000x128xi32, #tpu.memory_space<hbm>> -> memref<1x128xi32, #tpu.memory_space<hbm>>
    %dma_wait3A_116 = tpu.memref_squeeze %dma_wait3A_115 : memref<1x128xi32, #tpu.memory_space<hbm>> -> memref<128xi32, #tpu.memory_space<hbm>>
    tpu.wait_dma2 semaphore(%arg21 : memref<!tpu.dma_semaphore, #tpu.memory_space<semaphore_mem>>) src(%dma_wait3A_116 : memref<128xi32, #tpu.memory_space<hbm>>) dst(%arg11 : memref<128xi32, #tpu.memory_space<vmem>>)
    %dma_start3A_117 = arith.constant 0 : i32
    %dma_start3A_118 = arith.constant 0 : i32
    %dma_start3A_119 = tpu.memref_slice %arg2[%dma_start3A_117, %dma_start3A_118] : memref<10000x128xf32, #tpu.memory_space<hbm>> -> memref<10000x128xf32, #tpu.memory_space<hbm>>
    tpu.enqueue_indirect_dma source(%dma_start3A_119 : memref<10000x128xf32, #tpu.memory_space<hbm>>) target(%arg15 : memref<128x128xf32, #tpu.memory_space<vmem>>) offsets(%arg11 : memref<128xi32, #tpu.memory_space<vmem>>) semaphore(%arg17 : memref<!tpu.dma_semaphore, #tpu.memory_space<semaphore_mem>>)
    %lt3A = arith.constant 8 : i32
    %lt3A_120 = arith.cmpi slt, %add3A, %lt3A : i32
    %convert_element_type3A = arith.extui %lt3A_120 : i1 to i32
    %cond3A = arith.constant 0 : i32
    %cond3A_121 = arith.cmpi ne, %convert_element_type3A, %cond3A : i32
    scf.if %cond3A_121 {
      %dma_wait3A_131 = arith.constant 0 : i32
      %dma_wait3A_132 = arith.constant 0 : i32
      %dma_wait3A_133 = tpu.memref_slice %arg2[%dma_wait3A_131, %dma_wait3A_132] : memref<10000x128xf32, #tpu.memory_space<hbm>> -> memref<10000x128xf32, #tpu.memory_space<hbm>>
      tpu.wait_indirect_dma semaphore(%arg17 : memref<!tpu.dma_semaphore, #tpu.memory_space<semaphore_mem>>) src(%dma_wait3A_133 : memref<10000x128xf32, #tpu.memory_space<hbm>>) dst(%arg15 : memref<128x128xf32, #tpu.memory_space<vmem>>)
      %add3A_134 = arith.constant 4992 : i32
      %add3A_135 = arith.addi %add3A, %add3A_134 : i32
      %min3A_136 = arith.constant 4999 : i32
      %min3A_137 = arith.minsi %add3A_135, %min3A_136 : i32
      %dma_wait3A_138 = arith.constant 0 : i32
      %dma_wait3A_139 = tpu.memref_slice %arg4[%min3A_137, %dma_wait3A_138] : memref<5000x128xi32, #tpu.memory_space<hbm>> -> memref<1x128xi32, #tpu.memory_space<hbm>>
      %dma_wait3A_140 = tpu.memref_squeeze %dma_wait3A_139 : memref<1x128xi32, #tpu.memory_space<hbm>> -> memref<128xi32, #tpu.memory_space<hbm>>
      %dma_wait3A_141 = arith.constant 0 : i32
      %dma_wait3A_142 = tpu.memref_slice %arg4[%min3A_137, %dma_wait3A_141] : memref<5000x128xi32, #tpu.memory_space<hbm>> -> memref<1x128xi32, #tpu.memory_space<hbm>>
      %dma_wait3A_143 = tpu.memref_squeeze %dma_wait3A_142 : memref<1x128xi32, #tpu.memory_space<hbm>> -> memref<128xi32, #tpu.memory_space<hbm>>
      tpu.wait_dma2 semaphore(%arg23 : memref<!tpu.dma_semaphore, #tpu.memory_space<semaphore_mem>>) src(%dma_wait3A_143 : memref<128xi32, #tpu.memory_space<hbm>>) dst(%arg13 : memref<128xi32, #tpu.memory_space<vmem>>)
      %dma_start3A_144 = arith.constant 0 : i32
      %dma_start3A_145 = arith.constant 0 : i32
      %dma_start3A_146 = tpu.memref_slice %arg10[%dma_start3A_144, %dma_start3A_145] : memref<10016x128xf32, #tpu.memory_space<vmem_shared>> -> memref<10016x128xf32, #tpu.memory_space<vmem_shared>>
      tpu.enqueue_indirect_dma source(%arg15 : memref<128x128xf32, #tpu.memory_space<vmem>>) target(%dma_start3A_146 : memref<10016x128xf32, #tpu.memory_space<vmem_shared>>) offsets(%arg13 : memref<128xi32, #tpu.memory_space<vmem>>) semaphore(%arg19 : memref<!tpu.dma_semaphore, #tpu.memory_space<semaphore_mem>>) {add = true}
      %dma_start3A_147 = arith.constant 0 : i32
      %dma_start3A_148 = arith.constant 0 : i32
      %dma_start3A_149 = tpu.memref_slice %arg25[%dma_start3A_147, %dma_start3A_148] : memref<10016x16xf32, #tpu.memory_space<vmem_shared>> -> memref<10016x16xf32, #tpu.memory_space<vmem_shared>>
      tpu.enqueue_indirect_dma source(%arg26 : memref<128x16xf32, #tpu.memory_space<vmem>>) target(%dma_start3A_149 : memref<10016x16xf32, #tpu.memory_space<vmem_shared>>) offsets(%arg13 : memref<128xi32, #tpu.memory_space<vmem>>) semaphore(%arg27 : memref<!tpu.dma_semaphore, #tpu.memory_space<semaphore_mem>>) {add = true}
      %dma_wait3A_150 = arith.constant 0 : i32
      %dma_wait3A_151 = arith.constant 0 : i32
      %dma_wait3A_152 = tpu.memref_slice %arg10[%dma_wait3A_150, %dma_wait3A_151] : memref<10016x128xf32, #tpu.memory_space<vmem_shared>> -> memref<10016x128xf32, #tpu.memory_space<vmem_shared>>
      tpu.wait_indirect_dma semaphore(%arg20 : memref<!tpu.dma_semaphore, #tpu.memory_space<semaphore_mem>>) src(%arg16 : memref<128x128xf32, #tpu.memory_space<vmem>>) dst(%dma_wait3A_152 : memref<10016x128xf32, #tpu.memory_space<vmem_shared>>)
      %add3A_153 = arith.constant 5024 : i32
      %add3A_154 = arith.addi %add3A, %add3A_153 : i32
      %min3A_155 = arith.constant 4999 : i32
      %min3A_156 = arith.minsi %add3A_154, %min3A_155 : i32
      %dma_wait3A_157 = arith.constant 0 : i32
      %dma_wait3A_158 = tpu.memref_slice %arg3[%min3A_156, %dma_wait3A_157] : memref<5000x128xi32, #tpu.memory_space<hbm>> -> memref<1x128xi32, #tpu.memory_space<hbm>>
      %dma_wait3A_159 = tpu.memref_squeeze %dma_wait3A_158 : memref<1x128xi32, #tpu.memory_space<hbm>> -> memref<128xi32, #tpu.memory_space<hbm>>
      %dma_wait3A_160 = arith.constant 0 : i32
      %dma_wait3A_161 = tpu.memref_slice %arg3[%min3A_156, %dma_wait3A_160] : memref<5000x128xi32, #tpu.memory_space<hbm>> -> memref<1x128xi32, #tpu.memory_space<hbm>>
      %dma_wait3A_162 = tpu.memref_squeeze %dma_wait3A_161 : memref<1x128xi32, #tpu.memory_space<hbm>> -> memref<128xi32, #tpu.memory_space<hbm>>
      tpu.wait_dma2 semaphore(%arg22 : memref<!tpu.dma_semaphore, #tpu.memory_space<semaphore_mem>>) src(%dma_wait3A_162 : memref<128xi32, #tpu.memory_space<hbm>>) dst(%arg12 : memref<128xi32, #tpu.memory_space<vmem>>)
      %dma_wait3A_163 = arith.constant 0 : i32
      %dma_wait3A_164 = arith.constant 0 : i32
      %dma_wait3A_165 = tpu.memref_slice %arg10[%dma_wait3A_163, %dma_wait3A_164] : memref<10016x128xf32, #tpu.memory_space<vmem_shared>> -> memref<10016x128xf32, #tpu.memory_space<vmem_shared>>
      tpu.wait_indirect_dma semaphore(%arg19 : memref<!tpu.dma_semaphore, #tpu.memory_space<semaphore_mem>>) src(%arg15 : memref<128x128xf32, #tpu.memory_space<vmem>>) dst(%dma_wait3A_165 : memref<10016x128xf32, #tpu.memory_space<vmem_shared>>)
      %dma_wait3A_166 = arith.constant 0 : i32
      %dma_wait3A_167 = arith.constant 0 : i32
      %dma_wait3A_168 = tpu.memref_slice %arg25[%dma_wait3A_166, %dma_wait3A_167] : memref<10016x16xf32, #tpu.memory_space<vmem_shared>> -> memref<10016x16xf32, #tpu.memory_space<vmem_shared>>
      tpu.wait_indirect_dma semaphore(%arg28 : memref<!tpu.dma_semaphore, #tpu.memory_space<semaphore_mem>>) src(%arg26 : memref<128x16xf32, #tpu.memory_space<vmem>>) dst(%dma_wait3A_168 : memref<10016x16xf32, #tpu.memory_space<vmem_shared>>)
      %dma_wait3A_169 = arith.constant 0 : i32
      %dma_wait3A_170 = arith.constant 0 : i32
      %dma_wait3A_171 = tpu.memref_slice %arg25[%dma_wait3A_169, %dma_wait3A_170] : memref<10016x16xf32, #tpu.memory_space<vmem_shared>> -> memref<10016x16xf32, #tpu.memory_space<vmem_shared>>
      tpu.wait_indirect_dma semaphore(%arg27 : memref<!tpu.dma_semaphore, #tpu.memory_space<semaphore_mem>>) src(%arg26 : memref<128x16xf32, #tpu.memory_space<vmem>>) dst(%dma_wait3A_171 : memref<10016x16xf32, #tpu.memory_space<vmem_shared>>)
    } else {
    }
    %ge3A = arith.constant 8 : i32
    %ge3A_122 = arith.cmpi sge, %add3A, %ge3A : i32
    %convert_element_type3A_123 = arith.extui %ge3A_122 : i1 to i32
    %cond3A_124 = arith.constant 0 : i32
    %cond3A_125 = arith.cmpi ne, %convert_element_type3A_123, %cond3A_124 : i32
    scf.if %cond3A_125 {
      %dma_wait3A_131 = arith.constant 0 : i32
      %dma_wait3A_132 = arith.constant 0 : i32
      %dma_wait3A_133 = tpu.memref_slice %arg2[%dma_wait3A_131, %dma_wait3A_132] : memref<10000x128xf32, #tpu.memory_space<hbm>> -> memref<10000x128xf32, #tpu.memory_space<hbm>>
      tpu.wait_indirect_dma semaphore(%arg17 : memref<!tpu.dma_semaphore, #tpu.memory_space<semaphore_mem>>) src(%dma_wait3A_133 : memref<10000x128xf32, #tpu.memory_space<hbm>>) dst(%arg15 : memref<128x128xf32, #tpu.memory_space<vmem>>)
      %add3A_134 = arith.constant 4992 : i32
      %add3A_135 = arith.addi %add3A, %add3A_134 : i32
      %min3A_136 = arith.constant 4999 : i32
      %min3A_137 = arith.minsi %add3A_135, %min3A_136 : i32
      %dma_wait3A_138 = arith.constant 0 : i32
      %dma_wait3A_139 = tpu.memref_slice %arg4[%min3A_137, %dma_wait3A_138] : memref<5000x128xi32, #tpu.memory_space<hbm>> -> memref<1x128xi32, #tpu.memory_space<hbm>>
      %dma_wait3A_140 = tpu.memref_squeeze %dma_wait3A_139 : memref<1x128xi32, #tpu.memory_space<hbm>> -> memref<128xi32, #tpu.memory_space<hbm>>
      %dma_wait3A_141 = arith.constant 0 : i32
      %dma_wait3A_142 = tpu.memref_slice %arg4[%min3A_137, %dma_wait3A_141] : memref<5000x128xi32, #tpu.memory_space<hbm>> -> memref<1x128xi32, #tpu.memory_space<hbm>>
      %dma_wait3A_143 = tpu.memref_squeeze %dma_wait3A_142 : memref<1x128xi32, #tpu.memory_space<hbm>> -> memref<128xi32, #tpu.memory_space<hbm>>
      tpu.wait_dma2 semaphore(%arg23 : memref<!tpu.dma_semaphore, #tpu.memory_space<semaphore_mem>>) src(%dma_wait3A_143 : memref<128xi32, #tpu.memory_space<hbm>>) dst(%arg13 : memref<128xi32, #tpu.memory_space<vmem>>)
      %dma_wait3A_144 = arith.constant 0 : i32
      %dma_wait3A_145 = arith.constant 0 : i32
      %dma_wait3A_146 = tpu.memref_slice %arg10[%dma_wait3A_144, %dma_wait3A_145] : memref<10016x128xf32, #tpu.memory_space<vmem_shared>> -> memref<10016x128xf32, #tpu.memory_space<vmem_shared>>
      tpu.wait_indirect_dma semaphore(%arg20 : memref<!tpu.dma_semaphore, #tpu.memory_space<semaphore_mem>>) src(%arg16 : memref<128x128xf32, #tpu.memory_space<vmem>>) dst(%dma_wait3A_146 : memref<10016x128xf32, #tpu.memory_space<vmem_shared>>)
      %add3A_147 = arith.constant 5024 : i32
      %add3A_148 = arith.addi %add3A, %add3A_147 : i32
      %min3A_149 = arith.constant 4999 : i32
      %min3A_150 = arith.minsi %add3A_148, %min3A_149 : i32
      %dma_wait3A_151 = arith.constant 0 : i32
      %dma_wait3A_152 = tpu.memref_slice %arg3[%min3A_150, %dma_wait3A_151] : memref<5000x128xi32, #tpu.memory_space<hbm>> -> memref<1x128xi32, #tpu.memory_space<hbm>>
      %dma_wait3A_153 = tpu.memref_squeeze %dma_wait3A_152 : memref<1x128xi32, #tpu.memory_space<hbm>> -> memref<128xi32, #tpu.memory_space<hbm>>
      %dma_wait3A_154 = arith.constant 0 : i32
      %dma_wait3A_155 = tpu.memref_slice %arg3[%min3A_150, %dma_wait3A_154] : memref<5000x128xi32, #tpu.memory_space<hbm>> -> memref<1x128xi32, #tpu.memory_space<hbm>>
      %dma_wait3A_156 = tpu.memref_squeeze %dma_wait3A_155 : memref<1x128xi32, #tpu.memory_space<hbm>> -> memref<128xi32, #tpu.memory_space<hbm>>
      tpu.wait_dma2 semaphore(%arg22 : memref<!tpu.dma_semaphore, #tpu.memory_space<semaphore_mem>>) src(%dma_wait3A_156 : memref<128xi32, #tpu.memory_space<hbm>>) dst(%arg12 : memref<128xi32, #tpu.memory_space<vmem>>)
      %dma_wait3A_157 = arith.constant 0 : i32
      %dma_wait3A_158 = arith.constant 0 : i32
      %dma_wait3A_159 = tpu.memref_slice %arg25[%dma_wait3A_157, %dma_wait3A_158] : memref<10016x16xf32, #tpu.memory_space<vmem_shared>> -> memref<10016x16xf32, #tpu.memory_space<vmem_shared>>
      tpu.wait_indirect_dma semaphore(%arg28 : memref<!tpu.dma_semaphore, #tpu.memory_space<semaphore_mem>>) src(%arg26 : memref<128x16xf32, #tpu.memory_space<vmem>>) dst(%dma_wait3A_159 : memref<10016x16xf32, #tpu.memory_space<vmem_shared>>)
    } else {
    }
    %barrier3A_126 = arith.constant 0 : index
    tpu.barrier barrier_id(%barrier3A_126)
    %mul3A_127 = arith.constant 626 : i32
    %mul3A_128 = arith.muli %arg1, %mul3A_127 : i32
    "tpu.region"() ({
      %run_scoped3A = tpu.sem_alloc : memref<!tpu.dma_semaphore, #tpu.memory_space<semaphore_mem>>
      %dma_start3A_131 = arith.constant 0 : i32
      %dma_start3A_132 = arith.constant 0 : i32
      %dma_start3A_133 = tpu.memref_slice %arg8[%add3A, %dma_start3A_131, %dma_start3A_132] : memref<32x626x128xf32, #tpu.memory_space<hbm>> -> memref<1x626x128xf32, #tpu.memory_space<hbm>>
      %dma_start3A_134 = tpu.memref_squeeze %dma_start3A_133 : memref<1x626x128xf32, #tpu.memory_space<hbm>> -> memref<626x128xf32, #tpu.memory_space<hbm>>
      %dma_start3A_135 = arith.constant 0 : i32
      %dma_start3A_136 = tpu.memref_slice %arg10[%mul3A_128, %dma_start3A_135] : memref<10016x128xf32, #tpu.memory_space<vmem_shared>> -> memref<626x128xf32, #tpu.memory_space<vmem_shared>>
      tpu.enqueue_dma source(%dma_start3A_136 : memref<626x128xf32, #tpu.memory_space<vmem_shared>>) target(%dma_start3A_134 : memref<626x128xf32, #tpu.memory_space<hbm>>) target_semaphore(%run_scoped3A : memref<!tpu.dma_semaphore, #tpu.memory_space<semaphore_mem>>)
      %dma_wait3A_137 = arith.constant 0 : i32
      %dma_wait3A_138 = arith.constant 0 : i32
      %dma_wait3A_139 = tpu.memref_slice %arg8[%add3A, %dma_wait3A_137, %dma_wait3A_138] : memref<32x626x128xf32, #tpu.memory_space<hbm>> -> memref<1x626x128xf32, #tpu.memory_space<hbm>>
      %dma_wait3A_140 = tpu.memref_squeeze %dma_wait3A_139 : memref<1x626x128xf32, #tpu.memory_space<hbm>> -> memref<626x128xf32, #tpu.memory_space<hbm>>
      %dma_wait3A_141 = arith.constant 0 : i32
      %dma_wait3A_142 = tpu.memref_slice %arg10[%mul3A_128, %dma_wait3A_141] : memref<10016x128xf32, #tpu.memory_space<vmem_shared>> -> memref<626x128xf32, #tpu.memory_space<vmem_shared>>
      tpu.wait_dma2 semaphore(%run_scoped3A : memref<!tpu.dma_semaphore, #tpu.memory_space<semaphore_mem>>) src(%dma_wait3A_142 : memref<626x128xf32, #tpu.memory_space<vmem_shared>>) dst(%dma_wait3A_140 : memref<626x128xf32, #tpu.memory_space<hbm>>)
      tpu.yield
    }) : () -> ()
    %mul3A_129 = arith.constant 626 : i32
    %mul3A_130 = arith.muli %arg1, %mul3A_129 : i32
    "tpu.region"() ({
      %run_scoped3A = tpu.sem_alloc : memref<!tpu.dma_semaphore, #tpu.memory_space<semaphore_mem>>
      %dma_start3A_131 = arith.constant 0 : i32
      %dma_start3A_132 = arith.constant 0 : i32
      %dma_start3A_133 = tpu.memref_slice %arg9[%add3A, %dma_start3A_131, %dma_start3A_132] : memref<32x626x16xf32, #tpu.memory_space<hbm>> -> memref<1x626x16xf32, #tpu.memory_space<hbm>>
      %dma_start3A_134 = tpu.memref_squeeze %dma_start3A_133 : memref<1x626x16xf32, #tpu.memory_space<hbm>> -> memref<626x16xf32, #tpu.memory_space<hbm>>
      %dma_start3A_135 = arith.constant 0 : i32
      %dma_start3A_136 = tpu.memref_slice %arg25[%mul3A_130, %dma_start3A_135] : memref<10016x16xf32, #tpu.memory_space<vmem_shared>> -> memref<626x16xf32, #tpu.memory_space<vmem_shared>>
      tpu.enqueue_dma source(%dma_start3A_136 : memref<626x16xf32, #tpu.memory_space<vmem_shared>>) target(%dma_start3A_134 : memref<626x16xf32, #tpu.memory_space<hbm>>) target_semaphore(%run_scoped3A : memref<!tpu.dma_semaphore, #tpu.memory_space<semaphore_mem>>)
      %dma_wait3A_137 = arith.constant 0 : i32
      %dma_wait3A_138 = arith.constant 0 : i32
      %dma_wait3A_139 = tpu.memref_slice %arg9[%add3A, %dma_wait3A_137, %dma_wait3A_138] : memref<32x626x16xf32, #tpu.memory_space<hbm>> -> memref<1x626x16xf32, #tpu.memory_space<hbm>>
      %dma_wait3A_140 = tpu.memref_squeeze %dma_wait3A_139 : memref<1x626x16xf32, #tpu.memory_space<hbm>> -> memref<626x16xf32, #tpu.memory_space<hbm>>
      %dma_wait3A_141 = arith.constant 0 : i32
      %dma_wait3A_142 = tpu.memref_slice %arg25[%mul3A_130, %dma_wait3A_141] : memref<10016x16xf32, #tpu.memory_space<vmem_shared>> -> memref<626x16xf32, #tpu.memory_space<vmem_shared>>
      tpu.wait_dma2 semaphore(%run_scoped3A : memref<!tpu.dma_semaphore, #tpu.memory_space<semaphore_mem>>) src(%dma_wait3A_142 : memref<626x16xf32, #tpu.memory_space<vmem_shared>>) dst(%dma_wait3A_140 : memref<626x16xf32, #tpu.memory_space<hbm>>)
      tpu.yield
    }) : () -> ()
    return
  }
}

#map = affine_map<(d0, d1) -> (0, 0)>
#map1 = affine_map<(d0, d1) -> (0, 0, 0)>
module attributes {stable_mosaic.version = 14 : i64} {
  func.func @body(%arg0: i32, %arg1: i32, %arg2: memref<10000x128xf32, #tpu.memory_space<hbm>>, %arg3: memref<5000x128xi32, #tpu.memory_space<hbm>>, %arg4: memref<5000x128xi32, #tpu.memory_space<hbm>>, %arg5: memref<626x128xf32, #tpu.memory_space<hbm>>, %arg6: memref<626x16xf32, #tpu.memory_space<hbm>>, %arg7: memref<128x16xf32, #tpu.memory_space<hbm>>, %arg8: memref<32x626x128xf32, #tpu.memory_space<hbm>>, %arg9: memref<10016x128xf32, #tpu.memory_space<vmem_shared>>, %arg10: memref<128xi32, #tpu.memory_space<vmem>>, %arg11: memref<128xi32, #tpu.memory_space<vmem>>, %arg12: memref<128xi32, #tpu.memory_space<vmem>>, %arg13: memref<128xi32, #tpu.memory_space<vmem>>, %arg14: memref<128x128xf32, #tpu.memory_space<vmem>>, %arg15: memref<128x128xf32, #tpu.memory_space<vmem>>, %arg16: memref<!tpu.dma_semaphore, #tpu.memory_space<semaphore_mem>>, %arg17: memref<!tpu.dma_semaphore, #tpu.memory_space<semaphore_mem>>, %arg18: memref<!tpu.dma_semaphore, #tpu.memory_space<semaphore_mem>>, %arg19: memref<!tpu.dma_semaphore, #tpu.memory_space<semaphore_mem>>, %arg20: memref<!tpu.dma_semaphore, #tpu.memory_space<semaphore_mem>>, %arg21: memref<!tpu.dma_semaphore, #tpu.memory_space<semaphore_mem>>, %arg22: memref<!tpu.dma_semaphore, #tpu.memory_space<semaphore_mem>>, %arg23: memref<!tpu.dma_semaphore, #tpu.memory_space<semaphore_mem>>) attributes {dimension_semantics = [#tpu.dimension_semantics<core_parallel>, #tpu.dimension_semantics<subcore_parallel>], iteration_bounds = array<i64: 2, 16>, scalar_prefetch = 0 : i64, scratch_operands = 15 : i64, tpu.core_type = #tpu.core_type<sc_vector_subcore>, window_params = [{transform_indices = #map}, {transform_indices = #map}, {transform_indices = #map}, {transform_indices = #map}, {transform_indices = #map}, {transform_indices = #map}, {transform_indices = #map1}]} {
    %mul3A = arith.constant 16 : i32
    %mul3A_0 = arith.muli %arg0, %mul3A : i32
    %add3A = arith.addi %mul3A_0, %arg1 : i32
    %mul3A_1 = arith.constant 626 : i32
    %mul3A_2 = arith.muli %arg1, %mul3A_1 : i32
    "tpu.region"() ({
      %run_scoped3A = tpu.sem_alloc : memref<!tpu.dma_semaphore, #tpu.memory_space<semaphore_mem>>
      %dma_start3A_118 = arith.constant 0 : i32
      %dma_start3A_119 = tpu.memref_slice %arg9[%mul3A_2, %dma_start3A_118] : memref<10016x128xf32, #tpu.memory_space<vmem_shared>> -> memref<626x128xf32, #tpu.memory_space<vmem_shared>>
      tpu.enqueue_dma source(%arg5 : memref<626x128xf32, #tpu.memory_space<hbm>>) target(%dma_start3A_119 : memref<626x128xf32, #tpu.memory_space<vmem_shared>>) target_semaphore(%run_scoped3A : memref<!tpu.dma_semaphore, #tpu.memory_space<semaphore_mem>>)
      %dma_wait3A_120 = arith.constant 0 : i32
      %dma_wait3A_121 = tpu.memref_slice %arg9[%mul3A_2, %dma_wait3A_120] : memref<10016x128xf32, #tpu.memory_space<vmem_shared>> -> memref<626x128xf32, #tpu.memory_space<vmem_shared>>
      tpu.wait_dma2 semaphore(%run_scoped3A : memref<!tpu.dma_semaphore, #tpu.memory_space<semaphore_mem>>) src(%arg5 : memref<626x128xf32, #tpu.memory_space<hbm>>) dst(%dma_wait3A_121 : memref<626x128xf32, #tpu.memory_space<vmem_shared>>)
      tpu.yield
    }) : () -> ()
    %barrier3A = arith.constant 0 : index
    tpu.barrier barrier_id(%barrier3A)
    "tpu.region"() ({
      %run_scoped3A = tpu.sem_alloc : memref<!tpu.dma_semaphore, #tpu.memory_space<semaphore_mem>>
      %dma_start3A_118 = arith.constant 0 : i32
      %dma_start3A_119 = tpu.memref_slice %arg3[%add3A, %dma_start3A_118] : memref<5000x128xi32, #tpu.memory_space<hbm>> -> memref<1x128xi32, #tpu.memory_space<hbm>>
      %dma_start3A_120 = tpu.memref_squeeze %dma_start3A_119 : memref<1x128xi32, #tpu.memory_space<hbm>> -> memref<128xi32, #tpu.memory_space<hbm>>
      %dma_start3A_121 = arith.constant 0 : i32
      %dma_start3A_122 = tpu.memref_slice %arg3[%add3A, %dma_start3A_121] : memref<5000x128xi32, #tpu.memory_space<hbm>> -> memref<1x128xi32, #tpu.memory_space<hbm>>
      %dma_start3A_123 = tpu.memref_squeeze %dma_start3A_122 : memref<1x128xi32, #tpu.memory_space<hbm>> -> memref<128xi32, #tpu.memory_space<hbm>>
      tpu.enqueue_dma source(%dma_start3A_123 : memref<128xi32, #tpu.memory_space<hbm>>) target(%arg10 : memref<128xi32, #tpu.memory_space<vmem>>) target_semaphore(%run_scoped3A : memref<!tpu.dma_semaphore, #tpu.memory_space<semaphore_mem>>)
      %dma_wait3A_124 = arith.constant 0 : i32
      %dma_wait3A_125 = tpu.memref_slice %arg3[%add3A, %dma_wait3A_124] : memref<5000x128xi32, #tpu.memory_space<hbm>> -> memref<1x128xi32, #tpu.memory_space<hbm>>
      %dma_wait3A_126 = tpu.memref_squeeze %dma_wait3A_125 : memref<1x128xi32, #tpu.memory_space<hbm>> -> memref<128xi32, #tpu.memory_space<hbm>>
      %dma_wait3A_127 = arith.constant 0 : i32
      %dma_wait3A_128 = tpu.memref_slice %arg3[%add3A, %dma_wait3A_127] : memref<5000x128xi32, #tpu.memory_space<hbm>> -> memref<1x128xi32, #tpu.memory_space<hbm>>
      %dma_wait3A_129 = tpu.memref_squeeze %dma_wait3A_128 : memref<1x128xi32, #tpu.memory_space<hbm>> -> memref<128xi32, #tpu.memory_space<hbm>>
      tpu.wait_dma2 semaphore(%run_scoped3A : memref<!tpu.dma_semaphore, #tpu.memory_space<semaphore_mem>>) src(%dma_wait3A_129 : memref<128xi32, #tpu.memory_space<hbm>>) dst(%arg10 : memref<128xi32, #tpu.memory_space<vmem>>)
      tpu.yield
    }) : () -> ()
    "tpu.region"() ({
      %run_scoped3A = tpu.sem_alloc : memref<!tpu.dma_semaphore, #tpu.memory_space<semaphore_mem>>
      %dma_start3A_118 = arith.constant 0 : i32
      %dma_start3A_119 = tpu.memref_slice %arg4[%add3A, %dma_start3A_118] : memref<5000x128xi32, #tpu.memory_space<hbm>> -> memref<1x128xi32, #tpu.memory_space<hbm>>
      %dma_start3A_120 = tpu.memref_squeeze %dma_start3A_119 : memref<1x128xi32, #tpu.memory_space<hbm>> -> memref<128xi32, #tpu.memory_space<hbm>>
      %dma_start3A_121 = arith.constant 0 : i32
      %dma_start3A_122 = tpu.memref_slice %arg4[%add3A, %dma_start3A_121] : memref<5000x128xi32, #tpu.memory_space<hbm>> -> memref<1x128xi32, #tpu.memory_space<hbm>>
      %dma_start3A_123 = tpu.memref_squeeze %dma_start3A_122 : memref<1x128xi32, #tpu.memory_space<hbm>> -> memref<128xi32, #tpu.memory_space<hbm>>
      tpu.enqueue_dma source(%dma_start3A_123 : memref<128xi32, #tpu.memory_space<hbm>>) target(%arg12 : memref<128xi32, #tpu.memory_space<vmem>>) target_semaphore(%run_scoped3A : memref<!tpu.dma_semaphore, #tpu.memory_space<semaphore_mem>>)
      %dma_wait3A_124 = arith.constant 0 : i32
      %dma_wait3A_125 = tpu.memref_slice %arg4[%add3A, %dma_wait3A_124] : memref<5000x128xi32, #tpu.memory_space<hbm>> -> memref<1x128xi32, #tpu.memory_space<hbm>>
      %dma_wait3A_126 = tpu.memref_squeeze %dma_wait3A_125 : memref<1x128xi32, #tpu.memory_space<hbm>> -> memref<128xi32, #tpu.memory_space<hbm>>
      %dma_wait3A_127 = arith.constant 0 : i32
      %dma_wait3A_128 = tpu.memref_slice %arg4[%add3A, %dma_wait3A_127] : memref<5000x128xi32, #tpu.memory_space<hbm>> -> memref<1x128xi32, #tpu.memory_space<hbm>>
      %dma_wait3A_129 = tpu.memref_squeeze %dma_wait3A_128 : memref<1x128xi32, #tpu.memory_space<hbm>> -> memref<128xi32, #tpu.memory_space<hbm>>
      tpu.wait_dma2 semaphore(%run_scoped3A : memref<!tpu.dma_semaphore, #tpu.memory_space<semaphore_mem>>) src(%dma_wait3A_129 : memref<128xi32, #tpu.memory_space<hbm>>) dst(%arg12 : memref<128xi32, #tpu.memory_space<vmem>>)
      tpu.yield
    }) : () -> ()
    %dma_start3A = arith.constant 0 : i32
    %dma_start3A_3 = arith.constant 0 : i32
    %dma_start3A_4 = tpu.memref_slice %arg2[%dma_start3A, %dma_start3A_3] : memref<10000x128xf32, #tpu.memory_space<hbm>> -> memref<10000x128xf32, #tpu.memory_space<hbm>>
    tpu.enqueue_indirect_dma source(%dma_start3A_4 : memref<10000x128xf32, #tpu.memory_space<hbm>>) target(%arg14 : memref<128x128xf32, #tpu.memory_space<vmem>>) offsets(%arg10 : memref<128xi32, #tpu.memory_space<vmem>>) semaphore(%arg16 : memref<!tpu.dma_semaphore, #tpu.memory_space<semaphore_mem>>)
    %add3A_5 = arith.constant 32 : i32
    %add3A_6 = arith.addi %add3A, %add3A_5 : i32
    %min3A = arith.constant 4999 : i32
    %min3A_7 = arith.minsi %add3A_6, %min3A : i32
    %dma_start3A_8 = arith.constant 0 : i32
    %dma_start3A_9 = tpu.memref_slice %arg3[%min3A_7, %dma_start3A_8] : memref<5000x128xi32, #tpu.memory_space<hbm>> -> memref<1x128xi32, #tpu.memory_space<hbm>>
    %dma_start3A_10 = tpu.memref_squeeze %dma_start3A_9 : memref<1x128xi32, #tpu.memory_space<hbm>> -> memref<128xi32, #tpu.memory_space<hbm>>
    %dma_start3A_11 = arith.constant 0 : i32
    %dma_start3A_12 = tpu.memref_slice %arg3[%min3A_7, %dma_start3A_11] : memref<5000x128xi32, #tpu.memory_space<hbm>> -> memref<1x128xi32, #tpu.memory_space<hbm>>
    %dma_start3A_13 = tpu.memref_squeeze %dma_start3A_12 : memref<1x128xi32, #tpu.memory_space<hbm>> -> memref<128xi32, #tpu.memory_space<hbm>>
    tpu.enqueue_dma source(%dma_start3A_13 : memref<128xi32, #tpu.memory_space<hbm>>) target(%arg11 : memref<128xi32, #tpu.memory_space<vmem>>) target_semaphore(%arg21 : memref<!tpu.dma_semaphore, #tpu.memory_space<semaphore_mem>>)
    %dma_wait3A = arith.constant 0 : i32
    %dma_wait3A_14 = arith.constant 0 : i32
    %dma_wait3A_15 = tpu.memref_slice %arg2[%dma_wait3A, %dma_wait3A_14] : memref<10000x128xf32, #tpu.memory_space<hbm>> -> memref<10000x128xf32, #tpu.memory_space<hbm>>
    tpu.wait_indirect_dma semaphore(%arg16 : memref<!tpu.dma_semaphore, #tpu.memory_space<semaphore_mem>>) src(%dma_wait3A_15 : memref<10000x128xf32, #tpu.memory_space<hbm>>) dst(%arg14 : memref<128x128xf32, #tpu.memory_space<vmem>>)
    %dma_start3A_16 = arith.constant 0 : i32
    %dma_start3A_17 = arith.constant 0 : i32
    %dma_start3A_18 = tpu.memref_slice %arg9[%dma_start3A_16, %dma_start3A_17] : memref<10016x128xf32, #tpu.memory_space<vmem_shared>> -> memref<10016x128xf32, #tpu.memory_space<vmem_shared>>
    tpu.enqueue_indirect_dma source(%arg14 : memref<128x128xf32, #tpu.memory_space<vmem>>) target(%dma_start3A_18 : memref<10016x128xf32, #tpu.memory_space<vmem_shared>>) offsets(%arg12 : memref<128xi32, #tpu.memory_space<vmem>>) semaphore(%arg18 : memref<!tpu.dma_semaphore, #tpu.memory_space<semaphore_mem>>) {add = true}
    %add3A_19 = arith.constant 64 : i32
    %add3A_20 = arith.addi %add3A, %add3A_19 : i32
    %min3A_21 = arith.constant 4999 : i32
    %min3A_22 = arith.minsi %add3A_20, %min3A_21 : i32
    %dma_start3A_23 = arith.constant 0 : i32
    %dma_start3A_24 = tpu.memref_slice %arg3[%min3A_22, %dma_start3A_23] : memref<5000x128xi32, #tpu.memory_space<hbm>> -> memref<1x128xi32, #tpu.memory_space<hbm>>
    %dma_start3A_25 = tpu.memref_squeeze %dma_start3A_24 : memref<1x128xi32, #tpu.memory_space<hbm>> -> memref<128xi32, #tpu.memory_space<hbm>>
    %dma_start3A_26 = arith.constant 0 : i32
    %dma_start3A_27 = tpu.memref_slice %arg3[%min3A_22, %dma_start3A_26] : memref<5000x128xi32, #tpu.memory_space<hbm>> -> memref<1x128xi32, #tpu.memory_space<hbm>>
    %dma_start3A_28 = tpu.memref_squeeze %dma_start3A_27 : memref<1x128xi32, #tpu.memory_space<hbm>> -> memref<128xi32, #tpu.memory_space<hbm>>
    tpu.enqueue_dma source(%dma_start3A_28 : memref<128xi32, #tpu.memory_space<hbm>>) target(%arg10 : memref<128xi32, #tpu.memory_space<vmem>>) target_semaphore(%arg20 : memref<!tpu.dma_semaphore, #tpu.memory_space<semaphore_mem>>)
    %add3A_29 = arith.constant 32 : i32
    %add3A_30 = arith.addi %add3A, %add3A_29 : i32
    %min3A_31 = arith.constant 4999 : i32
    %min3A_32 = arith.minsi %add3A_30, %min3A_31 : i32
    %dma_start3A_33 = arith.constant 0 : i32
    %dma_start3A_34 = tpu.memref_slice %arg4[%min3A_32, %dma_start3A_33] : memref<5000x128xi32, #tpu.memory_space<hbm>> -> memref<1x128xi32, #tpu.memory_space<hbm>>
    %dma_start3A_35 = tpu.memref_squeeze %dma_start3A_34 : memref<1x128xi32, #tpu.memory_space<hbm>> -> memref<128xi32, #tpu.memory_space<hbm>>
    %dma_start3A_36 = arith.constant 0 : i32
    %dma_start3A_37 = tpu.memref_slice %arg4[%min3A_32, %dma_start3A_36] : memref<5000x128xi32, #tpu.memory_space<hbm>> -> memref<1x128xi32, #tpu.memory_space<hbm>>
    %dma_start3A_38 = tpu.memref_squeeze %dma_start3A_37 : memref<1x128xi32, #tpu.memory_space<hbm>> -> memref<128xi32, #tpu.memory_space<hbm>>
    tpu.enqueue_dma source(%dma_start3A_38 : memref<128xi32, #tpu.memory_space<hbm>>) target(%arg13 : memref<128xi32, #tpu.memory_space<vmem>>) target_semaphore(%arg23 : memref<!tpu.dma_semaphore, #tpu.memory_space<semaphore_mem>>)
    %add3A_39 = arith.constant 32 : i32
    %add3A_40 = arith.addi %add3A, %add3A_39 : i32
    %min3A_41 = arith.constant 4999 : i32
    %min3A_42 = arith.minsi %add3A_40, %min3A_41 : i32
    %dma_wait3A_43 = arith.constant 0 : i32
    %dma_wait3A_44 = tpu.memref_slice %arg3[%min3A_42, %dma_wait3A_43] : memref<5000x128xi32, #tpu.memory_space<hbm>> -> memref<1x128xi32, #tpu.memory_space<hbm>>
    %dma_wait3A_45 = tpu.memref_squeeze %dma_wait3A_44 : memref<1x128xi32, #tpu.memory_space<hbm>> -> memref<128xi32, #tpu.memory_space<hbm>>
    %dma_wait3A_46 = arith.constant 0 : i32
    %dma_wait3A_47 = tpu.memref_slice %arg3[%min3A_42, %dma_wait3A_46] : memref<5000x128xi32, #tpu.memory_space<hbm>> -> memref<1x128xi32, #tpu.memory_space<hbm>>
    %dma_wait3A_48 = tpu.memref_squeeze %dma_wait3A_47 : memref<1x128xi32, #tpu.memory_space<hbm>> -> memref<128xi32, #tpu.memory_space<hbm>>
    tpu.wait_dma2 semaphore(%arg21 : memref<!tpu.dma_semaphore, #tpu.memory_space<semaphore_mem>>) src(%dma_wait3A_48 : memref<128xi32, #tpu.memory_space<hbm>>) dst(%arg11 : memref<128xi32, #tpu.memory_space<vmem>>)
    %dma_start3A_49 = arith.constant 0 : i32
    %dma_start3A_50 = arith.constant 0 : i32
    %dma_start3A_51 = tpu.memref_slice %arg2[%dma_start3A_49, %dma_start3A_50] : memref<10000x128xf32, #tpu.memory_space<hbm>> -> memref<10000x128xf32, #tpu.memory_space<hbm>>
    tpu.enqueue_indirect_dma source(%dma_start3A_51 : memref<10000x128xf32, #tpu.memory_space<hbm>>) target(%arg15 : memref<128x128xf32, #tpu.memory_space<vmem>>) offsets(%arg11 : memref<128xi32, #tpu.memory_space<vmem>>) semaphore(%arg17 : memref<!tpu.dma_semaphore, #tpu.memory_space<semaphore_mem>>)
    %scan3A = arith.constant 0 : i32
    %scan3A_52 = arith.constant 0 : i32
    %scan3A_53 = arith.constant 77 : i32
    %scan3A_54 = arith.addi %scan3A_52, %scan3A_53 : i32
    %scan3A_55 = arith.constant 1 : i32
    scf.for %scan3A_118 = %scan3A_52 to %scan3A_54 step %scan3A_55  : i32 {
      %mul3A_119 = arith.constant 2 : i32
      %mul3A_120 = arith.muli %mul3A_119, %scan3A_118 : i32
      %add3A_121 = arith.constant 1 : i32
      %add3A_122 = arith.addi %mul3A_120, %add3A_121 : i32
      %dma_wait3A_123 = arith.constant 0 : i32
      %dma_wait3A_124 = arith.constant 0 : i32
      %dma_wait3A_125 = tpu.memref_slice %arg2[%dma_wait3A_123, %dma_wait3A_124] : memref<10000x128xf32, #tpu.memory_space<hbm>> -> memref<10000x128xf32, #tpu.memory_space<hbm>>
      tpu.wait_indirect_dma semaphore(%arg17 : memref<!tpu.dma_semaphore, #tpu.memory_space<semaphore_mem>>) src(%dma_wait3A_125 : memref<10000x128xf32, #tpu.memory_space<hbm>>) dst(%arg15 : memref<128x128xf32, #tpu.memory_space<vmem>>)
      %mul3A_126 = arith.constant 32 : i32
      %mul3A_127 = arith.muli %mul3A_126, %add3A_122 : i32
      %add3A_128 = arith.addi %add3A, %mul3A_127 : i32
      %min3A_129 = arith.constant 4999 : i32
      %min3A_130 = arith.minsi %add3A_128, %min3A_129 : i32
      %dma_wait3A_131 = arith.constant 0 : i32
      %dma_wait3A_132 = tpu.memref_slice %arg4[%min3A_130, %dma_wait3A_131] : memref<5000x128xi32, #tpu.memory_space<hbm>> -> memref<1x128xi32, #tpu.memory_space<hbm>>
      %dma_wait3A_133 = tpu.memref_squeeze %dma_wait3A_132 : memref<1x128xi32, #tpu.memory_space<hbm>> -> memref<128xi32, #tpu.memory_space<hbm>>
      %dma_wait3A_134 = arith.constant 0 : i32
      %dma_wait3A_135 = tpu.memref_slice %arg4[%min3A_130, %dma_wait3A_134] : memref<5000x128xi32, #tpu.memory_space<hbm>> -> memref<1x128xi32, #tpu.memory_space<hbm>>
      %dma_wait3A_136 = tpu.memref_squeeze %dma_wait3A_135 : memref<1x128xi32, #tpu.memory_space<hbm>> -> memref<128xi32, #tpu.memory_space<hbm>>
      tpu.wait_dma2 semaphore(%arg23 : memref<!tpu.dma_semaphore, #tpu.memory_space<semaphore_mem>>) src(%dma_wait3A_136 : memref<128xi32, #tpu.memory_space<hbm>>) dst(%arg13 : memref<128xi32, #tpu.memory_space<vmem>>)
      %dma_start3A_137 = arith.constant 0 : i32
      %dma_start3A_138 = arith.constant 0 : i32
      %dma_start3A_139 = tpu.memref_slice %arg9[%dma_start3A_137, %dma_start3A_138] : memref<10016x128xf32, #tpu.memory_space<vmem_shared>> -> memref<10016x128xf32, #tpu.memory_space<vmem_shared>>
      tpu.enqueue_indirect_dma source(%arg15 : memref<128x128xf32, #tpu.memory_space<vmem>>) target(%dma_start3A_139 : memref<10016x128xf32, #tpu.memory_space<vmem_shared>>) offsets(%arg13 : memref<128xi32, #tpu.memory_space<vmem>>) semaphore(%arg19 : memref<!tpu.dma_semaphore, #tpu.memory_space<semaphore_mem>>) {add = true}
      %add3A_140 = arith.constant 2 : i32
      %add3A_141 = arith.addi %add3A_122, %add3A_140 : i32
      %mul3A_142 = arith.constant 32 : i32
      %mul3A_143 = arith.muli %mul3A_142, %add3A_141 : i32
      %add3A_144 = arith.addi %add3A, %mul3A_143 : i32
      %min3A_145 = arith.constant 4999 : i32
      %min3A_146 = arith.minsi %add3A_144, %min3A_145 : i32
      %dma_start3A_147 = arith.constant 0 : i32
      %dma_start3A_148 = tpu.memref_slice %arg3[%min3A_146, %dma_start3A_147] : memref<5000x128xi32, #tpu.memory_space<hbm>> -> memref<1x128xi32, #tpu.memory_space<hbm>>
      %dma_start3A_149 = tpu.memref_squeeze %dma_start3A_148 : memref<1x128xi32, #tpu.memory_space<hbm>> -> memref<128xi32, #tpu.memory_space<hbm>>
      %dma_start3A_150 = arith.constant 0 : i32
      %dma_start3A_151 = tpu.memref_slice %arg3[%min3A_146, %dma_start3A_150] : memref<5000x128xi32, #tpu.memory_space<hbm>> -> memref<1x128xi32, #tpu.memory_space<hbm>>
      %dma_start3A_152 = tpu.memref_squeeze %dma_start3A_151 : memref<1x128xi32, #tpu.memory_space<hbm>> -> memref<128xi32, #tpu.memory_space<hbm>>
      tpu.enqueue_dma source(%dma_start3A_152 : memref<128xi32, #tpu.memory_space<hbm>>) target(%arg11 : memref<128xi32, #tpu.memory_space<vmem>>) target_semaphore(%arg21 : memref<!tpu.dma_semaphore, #tpu.memory_space<semaphore_mem>>)
      %dma_wait3A_153 = arith.constant 0 : i32
      %dma_wait3A_154 = arith.constant 0 : i32
      %dma_wait3A_155 = tpu.memref_slice %arg9[%dma_wait3A_153, %dma_wait3A_154] : memref<10016x128xf32, #tpu.memory_space<vmem_shared>> -> memref<10016x128xf32, #tpu.memory_space<vmem_shared>>
      tpu.wait_indirect_dma semaphore(%arg18 : memref<!tpu.dma_semaphore, #tpu.memory_space<semaphore_mem>>) src(%arg14 : memref<128x128xf32, #tpu.memory_space<vmem>>) dst(%dma_wait3A_155 : memref<10016x128xf32, #tpu.memory_space<vmem_shared>>)
      %add3A_156 = arith.constant 1 : i32
      %add3A_157 = arith.addi %add3A_122, %add3A_156 : i32
      %mul3A_158 = arith.constant 32 : i32
      %mul3A_159 = arith.muli %mul3A_158, %add3A_157 : i32
      %add3A_160 = arith.addi %add3A, %mul3A_159 : i32
      %min3A_161 = arith.constant 4999 : i32
      %min3A_162 = arith.minsi %add3A_160, %min3A_161 : i32
      %dma_start3A_163 = arith.constant 0 : i32
      %dma_start3A_164 = tpu.memref_slice %arg4[%min3A_162, %dma_start3A_163] : memref<5000x128xi32, #tpu.memory_space<hbm>> -> memref<1x128xi32, #tpu.memory_space<hbm>>
      %dma_start3A_165 = tpu.memref_squeeze %dma_start3A_164 : memref<1x128xi32, #tpu.memory_space<hbm>> -> memref<128xi32, #tpu.memory_space<hbm>>
      %dma_start3A_166 = arith.constant 0 : i32
      %dma_start3A_167 = tpu.memref_slice %arg4[%min3A_162, %dma_start3A_166] : memref<5000x128xi32, #tpu.memory_space<hbm>> -> memref<1x128xi32, #tpu.memory_space<hbm>>
      %dma_start3A_168 = tpu.memref_squeeze %dma_start3A_167 : memref<1x128xi32, #tpu.memory_space<hbm>> -> memref<128xi32, #tpu.memory_space<hbm>>
      tpu.enqueue_dma source(%dma_start3A_168 : memref<128xi32, #tpu.memory_space<hbm>>) target(%arg12 : memref<128xi32, #tpu.memory_space<vmem>>) target_semaphore(%arg22 : memref<!tpu.dma_semaphore, #tpu.memory_space<semaphore_mem>>)
      %add3A_169 = arith.constant 1 : i32
      %add3A_170 = arith.addi %add3A_122, %add3A_169 : i32
      %mul3A_171 = arith.constant 32 : i32
      %mul3A_172 = arith.muli %mul3A_171, %add3A_170 : i32
      %add3A_173 = arith.addi %add3A, %mul3A_172 : i32
      %min3A_174 = arith.constant 4999 : i32
      %min3A_175 = arith.minsi %add3A_173, %min3A_174 : i32
      %dma_wait3A_176 = arith.constant 0 : i32
      %dma_wait3A_177 = tpu.memref_slice %arg3[%min3A_175, %dma_wait3A_176] : memref<5000x128xi32, #tpu.memory_space<hbm>> -> memref<1x128xi32, #tpu.memory_space<hbm>>
      %dma_wait3A_178 = tpu.memref_squeeze %dma_wait3A_177 : memref<1x128xi32, #tpu.memory_space<hbm>> -> memref<128xi32, #tpu.memory_space<hbm>>
      %dma_wait3A_179 = arith.constant 0 : i32
      %dma_wait3A_180 = tpu.memref_slice %arg3[%min3A_175, %dma_wait3A_179] : memref<5000x128xi32, #tpu.memory_space<hbm>> -> memref<1x128xi32, #tpu.memory_space<hbm>>
      %dma_wait3A_181 = tpu.memref_squeeze %dma_wait3A_180 : memref<1x128xi32, #tpu.memory_space<hbm>> -> memref<128xi32, #tpu.memory_space<hbm>>
      tpu.wait_dma2 semaphore(%arg20 : memref<!tpu.dma_semaphore, #tpu.memory_space<semaphore_mem>>) src(%dma_wait3A_181 : memref<128xi32, #tpu.memory_space<hbm>>) dst(%arg10 : memref<128xi32, #tpu.memory_space<vmem>>)
      %dma_start3A_182 = arith.constant 0 : i32
      %dma_start3A_183 = arith.constant 0 : i32
      %dma_start3A_184 = tpu.memref_slice %arg2[%dma_start3A_182, %dma_start3A_183] : memref<10000x128xf32, #tpu.memory_space<hbm>> -> memref<10000x128xf32, #tpu.memory_space<hbm>>
      tpu.enqueue_indirect_dma source(%dma_start3A_184 : memref<10000x128xf32, #tpu.memory_space<hbm>>) target(%arg14 : memref<128x128xf32, #tpu.memory_space<vmem>>) offsets(%arg10 : memref<128xi32, #tpu.memory_space<vmem>>) semaphore(%arg16 : memref<!tpu.dma_semaphore, #tpu.memory_space<semaphore_mem>>)
      %mul3A_185 = arith.constant 2 : i32
      %mul3A_186 = arith.muli %mul3A_185, %scan3A_118 : i32
      %add3A_187 = arith.constant 2 : i32
      %add3A_188 = arith.addi %mul3A_186, %add3A_187 : i32
      %dma_wait3A_189 = arith.constant 0 : i32
      %dma_wait3A_190 = arith.constant 0 : i32
      %dma_wait3A_191 = tpu.memref_slice %arg2[%dma_wait3A_189, %dma_wait3A_190] : memref<10000x128xf32, #tpu.memory_space<hbm>> -> memref<10000x128xf32, #tpu.memory_space<hbm>>
      tpu.wait_indirect_dma semaphore(%arg16 : memref<!tpu.dma_semaphore, #tpu.memory_space<semaphore_mem>>) src(%dma_wait3A_191 : memref<10000x128xf32, #tpu.memory_space<hbm>>) dst(%arg14 : memref<128x128xf32, #tpu.memory_space<vmem>>)
      %mul3A_192 = arith.constant 32 : i32
      %mul3A_193 = arith.muli %mul3A_192, %add3A_188 : i32
      %add3A_194 = arith.addi %add3A, %mul3A_193 : i32
      %min3A_195 = arith.constant 4999 : i32
      %min3A_196 = arith.minsi %add3A_194, %min3A_195 : i32
      %dma_wait3A_197 = arith.constant 0 : i32
      %dma_wait3A_198 = tpu.memref_slice %arg4[%min3A_196, %dma_wait3A_197] : memref<5000x128xi32, #tpu.memory_space<hbm>> -> memref<1x128xi32, #tpu.memory_space<hbm>>
      %dma_wait3A_199 = tpu.memref_squeeze %dma_wait3A_198 : memref<1x128xi32, #tpu.memory_space<hbm>> -> memref<128xi32, #tpu.memory_space<hbm>>
      %dma_wait3A_200 = arith.constant 0 : i32
      %dma_wait3A_201 = tpu.memref_slice %arg4[%min3A_196, %dma_wait3A_200] : memref<5000x128xi32, #tpu.memory_space<hbm>> -> memref<1x128xi32, #tpu.memory_space<hbm>>
      %dma_wait3A_202 = tpu.memref_squeeze %dma_wait3A_201 : memref<1x128xi32, #tpu.memory_space<hbm>> -> memref<128xi32, #tpu.memory_space<hbm>>
      tpu.wait_dma2 semaphore(%arg22 : memref<!tpu.dma_semaphore, #tpu.memory_space<semaphore_mem>>) src(%dma_wait3A_202 : memref<128xi32, #tpu.memory_space<hbm>>) dst(%arg12 : memref<128xi32, #tpu.memory_space<vmem>>)
      %dma_start3A_203 = arith.constant 0 : i32
      %dma_start3A_204 = arith.constant 0 : i32
      %dma_start3A_205 = tpu.memref_slice %arg9[%dma_start3A_203, %dma_start3A_204] : memref<10016x128xf32, #tpu.memory_space<vmem_shared>> -> memref<10016x128xf32, #tpu.memory_space<vmem_shared>>
      tpu.enqueue_indirect_dma source(%arg14 : memref<128x128xf32, #tpu.memory_space<vmem>>) target(%dma_start3A_205 : memref<10016x128xf32, #tpu.memory_space<vmem_shared>>) offsets(%arg12 : memref<128xi32, #tpu.memory_space<vmem>>) semaphore(%arg18 : memref<!tpu.dma_semaphore, #tpu.memory_space<semaphore_mem>>) {add = true}
      %add3A_206 = arith.constant 2 : i32
      %add3A_207 = arith.addi %add3A_188, %add3A_206 : i32
      %mul3A_208 = arith.constant 32 : i32
      %mul3A_209 = arith.muli %mul3A_208, %add3A_207 : i32
      %add3A_210 = arith.addi %add3A, %mul3A_209 : i32
      %min3A_211 = arith.constant 4999 : i32
      %min3A_212 = arith.minsi %add3A_210, %min3A_211 : i32
      %dma_start3A_213 = arith.constant 0 : i32
      %dma_start3A_214 = tpu.memref_slice %arg3[%min3A_212, %dma_start3A_213] : memref<5000x128xi32, #tpu.memory_space<hbm>> -> memref<1x128xi32, #tpu.memory_space<hbm>>
      %dma_start3A_215 = tpu.memref_squeeze %dma_start3A_214 : memref<1x128xi32, #tpu.memory_space<hbm>> -> memref<128xi32, #tpu.memory_space<hbm>>
      %dma_start3A_216 = arith.constant 0 : i32
      %dma_start3A_217 = tpu.memref_slice %arg3[%min3A_212, %dma_start3A_216] : memref<5000x128xi32, #tpu.memory_space<hbm>> -> memref<1x128xi32, #tpu.memory_space<hbm>>
      %dma_start3A_218 = tpu.memref_squeeze %dma_start3A_217 : memref<1x128xi32, #tpu.memory_space<hbm>> -> memref<128xi32, #tpu.memory_space<hbm>>
      tpu.enqueue_dma source(%dma_start3A_218 : memref<128xi32, #tpu.memory_space<hbm>>) target(%arg10 : memref<128xi32, #tpu.memory_space<vmem>>) target_semaphore(%arg20 : memref<!tpu.dma_semaphore, #tpu.memory_space<semaphore_mem>>)
      %dma_wait3A_219 = arith.constant 0 : i32
      %dma_wait3A_220 = arith.constant 0 : i32
      %dma_wait3A_221 = tpu.memref_slice %arg9[%dma_wait3A_219, %dma_wait3A_220] : memref<10016x128xf32, #tpu.memory_space<vmem_shared>> -> memref<10016x128xf32, #tpu.memory_space<vmem_shared>>
      tpu.wait_indirect_dma semaphore(%arg19 : memref<!tpu.dma_semaphore, #tpu.memory_space<semaphore_mem>>) src(%arg15 : memref<128x128xf32, #tpu.memory_space<vmem>>) dst(%dma_wait3A_221 : memref<10016x128xf32, #tpu.memory_space<vmem_shared>>)
      %add3A_222 = arith.constant 1 : i32
      %add3A_223 = arith.addi %add3A_188, %add3A_222 : i32
      %mul3A_224 = arith.constant 32 : i32
      %mul3A_225 = arith.muli %mul3A_224, %add3A_223 : i32
      %add3A_226 = arith.addi %add3A, %mul3A_225 : i32
      %min3A_227 = arith.constant 4999 : i32
      %min3A_228 = arith.minsi %add3A_226, %min3A_227 : i32
      %dma_start3A_229 = arith.constant 0 : i32
      %dma_start3A_230 = tpu.memref_slice %arg4[%min3A_228, %dma_start3A_229] : memref<5000x128xi32, #tpu.memory_space<hbm>> -> memref<1x128xi32, #tpu.memory_space<hbm>>
      %dma_start3A_231 = tpu.memref_squeeze %dma_start3A_230 : memref<1x128xi32, #tpu.memory_space<hbm>> -> memref<128xi32, #tpu.memory_space<hbm>>
      %dma_start3A_232 = arith.constant 0 : i32
      %dma_start3A_233 = tpu.memref_slice %arg4[%min3A_228, %dma_start3A_232] : memref<5000x128xi32, #tpu.memory_space<hbm>> -> memref<1x128xi32, #tpu.memory_space<hbm>>
      %dma_start3A_234 = tpu.memref_squeeze %dma_start3A_233 : memref<1x128xi32, #tpu.memory_space<hbm>> -> memref<128xi32, #tpu.memory_space<hbm>>
      tpu.enqueue_dma source(%dma_start3A_234 : memref<128xi32, #tpu.memory_space<hbm>>) target(%arg13 : memref<128xi32, #tpu.memory_space<vmem>>) target_semaphore(%arg23 : memref<!tpu.dma_semaphore, #tpu.memory_space<semaphore_mem>>)
      %add3A_235 = arith.constant 1 : i32
      %add3A_236 = arith.addi %add3A_188, %add3A_235 : i32
      %mul3A_237 = arith.constant 32 : i32
      %mul3A_238 = arith.muli %mul3A_237, %add3A_236 : i32
      %add3A_239 = arith.addi %add3A, %mul3A_238 : i32
      %min3A_240 = arith.constant 4999 : i32
      %min3A_241 = arith.minsi %add3A_239, %min3A_240 : i32
      %dma_wait3A_242 = arith.constant 0 : i32
      %dma_wait3A_243 = tpu.memref_slice %arg3[%min3A_241, %dma_wait3A_242] : memref<5000x128xi32, #tpu.memory_space<hbm>> -> memref<1x128xi32, #tpu.memory_space<hbm>>
      %dma_wait3A_244 = tpu.memref_squeeze %dma_wait3A_243 : memref<1x128xi32, #tpu.memory_space<hbm>> -> memref<128xi32, #tpu.memory_space<hbm>>
      %dma_wait3A_245 = arith.constant 0 : i32
      %dma_wait3A_246 = tpu.memref_slice %arg3[%min3A_241, %dma_wait3A_245] : memref<5000x128xi32, #tpu.memory_space<hbm>> -> memref<1x128xi32, #tpu.memory_space<hbm>>
      %dma_wait3A_247 = tpu.memref_squeeze %dma_wait3A_246 : memref<1x128xi32, #tpu.memory_space<hbm>> -> memref<128xi32, #tpu.memory_space<hbm>>
      tpu.wait_dma2 semaphore(%arg21 : memref<!tpu.dma_semaphore, #tpu.memory_space<semaphore_mem>>) src(%dma_wait3A_247 : memref<128xi32, #tpu.memory_space<hbm>>) dst(%arg11 : memref<128xi32, #tpu.memory_space<vmem>>)
      %dma_start3A_248 = arith.constant 0 : i32
      %dma_start3A_249 = arith.constant 0 : i32
      %dma_start3A_250 = tpu.memref_slice %arg2[%dma_start3A_248, %dma_start3A_249] : memref<10000x128xf32, #tpu.memory_space<hbm>> -> memref<10000x128xf32, #tpu.memory_space<hbm>>
      tpu.enqueue_indirect_dma source(%dma_start3A_250 : memref<10000x128xf32, #tpu.memory_space<hbm>>) target(%arg15 : memref<128x128xf32, #tpu.memory_space<vmem>>) offsets(%arg11 : memref<128xi32, #tpu.memory_space<vmem>>) semaphore(%arg17 : memref<!tpu.dma_semaphore, #tpu.memory_space<semaphore_mem>>)
    }
    %scan3A_56 = arith.constant 77 : i32
    %dma_wait3A_57 = arith.constant 0 : i32
    %dma_wait3A_58 = arith.constant 0 : i32
    %dma_wait3A_59 = tpu.memref_slice %arg2[%dma_wait3A_57, %dma_wait3A_58] : memref<10000x128xf32, #tpu.memory_space<hbm>> -> memref<10000x128xf32, #tpu.memory_space<hbm>>
    tpu.wait_indirect_dma semaphore(%arg17 : memref<!tpu.dma_semaphore, #tpu.memory_space<semaphore_mem>>) src(%dma_wait3A_59 : memref<10000x128xf32, #tpu.memory_space<hbm>>) dst(%arg15 : memref<128x128xf32, #tpu.memory_space<vmem>>)
    %add3A_60 = arith.constant 4960 : i32
    %add3A_61 = arith.addi %add3A, %add3A_60 : i32
    %min3A_62 = arith.constant 4999 : i32
    %min3A_63 = arith.minsi %add3A_61, %min3A_62 : i32
    %dma_wait3A_64 = arith.constant 0 : i32
    %dma_wait3A_65 = tpu.memref_slice %arg4[%min3A_63, %dma_wait3A_64] : memref<5000x128xi32, #tpu.memory_space<hbm>> -> memref<1x128xi32, #tpu.memory_space<hbm>>
    %dma_wait3A_66 = tpu.memref_squeeze %dma_wait3A_65 : memref<1x128xi32, #tpu.memory_space<hbm>> -> memref<128xi32, #tpu.memory_space<hbm>>
    %dma_wait3A_67 = arith.constant 0 : i32
    %dma_wait3A_68 = tpu.memref_slice %arg4[%min3A_63, %dma_wait3A_67] : memref<5000x128xi32, #tpu.memory_space<hbm>> -> memref<1x128xi32, #tpu.memory_space<hbm>>
    %dma_wait3A_69 = tpu.memref_squeeze %dma_wait3A_68 : memref<1x128xi32, #tpu.memory_space<hbm>> -> memref<128xi32, #tpu.memory_space<hbm>>
    tpu.wait_dma2 semaphore(%arg23 : memref<!tpu.dma_semaphore, #tpu.memory_space<semaphore_mem>>) src(%dma_wait3A_69 : memref<128xi32, #tpu.memory_space<hbm>>) dst(%arg13 : memref<128xi32, #tpu.memory_space<vmem>>)
    %dma_start3A_70 = arith.constant 0 : i32
    %dma_start3A_71 = arith.constant 0 : i32
    %dma_start3A_72 = tpu.memref_slice %arg9[%dma_start3A_70, %dma_start3A_71] : memref<10016x128xf32, #tpu.memory_space<vmem_shared>> -> memref<10016x128xf32, #tpu.memory_space<vmem_shared>>
    tpu.enqueue_indirect_dma source(%arg15 : memref<128x128xf32, #tpu.memory_space<vmem>>) target(%dma_start3A_72 : memref<10016x128xf32, #tpu.memory_space<vmem_shared>>) offsets(%arg13 : memref<128xi32, #tpu.memory_space<vmem>>) semaphore(%arg19 : memref<!tpu.dma_semaphore, #tpu.memory_space<semaphore_mem>>) {add = true}
    %add3A_73 = arith.constant 5024 : i32
    %add3A_74 = arith.addi %add3A, %add3A_73 : i32
    %min3A_75 = arith.constant 4999 : i32
    %min3A_76 = arith.minsi %add3A_74, %min3A_75 : i32
    %dma_start3A_77 = arith.constant 0 : i32
    %dma_start3A_78 = tpu.memref_slice %arg3[%min3A_76, %dma_start3A_77] : memref<5000x128xi32, #tpu.memory_space<hbm>> -> memref<1x128xi32, #tpu.memory_space<hbm>>
    %dma_start3A_79 = tpu.memref_squeeze %dma_start3A_78 : memref<1x128xi32, #tpu.memory_space<hbm>> -> memref<128xi32, #tpu.memory_space<hbm>>
    %dma_start3A_80 = arith.constant 0 : i32
    %dma_start3A_81 = tpu.memref_slice %arg3[%min3A_76, %dma_start3A_80] : memref<5000x128xi32, #tpu.memory_space<hbm>> -> memref<1x128xi32, #tpu.memory_space<hbm>>
    %dma_start3A_82 = tpu.memref_squeeze %dma_start3A_81 : memref<1x128xi32, #tpu.memory_space<hbm>> -> memref<128xi32, #tpu.memory_space<hbm>>
    tpu.enqueue_dma source(%dma_start3A_82 : memref<128xi32, #tpu.memory_space<hbm>>) target(%arg11 : memref<128xi32, #tpu.memory_space<vmem>>) target_semaphore(%arg21 : memref<!tpu.dma_semaphore, #tpu.memory_space<semaphore_mem>>)
    %dma_wait3A_83 = arith.constant 0 : i32
    %dma_wait3A_84 = arith.constant 0 : i32
    %dma_wait3A_85 = tpu.memref_slice %arg9[%dma_wait3A_83, %dma_wait3A_84] : memref<10016x128xf32, #tpu.memory_space<vmem_shared>> -> memref<10016x128xf32, #tpu.memory_space<vmem_shared>>
    tpu.wait_indirect_dma semaphore(%arg18 : memref<!tpu.dma_semaphore, #tpu.memory_space<semaphore_mem>>) src(%arg14 : memref<128x128xf32, #tpu.memory_space<vmem>>) dst(%dma_wait3A_85 : memref<10016x128xf32, #tpu.memory_space<vmem_shared>>)
    %add3A_86 = arith.constant 4992 : i32
    %add3A_87 = arith.addi %add3A, %add3A_86 : i32
    %min3A_88 = arith.constant 4999 : i32
    %min3A_89 = arith.minsi %add3A_87, %min3A_88 : i32
    %dma_start3A_90 = arith.constant 0 : i32
    %dma_start3A_91 = tpu.memref_slice %arg4[%min3A_89, %dma_start3A_90] : memref<5000x128xi32, #tpu.memory_space<hbm>> -> memref<1x128xi32, #tpu.memory_space<hbm>>
    %dma_start3A_92 = tpu.memref_squeeze %dma_start3A_91 : memref<1x128xi32, #tpu.memory_space<hbm>> -> memref<128xi32, #tpu.memory_space<hbm>>
    %dma_start3A_93 = arith.constant 0 : i32
    %dma_start3A_94 = tpu.memref_slice %arg4[%min3A_89, %dma_start3A_93] : memref<5000x128xi32, #tpu.memory_space<hbm>> -> memref<1x128xi32, #tpu.memory_space<hbm>>
    %dma_start3A_95 = tpu.memref_squeeze %dma_start3A_94 : memref<1x128xi32, #tpu.memory_space<hbm>> -> memref<128xi32, #tpu.memory_space<hbm>>
    tpu.enqueue_dma source(%dma_start3A_95 : memref<128xi32, #tpu.memory_space<hbm>>) target(%arg12 : memref<128xi32, #tpu.memory_space<vmem>>) target_semaphore(%arg22 : memref<!tpu.dma_semaphore, #tpu.memory_space<semaphore_mem>>)
    %add3A_96 = arith.constant 4992 : i32
    %add3A_97 = arith.addi %add3A, %add3A_96 : i32
    %min3A_98 = arith.constant 4999 : i32
    %min3A_99 = arith.minsi %add3A_97, %min3A_98 : i32
    %dma_wait3A_100 = arith.constant 0 : i32
    %dma_wait3A_101 = tpu.memref_slice %arg3[%min3A_99, %dma_wait3A_100] : memref<5000x128xi32, #tpu.memory_space<hbm>> -> memref<1x128xi32, #tpu.memory_space<hbm>>
    %dma_wait3A_102 = tpu.memref_squeeze %dma_wait3A_101 : memref<1x128xi32, #tpu.memory_space<hbm>> -> memref<128xi32, #tpu.memory_space<hbm>>
    %dma_wait3A_103 = arith.constant 0 : i32
    %dma_wait3A_104 = tpu.memref_slice %arg3[%min3A_99, %dma_wait3A_103] : memref<5000x128xi32, #tpu.memory_space<hbm>> -> memref<1x128xi32, #tpu.memory_space<hbm>>
    %dma_wait3A_105 = tpu.memref_squeeze %dma_wait3A_104 : memref<1x128xi32, #tpu.memory_space<hbm>> -> memref<128xi32, #tpu.memory_space<hbm>>
    tpu.wait_dma2 semaphore(%arg20 : memref<!tpu.dma_semaphore, #tpu.memory_space<semaphore_mem>>) src(%dma_wait3A_105 : memref<128xi32, #tpu.memory_space<hbm>>) dst(%arg10 : memref<128xi32, #tpu.memory_space<vmem>>)
    %dma_start3A_106 = arith.constant 0 : i32
    %dma_start3A_107 = arith.constant 0 : i32
    %dma_start3A_108 = tpu.memref_slice %arg2[%dma_start3A_106, %dma_start3A_107] : memref<10000x128xf32, #tpu.memory_space<hbm>> -> memref<10000x128xf32, #tpu.memory_space<hbm>>
    tpu.enqueue_indirect_dma source(%dma_start3A_108 : memref<10000x128xf32, #tpu.memory_space<hbm>>) target(%arg14 : memref<128x128xf32, #tpu.memory_space<vmem>>) offsets(%arg10 : memref<128xi32, #tpu.memory_space<vmem>>) semaphore(%arg16 : memref<!tpu.dma_semaphore, #tpu.memory_space<semaphore_mem>>)
    %lt3A = arith.constant 8 : i32
    %lt3A_109 = arith.cmpi slt, %add3A, %lt3A : i32
    %convert_element_type3A = arith.extui %lt3A_109 : i1 to i32
    %cond3A = arith.constant 0 : i32
    %cond3A_110 = arith.cmpi ne, %convert_element_type3A, %cond3A : i32
    scf.if %cond3A_110 {
      %dma_wait3A_118 = arith.constant 0 : i32
      %dma_wait3A_119 = arith.constant 0 : i32
      %dma_wait3A_120 = tpu.memref_slice %arg2[%dma_wait3A_118, %dma_wait3A_119] : memref<10000x128xf32, #tpu.memory_space<hbm>> -> memref<10000x128xf32, #tpu.memory_space<hbm>>
      tpu.wait_indirect_dma semaphore(%arg16 : memref<!tpu.dma_semaphore, #tpu.memory_space<semaphore_mem>>) src(%dma_wait3A_120 : memref<10000x128xf32, #tpu.memory_space<hbm>>) dst(%arg14 : memref<128x128xf32, #tpu.memory_space<vmem>>)
      %add3A_121 = arith.constant 4992 : i32
      %add3A_122 = arith.addi %add3A, %add3A_121 : i32
      %min3A_123 = arith.constant 4999 : i32
      %min3A_124 = arith.minsi %add3A_122, %min3A_123 : i32
      %dma_wait3A_125 = arith.constant 0 : i32
      %dma_wait3A_126 = tpu.memref_slice %arg4[%min3A_124, %dma_wait3A_125] : memref<5000x128xi32, #tpu.memory_space<hbm>> -> memref<1x128xi32, #tpu.memory_space<hbm>>
      %dma_wait3A_127 = tpu.memref_squeeze %dma_wait3A_126 : memref<1x128xi32, #tpu.memory_space<hbm>> -> memref<128xi32, #tpu.memory_space<hbm>>
      %dma_wait3A_128 = arith.constant 0 : i32
      %dma_wait3A_129 = tpu.memref_slice %arg4[%min3A_124, %dma_wait3A_128] : memref<5000x128xi32, #tpu.memory_space<hbm>> -> memref<1x128xi32, #tpu.memory_space<hbm>>
      %dma_wait3A_130 = tpu.memref_squeeze %dma_wait3A_129 : memref<1x128xi32, #tpu.memory_space<hbm>> -> memref<128xi32, #tpu.memory_space<hbm>>
      tpu.wait_dma2 semaphore(%arg22 : memref<!tpu.dma_semaphore, #tpu.memory_space<semaphore_mem>>) src(%dma_wait3A_130 : memref<128xi32, #tpu.memory_space<hbm>>) dst(%arg12 : memref<128xi32, #tpu.memory_space<vmem>>)
      %dma_start3A_131 = arith.constant 0 : i32
      %dma_start3A_132 = arith.constant 0 : i32
      %dma_start3A_133 = tpu.memref_slice %arg9[%dma_start3A_131, %dma_start3A_132] : memref<10016x128xf32, #tpu.memory_space<vmem_shared>> -> memref<10016x128xf32, #tpu.memory_space<vmem_shared>>
      tpu.enqueue_indirect_dma source(%arg14 : memref<128x128xf32, #tpu.memory_space<vmem>>) target(%dma_start3A_133 : memref<10016x128xf32, #tpu.memory_space<vmem_shared>>) offsets(%arg12 : memref<128xi32, #tpu.memory_space<vmem>>) semaphore(%arg18 : memref<!tpu.dma_semaphore, #tpu.memory_space<semaphore_mem>>) {add = true}
      %dma_wait3A_134 = arith.constant 0 : i32
      %dma_wait3A_135 = arith.constant 0 : i32
      %dma_wait3A_136 = tpu.memref_slice %arg9[%dma_wait3A_134, %dma_wait3A_135] : memref<10016x128xf32, #tpu.memory_space<vmem_shared>> -> memref<10016x128xf32, #tpu.memory_space<vmem_shared>>
      tpu.wait_indirect_dma semaphore(%arg19 : memref<!tpu.dma_semaphore, #tpu.memory_space<semaphore_mem>>) src(%arg15 : memref<128x128xf32, #tpu.memory_space<vmem>>) dst(%dma_wait3A_136 : memref<10016x128xf32, #tpu.memory_space<vmem_shared>>)
      %add3A_137 = arith.constant 5024 : i32
      %add3A_138 = arith.addi %add3A, %add3A_137 : i32
      %min3A_139 = arith.constant 4999 : i32
      %min3A_140 = arith.minsi %add3A_138, %min3A_139 : i32
      %dma_wait3A_141 = arith.constant 0 : i32
      %dma_wait3A_142 = tpu.memref_slice %arg3[%min3A_140, %dma_wait3A_141] : memref<5000x128xi32, #tpu.memory_space<hbm>> -> memref<1x128xi32, #tpu.memory_space<hbm>>
      %dma_wait3A_143 = tpu.memref_squeeze %dma_wait3A_142 : memref<1x128xi32, #tpu.memory_space<hbm>> -> memref<128xi32, #tpu.memory_space<hbm>>
      %dma_wait3A_144 = arith.constant 0 : i32
      %dma_wait3A_145 = tpu.memref_slice %arg3[%min3A_140, %dma_wait3A_144] : memref<5000x128xi32, #tpu.memory_space<hbm>> -> memref<1x128xi32, #tpu.memory_space<hbm>>
      %dma_wait3A_146 = tpu.memref_squeeze %dma_wait3A_145 : memref<1x128xi32, #tpu.memory_space<hbm>> -> memref<128xi32, #tpu.memory_space<hbm>>
      tpu.wait_dma2 semaphore(%arg21 : memref<!tpu.dma_semaphore, #tpu.memory_space<semaphore_mem>>) src(%dma_wait3A_146 : memref<128xi32, #tpu.memory_space<hbm>>) dst(%arg11 : memref<128xi32, #tpu.memory_space<vmem>>)
      %dma_wait3A_147 = arith.constant 0 : i32
      %dma_wait3A_148 = arith.constant 0 : i32
      %dma_wait3A_149 = tpu.memref_slice %arg9[%dma_wait3A_147, %dma_wait3A_148] : memref<10016x128xf32, #tpu.memory_space<vmem_shared>> -> memref<10016x128xf32, #tpu.memory_space<vmem_shared>>
      tpu.wait_indirect_dma semaphore(%arg18 : memref<!tpu.dma_semaphore, #tpu.memory_space<semaphore_mem>>) src(%arg14 : memref<128x128xf32, #tpu.memory_space<vmem>>) dst(%dma_wait3A_149 : memref<10016x128xf32, #tpu.memory_space<vmem_shared>>)
    } else {
    }
    %ge3A = arith.constant 8 : i32
    %ge3A_111 = arith.cmpi sge, %add3A, %ge3A : i32
    %convert_element_type3A_112 = arith.extui %ge3A_111 : i1 to i32
    %cond3A_113 = arith.constant 0 : i32
    %cond3A_114 = arith.cmpi ne, %convert_element_type3A_112, %cond3A_113 : i32
    scf.if %cond3A_114 {
      %dma_wait3A_118 = arith.constant 0 : i32
      %dma_wait3A_119 = arith.constant 0 : i32
      %dma_wait3A_120 = tpu.memref_slice %arg2[%dma_wait3A_118, %dma_wait3A_119] : memref<10000x128xf32, #tpu.memory_space<hbm>> -> memref<10000x128xf32, #tpu.memory_space<hbm>>
      tpu.wait_indirect_dma semaphore(%arg16 : memref<!tpu.dma_semaphore, #tpu.memory_space<semaphore_mem>>) src(%dma_wait3A_120 : memref<10000x128xf32, #tpu.memory_space<hbm>>) dst(%arg14 : memref<128x128xf32, #tpu.memory_space<vmem>>)
      %add3A_121 = arith.constant 4992 : i32
      %add3A_122 = arith.addi %add3A, %add3A_121 : i32
      %min3A_123 = arith.constant 4999 : i32
      %min3A_124 = arith.minsi %add3A_122, %min3A_123 : i32
      %dma_wait3A_125 = arith.constant 0 : i32
      %dma_wait3A_126 = tpu.memref_slice %arg4[%min3A_124, %dma_wait3A_125] : memref<5000x128xi32, #tpu.memory_space<hbm>> -> memref<1x128xi32, #tpu.memory_space<hbm>>
      %dma_wait3A_127 = tpu.memref_squeeze %dma_wait3A_126 : memref<1x128xi32, #tpu.memory_space<hbm>> -> memref<128xi32, #tpu.memory_space<hbm>>
      %dma_wait3A_128 = arith.constant 0 : i32
      %dma_wait3A_129 = tpu.memref_slice %arg4[%min3A_124, %dma_wait3A_128] : memref<5000x128xi32, #tpu.memory_space<hbm>> -> memref<1x128xi32, #tpu.memory_space<hbm>>
      %dma_wait3A_130 = tpu.memref_squeeze %dma_wait3A_129 : memref<1x128xi32, #tpu.memory_space<hbm>> -> memref<128xi32, #tpu.memory_space<hbm>>
      tpu.wait_dma2 semaphore(%arg22 : memref<!tpu.dma_semaphore, #tpu.memory_space<semaphore_mem>>) src(%dma_wait3A_130 : memref<128xi32, #tpu.memory_space<hbm>>) dst(%arg12 : memref<128xi32, #tpu.memory_space<vmem>>)
      %dma_wait3A_131 = arith.constant 0 : i32
      %dma_wait3A_132 = arith.constant 0 : i32
      %dma_wait3A_133 = tpu.memref_slice %arg9[%dma_wait3A_131, %dma_wait3A_132] : memref<10016x128xf32, #tpu.memory_space<vmem_shared>> -> memref<10016x128xf32, #tpu.memory_space<vmem_shared>>
      tpu.wait_indirect_dma semaphore(%arg19 : memref<!tpu.dma_semaphore, #tpu.memory_space<semaphore_mem>>) src(%arg15 : memref<128x128xf32, #tpu.memory_space<vmem>>) dst(%dma_wait3A_133 : memref<10016x128xf32, #tpu.memory_space<vmem_shared>>)
      %add3A_134 = arith.constant 5024 : i32
      %add3A_135 = arith.addi %add3A, %add3A_134 : i32
      %min3A_136 = arith.constant 4999 : i32
      %min3A_137 = arith.minsi %add3A_135, %min3A_136 : i32
      %dma_wait3A_138 = arith.constant 0 : i32
      %dma_wait3A_139 = tpu.memref_slice %arg3[%min3A_137, %dma_wait3A_138] : memref<5000x128xi32, #tpu.memory_space<hbm>> -> memref<1x128xi32, #tpu.memory_space<hbm>>
      %dma_wait3A_140 = tpu.memref_squeeze %dma_wait3A_139 : memref<1x128xi32, #tpu.memory_space<hbm>> -> memref<128xi32, #tpu.memory_space<hbm>>
      %dma_wait3A_141 = arith.constant 0 : i32
      %dma_wait3A_142 = tpu.memref_slice %arg3[%min3A_137, %dma_wait3A_141] : memref<5000x128xi32, #tpu.memory_space<hbm>> -> memref<1x128xi32, #tpu.memory_space<hbm>>
      %dma_wait3A_143 = tpu.memref_squeeze %dma_wait3A_142 : memref<1x128xi32, #tpu.memory_space<hbm>> -> memref<128xi32, #tpu.memory_space<hbm>>
      tpu.wait_dma2 semaphore(%arg21 : memref<!tpu.dma_semaphore, #tpu.memory_space<semaphore_mem>>) src(%dma_wait3A_143 : memref<128xi32, #tpu.memory_space<hbm>>) dst(%arg11 : memref<128xi32, #tpu.memory_space<vmem>>)
    } else {
    }
    %barrier3A_115 = arith.constant 0 : index
    tpu.barrier barrier_id(%barrier3A_115)
    %mul3A_116 = arith.constant 626 : i32
    %mul3A_117 = arith.muli %arg1, %mul3A_116 : i32
    "tpu.region"() ({
      %run_scoped3A = tpu.sem_alloc : memref<!tpu.dma_semaphore, #tpu.memory_space<semaphore_mem>>
      %dma_start3A_118 = arith.constant 0 : i32
      %dma_start3A_119 = arith.constant 0 : i32
      %dma_start3A_120 = tpu.memref_slice %arg8[%add3A, %dma_start3A_118, %dma_start3A_119] : memref<32x626x128xf32, #tpu.memory_space<hbm>> -> memref<1x626x128xf32, #tpu.memory_space<hbm>>
      %dma_start3A_121 = tpu.memref_squeeze %dma_start3A_120 : memref<1x626x128xf32, #tpu.memory_space<hbm>> -> memref<626x128xf32, #tpu.memory_space<hbm>>
      %dma_start3A_122 = arith.constant 0 : i32
      %dma_start3A_123 = tpu.memref_slice %arg9[%mul3A_117, %dma_start3A_122] : memref<10016x128xf32, #tpu.memory_space<vmem_shared>> -> memref<626x128xf32, #tpu.memory_space<vmem_shared>>
      tpu.enqueue_dma source(%dma_start3A_123 : memref<626x128xf32, #tpu.memory_space<vmem_shared>>) target(%dma_start3A_121 : memref<626x128xf32, #tpu.memory_space<hbm>>) target_semaphore(%run_scoped3A : memref<!tpu.dma_semaphore, #tpu.memory_space<semaphore_mem>>)
      %dma_wait3A_124 = arith.constant 0 : i32
      %dma_wait3A_125 = arith.constant 0 : i32
      %dma_wait3A_126 = tpu.memref_slice %arg8[%add3A, %dma_wait3A_124, %dma_wait3A_125] : memref<32x626x128xf32, #tpu.memory_space<hbm>> -> memref<1x626x128xf32, #tpu.memory_space<hbm>>
      %dma_wait3A_127 = tpu.memref_squeeze %dma_wait3A_126 : memref<1x626x128xf32, #tpu.memory_space<hbm>> -> memref<626x128xf32, #tpu.memory_space<hbm>>
      %dma_wait3A_128 = arith.constant 0 : i32
      %dma_wait3A_129 = tpu.memref_slice %arg9[%mul3A_117, %dma_wait3A_128] : memref<10016x128xf32, #tpu.memory_space<vmem_shared>> -> memref<626x128xf32, #tpu.memory_space<vmem_shared>>
      tpu.wait_dma2 semaphore(%run_scoped3A : memref<!tpu.dma_semaphore, #tpu.memory_space<semaphore_mem>>) src(%dma_wait3A_129 : memref<626x128xf32, #tpu.memory_space<vmem_shared>>) dst(%dma_wait3A_127 : memref<626x128xf32, #tpu.memory_space<hbm>>)
      tpu.yield
    }) : () -> ()
    return
  }
}

module attributes {stable_mosaic.version = 14 : i64} {
  func.func @_mm2_body(%arg0: i32, %arg1: memref<1000x128xf32, #tpu.memory_space<vmem>>, %arg2: memref<128x128xf32, #tpu.memory_space<vmem>>, %arg3: memref<1x128xf32, #tpu.memory_space<vmem>>, %arg4: memref<128x128xf32, #tpu.memory_space<vmem>>, %arg5: memref<1x128xf32, #tpu.memory_space<vmem>>, %arg6: memref<1000x128xf32, #tpu.memory_space<vmem>>, %arg7: memref<1000x128xf32, #tpu.memory_space<vmem>>) attributes {dimension_semantics = [#tpu.dimension_semantics<arbitrary>], iteration_bounds = array<i64: 10>, scalar_prefetch = 0 : i64, scratch_operands = 0 : i64, tpu.core_type = #tpu.core_type<tc>, window_params = [{transform_indices = @transform_0, window_bounds = array<i64: 1000, 128>}, {pipeline_mode = #tpu.pipeline_mode<synchronous>, transform_indices = @transform_1, window_bounds = array<i64: 128, 128>}, {pipeline_mode = #tpu.pipeline_mode<synchronous>, transform_indices = @transform_2, window_bounds = array<i64: 1, 128>}, {pipeline_mode = #tpu.pipeline_mode<synchronous>, transform_indices = @transform_3, window_bounds = array<i64: 128, 128>}, {pipeline_mode = #tpu.pipeline_mode<synchronous>, transform_indices = @transform_4, window_bounds = array<i64: 1, 128>}, {transform_indices = @transform_5, window_bounds = array<i64: 1000, 128>}, {transform_indices = @transform_6, window_bounds = array<i64: 1000, 128>}]} {
    %get3A = arith.constant 0 : index
    %get3A_0 = arith.constant 0 : index
    %get3A_1 = vector.load %arg1[%get3A, %get3A_0] : memref<1000x128xf32, #tpu.memory_space<vmem>>, vector<1000x128xf32>
    %get3A_2 = arith.constant 0 : index
    %get3A_3 = arith.constant 0 : index
    %get3A_4 = vector.load %arg2[%get3A_2, %get3A_3] : memref<128x128xf32, #tpu.memory_space<vmem>>, vector<128x128xf32>
    %dot_general3A = arith.constant dense<0.000000e+00> : vector<1000x128xf32>
    %dot_general3A_5 = tpu.matmul %get3A_1, %get3A_4, %dot_general3A {dimension_numbers = #tpu.dot_dimension_numbers<[1], [0], [0], [1], [0, 0, 1, 1], [], []>, transpose_lhs_hint = false} : vector<1000x128xf32>, vector<128x128xf32>, vector<1000x128xf32> -> vector<1000x128xf32>
    %get3A_6 = arith.constant 0 : index
    %get3A_7 = arith.constant 0 : index
    %get3A_8 = vector.load %arg3[%get3A_6, %get3A_7] : memref<1x128xf32, #tpu.memory_space<vmem>>, vector<1x128xf32>
    %add3A = vector.broadcast %get3A_8 : vector<1x128xf32> to vector<1000x128xf32>
    %add3A_9 = arith.addf %dot_general3A_5, %add3A : vector<1000x128xf32>
    %swap3A = arith.constant 0 : index
    %swap3A_10 = arith.constant 0 : index
    %swap3A_11 = vector.load %arg6[%swap3A, %swap3A_10] : memref<1000x128xf32, #tpu.memory_space<vmem>>, vector<1000x128xf32>
    tpu.vector_store %arg6[%swap3A, %swap3A_10], %add3A_9 {strides = array<i32>} : memref<1000x128xf32, #tpu.memory_space<vmem>>, vector<1000x128xf32>,
    %get3A_12 = arith.constant 0 : index
    %get3A_13 = arith.constant 0 : index
    %get3A_14 = vector.load %arg4[%get3A_12, %get3A_13] : memref<128x128xf32, #tpu.memory_space<vmem>>, vector<128x128xf32>
    %dot_general3A_15 = arith.constant dense<0.000000e+00> : vector<1000x128xf32>
    %dot_general3A_16 = tpu.matmul %get3A_1, %get3A_14, %dot_general3A_15 {dimension_numbers = #tpu.dot_dimension_numbers<[1], [0], [0], [1], [0, 0, 1, 1], [], []>, transpose_lhs_hint = false} : vector<1000x128xf32>, vector<128x128xf32>, vector<1000x128xf32> -> vector<1000x128xf32>
    %get3A_17 = arith.constant 0 : index
    %get3A_18 = arith.constant 0 : index
    %get3A_19 = vector.load %arg5[%get3A_17, %get3A_18] : memref<1x128xf32, #tpu.memory_space<vmem>>, vector<1x128xf32>
    %add3A_20 = vector.broadcast %get3A_19 : vector<1x128xf32> to vector<1000x128xf32>
    %add3A_21 = arith.addf %dot_general3A_16, %add3A_20 : vector<1000x128xf32>
    %swap3A_22 = arith.constant 0 : index
    %swap3A_23 = arith.constant 0 : index
    %swap3A_24 = vector.load %arg7[%swap3A_22, %swap3A_23] : memref<1000x128xf32, #tpu.memory_space<vmem>>, vector<1000x128xf32>
    tpu.vector_store %arg7[%swap3A_22, %swap3A_23], %add3A_21 {strides = array<i32>} : memref<1000x128xf32, #tpu.memory_space<vmem>>, vector<1000x128xf32>,
    return
  }
  func.func @transform_0(%arg0: i32) -> (i32, i32) {
    %c0_i32 = arith.constant 0 : i32
    %c0_i32_0 = arith.constant 0 : i32
    return %arg0, %c0_i32 : i32, i32
  }
  func.func @transform_1(%arg0: i32) -> (i32, i32) {
    %c0_i32 = arith.constant 0 : i32
    %c0_i32_0 = arith.constant 0 : i32
    %c0_i32_1 = arith.constant 0 : i32
    return %c0_i32, %c0_i32_0 : i32, i32
  }
  func.func @transform_2(%arg0: i32) -> (i32, i32) {
    %c0_i32 = arith.constant 0 : i32
    %c0_i32_0 = arith.constant 0 : i32
    %c0_i32_1 = arith.constant 0 : i32
    return %c0_i32, %c0_i32_0 : i32, i32
  }
  func.func @transform_3(%arg0: i32) -> (i32, i32) {
    %c0_i32 = arith.constant 0 : i32
    %c0_i32_0 = arith.constant 0 : i32
    %c0_i32_1 = arith.constant 0 : i32
    return %c0_i32, %c0_i32_0 : i32, i32
  }
  func.func @transform_4(%arg0: i32) -> (i32, i32) {
    %c0_i32 = arith.constant 0 : i32
    %c0_i32_0 = arith.constant 0 : i32
    %c0_i32_1 = arith.constant 0 : i32
    return %c0_i32, %c0_i32_0 : i32, i32
  }
  func.func @transform_5(%arg0: i32) -> (i32, i32) {
    %c0_i32 = arith.constant 0 : i32
    %c0_i32_0 = arith.constant 0 : i32
    return %arg0, %c0_i32 : i32, i32
  }
  func.func @transform_6(%arg0: i32) -> (i32, i32) {
    %c0_i32 = arith.constant 0 : i32
    %c0_i32_0 = arith.constant 0 : i32
    return %arg0, %c0_i32 : i32, i32
  }
}

module attributes {stable_mosaic.version = 14 : i64} {
  func.func @body(%arg0: i32, %arg1: i32, %arg2: memref<1000x128xf32, #tpu.memory_space<vmem>>, %arg3: memref<2x1000x128xf32, #tpu.memory_space<vmem>>, %arg4: memref<2x1000x16xf32, #tpu.memory_space<vmem>>, %arg5: memref<1x128xf32, #tpu.memory_space<vmem>>, %arg6: memref<1x128xf32, #tpu.memory_space<vmem>>, %arg7: memref<1000x128xf32, #tpu.memory_space<vmem>>, %arg8: memref<128x128xf32, #tpu.memory_space<vmem>>, %arg9: memref<1x128xf32, #tpu.memory_space<vmem>>, %arg10: memref<128x128xf32, #tpu.memory_space<vmem>>, %arg11: memref<1x128xf32, #tpu.memory_space<vmem>>, %arg12: memref<1000x128xf32, #tpu.memory_space<vmem>>, %arg13: memref<1000x128xf32, #tpu.memory_space<vmem>>, %arg14: memref<10000x128xf32, #tpu.memory_space<vmem>>, %arg15: memref<8x128xf32, #tpu.memory_space<vmem>>) attributes {dimension_semantics = [#tpu.dimension_semantics<arbitrary>, #tpu.dimension_semantics<arbitrary>], iteration_bounds = array<i64: 2, 10>, scalar_prefetch = 0 : i64, scratch_operands = 2 : i64, tpu.core_type = #tpu.core_type<tc>, window_params = [{transform_indices = @transform_0, window_bounds = array<i64: 1000, 128>}, {transform_indices = @transform_1, window_bounds = array<i64: 2, 1000, 128>}, {transform_indices = @transform_2, window_bounds = array<i64: 2, 1000, 16>}, {pipeline_mode = #tpu.pipeline_mode<synchronous>, transform_indices = @transform_3, window_bounds = array<i64: 1, 128>}, {pipeline_mode = #tpu.pipeline_mode<synchronous>, transform_indices = @transform_4, window_bounds = array<i64: 1, 128>}, {transform_indices = @transform_5, window_bounds = array<i64: 1000, 128>}, {pipeline_mode = #tpu.pipeline_mode<synchronous>, transform_indices = @transform_6, window_bounds = array<i64: 128, 128>}, {pipeline_mode = #tpu.pipeline_mode<synchronous>, transform_indices = @transform_7, window_bounds = array<i64: 1, 128>}, {pipeline_mode = #tpu.pipeline_mode<synchronous>, transform_indices = @transform_8, window_bounds = array<i64: 128, 128>}, {pipeline_mode = #tpu.pipeline_mode<synchronous>, transform_indices = @transform_9, window_bounds = array<i64: 1, 128>}, {transform_indices = @transform_10, window_bounds = array<i64: 1000, 128>}, {transform_indices = @transform_11, window_bounds = array<i64: 1000, 128>}]} {
    %eq3A = arith.constant 0 : i32
    %eq3A_0 = arith.cmpi eq, %arg0, %eq3A : i32
    %convert_element_type3A = arith.extui %eq3A_0 : i1 to i32
    %cond3A = arith.constant 0 : i32
    %cond3A_1 = arith.cmpi ne, %convert_element_type3A, %cond3A : i32
    scf.if %cond3A_1 {
      %get3A = arith.constant 0 : index
      %get3A_7 = arith.constant 0 : index
      %get3A_8 = arith.constant 0 : index
      %get3A_9 = vector.load %arg4[%get3A, %get3A_7, %get3A_8] : memref<2x1000x16xf32, #tpu.memory_space<vmem>>, vector<1x1000x1xf32>
      %get3A_10 = vector.shape_cast %get3A_9 : vector<1x1000x1xf32> to vector<1000xf32>
      %get3A_11 = arith.constant 1 : index
      %get3A_12 = arith.constant 0 : index
      %get3A_13 = arith.constant 0 : index
      %get3A_14 = vector.load %arg4[%get3A_11, %get3A_12, %get3A_13] : memref<2x1000x16xf32, #tpu.memory_space<vmem>>, vector<1x1000x1xf32>
      %get3A_15 = vector.shape_cast %get3A_14 : vector<1x1000x1xf32> to vector<1000xf32>
      %add3A = arith.addf %get3A_10, %get3A_15 : vector<1000xf32>
      %add3A_16 = arith.constant 1.000000e+00 : f32
      %add3A_17 = vector.broadcast %add3A_16 : f32 to vector<1000xf32>
      %add3A_18 = arith.addf %add3A_17, %add3A : vector<1000xf32>
      %div3A = arith.constant 1.000000e+00 : f32
      %div3A_19 = vector.broadcast %div3A : f32 to vector<1000xf32>
      %div3A_20 = arith.divf %div3A_19, %add3A_18 : vector<1000xf32>
      %get3A_21 = arith.constant 0 : index
      %get3A_22 = arith.constant 0 : index
      %get3A_23 = vector.load %arg2[%get3A_21, %get3A_22] : memref<1000x128xf32, #tpu.memory_space<vmem>>, vector<1000x128xf32>
      %get3A_24 = arith.constant 0 : index
      %get3A_25 = arith.constant 0 : index
      %get3A_26 = arith.constant 0 : index
      %get3A_27 = vector.load %arg3[%get3A_24, %get3A_25, %get3A_26] : memref<2x1000x128xf32, #tpu.memory_space<vmem>>, vector<1x1000x128xf32>
      %get3A_28 = vector.shape_cast %get3A_27 : vector<1x1000x128xf32> to vector<1000x128xf32>
      %add3A_29 = arith.addf %get3A_23, %get3A_28 : vector<1000x128xf32>
      %get3A_30 = arith.constant 1 : index
      %get3A_31 = arith.constant 0 : index
      %get3A_32 = arith.constant 0 : index
      %get3A_33 = vector.load %arg3[%get3A_30, %get3A_31, %get3A_32] : memref<2x1000x128xf32, #tpu.memory_space<vmem>>, vector<1x1000x128xf32>
      %get3A_34 = vector.shape_cast %get3A_33 : vector<1x1000x128xf32> to vector<1000x128xf32>
      %add3A_35 = arith.addf %add3A_29, %get3A_34 : vector<1000x128xf32>
      %broadcast_in_dim3A = vector.shape_cast %div3A_20 : vector<1000xf32> to vector<1000x1xf32>
      %mul3A = vector.broadcast %broadcast_in_dim3A : vector<1000x1xf32> to vector<1000x128xf32>
      %mul3A_36 = arith.mulf %add3A_35, %mul3A : vector<1000x128xf32>
      %mul3A_37 = arith.constant 1000 : i32
      %mul3A_38 = arith.muli %arg1, %mul3A_37 : i32
      %swap3A = arith.index_cast %mul3A_38 : i32 to index
      %swap3A_39 = arith.constant 0 : index
      %swap3A_40 = vector.load %arg14[%swap3A, %swap3A_39] : memref<10000x128xf32, #tpu.memory_space<vmem>>, vector<1000x128xf32>
      tpu.vector_store %arg14[%swap3A, %swap3A_39], %mul3A_36 {strides = array<i32>} : memref<10000x128xf32, #tpu.memory_space<vmem>>, vector<1000x128xf32>,
      %reduce_sum3A = arith.constant dense<0.000000e+00> : vector<128xf32>
      %reduce_sum3A_41 = vector.multi_reduction <add>, %mul3A_36, %reduce_sum3A [0] : vector<1000x128xf32> to vector<128xf32>
      %mul3A_42 = arith.mulf %mul3A_36, %mul3A_36 : vector<1000x128xf32>
      %reduce_sum3A_43 = arith.constant dense<0.000000e+00> : vector<128xf32>
      %reduce_sum3A_44 = vector.multi_reduction <add>, %mul3A_42, %reduce_sum3A_43 [0] : vector<1000x128xf32> to vector<128xf32>
      %broadcast_in_dim3A_45 = vector.shape_cast %reduce_sum3A_41 : vector<128xf32> to vector<1x128xf32>
      %broadcast_in_dim3A_46 = vector.shape_cast %reduce_sum3A_44 : vector<128xf32> to vector<1x128xf32>
      %broadcast_in_dim3A_47 = arith.constant 0.000000e+00 : f32
      %broadcast_in_dim3A_48 = vector.broadcast %broadcast_in_dim3A_47 : f32 to vector<6x128xf32>
      %concatenate3A = tpu.concatenate %broadcast_in_dim3A_45, %broadcast_in_dim3A_46, %broadcast_in_dim3A_48 in 0 : vector<1x128xf32>, vector<1x128xf32>, vector<6x128xf32> -> vector<8x128xf32>
      %eq3A_49 = arith.constant 0 : i32
      %eq3A_50 = arith.cmpi eq, %arg1, %eq3A_49 : i32
      %convert_element_type3A_51 = arith.extui %eq3A_50 : i1 to i32
      %cond3A_52 = arith.constant 0 : i32
      %cond3A_53 = arith.cmpi ne, %convert_element_type3A_51, %cond3A_52 : i32
      scf.if %cond3A_53 {
        %swap3A_58 = arith.constant 0 : index
        %swap3A_59 = arith.constant 0 : index
        %swap3A_60 = vector.load %arg15[%swap3A_58, %swap3A_59] : memref<8x128xf32, #tpu.memory_space<vmem>>, vector<8x128xf32>
        tpu.vector_store %arg15[%swap3A_58, %swap3A_59], %concatenate3A {strides = array<i32>} : memref<8x128xf32, #tpu.memory_space<vmem>>, vector<8x128xf32>,
      } else {
      }
      %gt3A = arith.constant 0 : i32
      %gt3A_54 = arith.cmpi sgt, %arg1, %gt3A : i32
      %convert_element_type3A_55 = arith.extui %gt3A_54 : i1 to i32
      %cond3A_56 = arith.constant 0 : i32
      %cond3A_57 = arith.cmpi ne, %convert_element_type3A_55, %cond3A_56 : i32
      scf.if %cond3A_57 {
        %get3A_58 = arith.constant 0 : index
        %get3A_59 = arith.constant 0 : index
        %get3A_60 = vector.load %arg15[%get3A_58, %get3A_59] : memref<8x128xf32, #tpu.memory_space<vmem>>, vector<8x128xf32>
        %add3A_61 = arith.addf %get3A_60, %concatenate3A : vector<8x128xf32>
        %swap3A_62 = arith.constant 0 : index
        %swap3A_63 = arith.constant 0 : index
        %swap3A_64 = vector.load %arg15[%swap3A_62, %swap3A_63] : memref<8x128xf32, #tpu.memory_space<vmem>>, vector<8x128xf32>
        tpu.vector_store %arg15[%swap3A_62, %swap3A_63], %add3A_61 {strides = array<i32>} : memref<8x128xf32, #tpu.memory_space<vmem>>, vector<8x128xf32>,
      } else {
      }
    } else {
    }
    %eq3A_2 = arith.constant 1 : i32
    %eq3A_3 = arith.cmpi eq, %arg0, %eq3A_2 : i32
    %convert_element_type3A_4 = arith.extui %eq3A_3 : i1 to i32
    %cond3A_5 = arith.constant 0 : i32
    %cond3A_6 = arith.cmpi ne, %convert_element_type3A_4, %cond3A_5 : i32
    scf.if %cond3A_6 {
      %get3A = arith.constant 0 : index
      %get3A_7 = arith.constant 0 : index
      %get3A_8 = vector.load %arg15[%get3A, %get3A_7] : memref<8x128xf32, #tpu.memory_space<vmem>>, vector<1x128xf32>
      %get3A_9 = vector.shape_cast %get3A_8 : vector<1x128xf32> to vector<128xf32>
      %div3A = arith.constant 1.000000e+04 : f32
      %div3A_10 = vector.broadcast %div3A : f32 to vector<128xf32>
      %div3A_11 = arith.divf %get3A_9, %div3A_10 : vector<128xf32>
      %get3A_12 = arith.constant 1 : index
      %get3A_13 = arith.constant 0 : index
      %get3A_14 = vector.load %arg15[%get3A_12, %get3A_13] : memref<8x128xf32, #tpu.memory_space<vmem>>, vector<1x128xf32>
      %get3A_15 = vector.shape_cast %get3A_14 : vector<1x128xf32> to vector<128xf32>
      %div3A_16 = arith.constant 1.000000e+04 : f32
      %div3A_17 = vector.broadcast %div3A_16 : f32 to vector<128xf32>
      %div3A_18 = arith.divf %get3A_15, %div3A_17 : vector<128xf32>
      %mul3A = arith.mulf %div3A_11, %div3A_11 : vector<128xf32>
      %sub3A = arith.subf %div3A_18, %mul3A : vector<128xf32>
      %get3A_19 = arith.constant 0 : index
      %get3A_20 = arith.constant 0 : index
      %get3A_21 = vector.load %arg5[%get3A_19, %get3A_20] : memref<1x128xf32, #tpu.memory_space<vmem>>, vector<1x128xf32>
      %get3A_22 = vector.shape_cast %get3A_21 : vector<1x128xf32> to vector<128xf32>
      %add3A = arith.constant 9.99999974E-6 : f32
      %add3A_23 = vector.broadcast %add3A : f32 to vector<128xf32>
      %add3A_24 = arith.addf %sub3A, %add3A_23 : vector<128xf32>
      %rsqrt3A = math.rsqrt %add3A_24 : vector<128xf32>
      %mul3A_25 = arith.mulf %get3A_22, %rsqrt3A : vector<128xf32>
      %mul3A_26 = arith.constant 1000 : i32
      %mul3A_27 = arith.muli %arg1, %mul3A_26 : i32
      %get3A_28 = arith.index_cast %mul3A_27 : i32 to index
      %get3A_29 = arith.constant 0 : index
      %get3A_30 = vector.load %arg14[%get3A_28, %get3A_29] : memref<10000x128xf32, #tpu.memory_space<vmem>>, vector<1000x128xf32>
      %broadcast_in_dim3A = vector.shape_cast %div3A_11 : vector<128xf32> to vector<1x128xf32>
      %sub3A_31 = vector.broadcast %broadcast_in_dim3A : vector<1x128xf32> to vector<1000x128xf32>
      %sub3A_32 = arith.subf %get3A_30, %sub3A_31 : vector<1000x128xf32>
      %broadcast_in_dim3A_33 = vector.shape_cast %mul3A_25 : vector<128xf32> to vector<1x128xf32>
      %mul3A_34 = vector.broadcast %broadcast_in_dim3A_33 : vector<1x128xf32> to vector<1000x128xf32>
      %mul3A_35 = arith.mulf %sub3A_32, %mul3A_34 : vector<1000x128xf32>
      %get3A_36 = arith.constant 0 : index
      %get3A_37 = arith.constant 0 : index
      %get3A_38 = vector.load %arg6[%get3A_36, %get3A_37] : memref<1x128xf32, #tpu.memory_space<vmem>>, vector<1x128xf32>
      %get3A_39 = vector.shape_cast %get3A_38 : vector<1x128xf32> to vector<128xf32>
      %broadcast_in_dim3A_40 = vector.shape_cast %get3A_39 : vector<128xf32> to vector<1x128xf32>
      %add3A_41 = vector.broadcast %broadcast_in_dim3A_40 : vector<1x128xf32> to vector<1000x128xf32>
      %add3A_42 = arith.addf %mul3A_35, %add3A_41 : vector<1000x128xf32>
      %max3A = arith.constant 0.000000e+00 : f32
      %max3A_43 = vector.broadcast %max3A : f32 to vector<1000x128xf32>
      %max3A_44 = arith.maximumf %add3A_42, %max3A_43 : vector<1000x128xf32>
      %get3A_45 = arith.constant 0 : index
      %get3A_46 = arith.constant 0 : index
      %get3A_47 = vector.load %arg8[%get3A_45, %get3A_46] : memref<128x128xf32, #tpu.memory_space<vmem>>, vector<128x128xf32>
      %dot_general3A = arith.constant dense<0.000000e+00> : vector<1000x128xf32>
      %dot_general3A_48 = tpu.matmul %max3A_44, %get3A_47, %dot_general3A {dimension_numbers = #tpu.dot_dimension_numbers<[1], [0], [0], [1], [0, 0, 1, 1], [], []>, transpose_lhs_hint = false} : vector<1000x128xf32>, vector<128x128xf32>, vector<1000x128xf32> -> vector<1000x128xf32>
      %get3A_49 = arith.constant 0 : index
      %get3A_50 = arith.constant 0 : index
      %get3A_51 = vector.load %arg9[%get3A_49, %get3A_50] : memref<1x128xf32, #tpu.memory_space<vmem>>, vector<1x128xf32>
      %add3A_52 = vector.broadcast %get3A_51 : vector<1x128xf32> to vector<1000x128xf32>
      %add3A_53 = arith.addf %dot_general3A_48, %add3A_52 : vector<1000x128xf32>
      %swap3A = arith.constant 0 : index
      %swap3A_54 = arith.constant 0 : index
      %swap3A_55 = vector.load %arg12[%swap3A, %swap3A_54] : memref<1000x128xf32, #tpu.memory_space<vmem>>, vector<1000x128xf32>
      tpu.vector_store %arg12[%swap3A, %swap3A_54], %add3A_53 {strides = array<i32>} : memref<1000x128xf32, #tpu.memory_space<vmem>>, vector<1000x128xf32>,
      %get3A_56 = arith.constant 0 : index
      %get3A_57 = arith.constant 0 : index
      %get3A_58 = vector.load %arg10[%get3A_56, %get3A_57] : memref<128x128xf32, #tpu.memory_space<vmem>>, vector<128x128xf32>
      %dot_general3A_59 = arith.constant dense<0.000000e+00> : vector<1000x128xf32>
      %dot_general3A_60 = tpu.matmul %max3A_44, %get3A_58, %dot_general3A_59 {dimension_numbers = #tpu.dot_dimension_numbers<[1], [0], [0], [1], [0, 0, 1, 1], [], []>, transpose_lhs_hint = false} : vector<1000x128xf32>, vector<128x128xf32>, vector<1000x128xf32> -> vector<1000x128xf32>
      %get3A_61 = arith.constant 0 : index
      %get3A_62 = arith.constant 0 : index
      %get3A_63 = vector.load %arg11[%get3A_61, %get3A_62] : memref<1x128xf32, #tpu.memory_space<vmem>>, vector<1x128xf32>
      %add3A_64 = vector.broadcast %get3A_63 : vector<1x128xf32> to vector<1000x128xf32>
      %add3A_65 = arith.addf %dot_general3A_60, %add3A_64 : vector<1000x128xf32>
      %swap3A_66 = arith.constant 0 : index
      %swap3A_67 = arith.constant 0 : index
      %swap3A_68 = vector.load %arg13[%swap3A_66, %swap3A_67] : memref<1000x128xf32, #tpu.memory_space<vmem>>, vector<1000x128xf32>
      tpu.vector_store %arg13[%swap3A_66, %swap3A_67], %add3A_65 {strides = array<i32>} : memref<1000x128xf32, #tpu.memory_space<vmem>>, vector<1000x128xf32>,
    } else {
    }
    return
  }
  func.func @transform_0(%arg0: i32, %arg1: i32) -> (i32, i32) {
    %c0_i32 = arith.constant 0 : i32
    %c0_i32_0 = arith.constant 0 : i32
    return %arg1, %c0_i32 : i32, i32
  }
  func.func @transform_1(%arg0: i32, %arg1: i32) -> (i32, i32, i32) {
    %c0_i32 = arith.constant 0 : i32
    %c0_i32_0 = arith.constant 0 : i32
    %c0_i32_1 = arith.constant 0 : i32
    return %c0_i32, %arg1, %c0_i32_0 : i32, i32, i32
  }
  func.func @transform_2(%arg0: i32, %arg1: i32) -> (i32, i32, i32) {
    %c0_i32 = arith.constant 0 : i32
    %c0_i32_0 = arith.constant 0 : i32
    %c0_i32_1 = arith.constant 0 : i32
    return %c0_i32, %arg1, %c0_i32_0 : i32, i32, i32
  }
  func.func @transform_3(%arg0: i32, %arg1: i32) -> (i32, i32) {
    %c0_i32 = arith.constant 0 : i32
    %c0_i32_0 = arith.constant 0 : i32
    %c0_i32_1 = arith.constant 0 : i32
    return %c0_i32, %c0_i32_0 : i32, i32
  }
  func.func @transform_4(%arg0: i32, %arg1: i32) -> (i32, i32) {
    %c0_i32 = arith.constant 0 : i32
    %c0_i32_0 = arith.constant 0 : i32
    %c0_i32_1 = arith.constant 0 : i32
    return %c0_i32, %c0_i32_0 : i32, i32
  }
  func.func @transform_5(%arg0: i32, %arg1: i32) -> (i32, i32) {
    %c0_i32 = arith.constant 0 : i32
    %c0_i32_0 = arith.constant 0 : i32
    return %arg1, %c0_i32 : i32, i32
  }
  func.func @transform_6(%arg0: i32, %arg1: i32) -> (i32, i32) {
    %c0_i32 = arith.constant 0 : i32
    %c0_i32_0 = arith.constant 0 : i32
    %c0_i32_1 = arith.constant 0 : i32
    return %c0_i32, %c0_i32_0 : i32, i32
  }
  func.func @transform_7(%arg0: i32, %arg1: i32) -> (i32, i32) {
    %c0_i32 = arith.constant 0 : i32
    %c0_i32_0 = arith.constant 0 : i32
    %c0_i32_1 = arith.constant 0 : i32
    return %c0_i32, %c0_i32_0 : i32, i32
  }
  func.func @transform_8(%arg0: i32, %arg1: i32) -> (i32, i32) {
    %c0_i32 = arith.constant 0 : i32
    %c0_i32_0 = arith.constant 0 : i32
    %c0_i32_1 = arith.constant 0 : i32
    return %c0_i32, %c0_i32_0 : i32, i32
  }
  func.func @transform_9(%arg0: i32, %arg1: i32) -> (i32, i32) {
    %c0_i32 = arith.constant 0 : i32
    %c0_i32_0 = arith.constant 0 : i32
    %c0_i32_1 = arith.constant 0 : i32
    return %c0_i32, %c0_i32_0 : i32, i32
  }
  func.func @transform_10(%arg0: i32, %arg1: i32) -> (i32, i32) {
    %c0_i32 = arith.constant 0 : i32
    %c0_i32_0 = arith.constant 0 : i32
    return %arg1, %c0_i32 : i32, i32
  }
  func.func @transform_11(%arg0: i32, %arg1: i32) -> (i32, i32) {
    %c0_i32 = arith.constant 0 : i32
    %c0_i32_0 = arith.constant 0 : i32
    return %arg1, %c0_i32 : i32, i32
  }
}

module attributes {stable_mosaic.version = 14 : i64} {
  func.func @body(%arg0: i32, %arg1: i32, %arg2: memref<1000x128xf32, #tpu.memory_space<vmem>>, %arg3: memref<2x1000x128xf32, #tpu.memory_space<vmem>>, %arg4: memref<2x1000x16xf32, #tpu.memory_space<vmem>>, %arg5: memref<1x128xf32, #tpu.memory_space<vmem>>, %arg6: memref<1x128xf32, #tpu.memory_space<vmem>>, %arg7: memref<1000x128xf32, #tpu.memory_space<vmem>>, %arg8: memref<128x128xf32, #tpu.memory_space<vmem>>, %arg9: memref<1x128xf32, #tpu.memory_space<vmem>>, %arg10: memref<128x128xf32, #tpu.memory_space<vmem>>, %arg11: memref<1x128xf32, #tpu.memory_space<vmem>>, %arg12: memref<1000x128xf32, #tpu.memory_space<vmem>>, %arg13: memref<10000x128xf32, #tpu.memory_space<vmem>>, %arg14: memref<8x128xf32, #tpu.memory_space<vmem>>) attributes {dimension_semantics = [#tpu.dimension_semantics<arbitrary>, #tpu.dimension_semantics<arbitrary>], iteration_bounds = array<i64: 2, 10>, scalar_prefetch = 0 : i64, scratch_operands = 2 : i64, tpu.core_type = #tpu.core_type<tc>, window_params = [{transform_indices = @transform_0, window_bounds = array<i64: 1000, 128>}, {transform_indices = @transform_1, window_bounds = array<i64: 2, 1000, 128>}, {transform_indices = @transform_2, window_bounds = array<i64: 2, 1000, 16>}, {pipeline_mode = #tpu.pipeline_mode<synchronous>, transform_indices = @transform_3, window_bounds = array<i64: 1, 128>}, {pipeline_mode = #tpu.pipeline_mode<synchronous>, transform_indices = @transform_4, window_bounds = array<i64: 1, 128>}, {transform_indices = @transform_5, window_bounds = array<i64: 1000, 128>}, {pipeline_mode = #tpu.pipeline_mode<synchronous>, transform_indices = @transform_6, window_bounds = array<i64: 128, 128>}, {pipeline_mode = #tpu.pipeline_mode<synchronous>, transform_indices = @transform_7, window_bounds = array<i64: 1, 128>}, {pipeline_mode = #tpu.pipeline_mode<synchronous>, transform_indices = @transform_8, window_bounds = array<i64: 128, 128>}, {pipeline_mode = #tpu.pipeline_mode<synchronous>, transform_indices = @transform_9, window_bounds = array<i64: 1, 128>}, {transform_indices = @transform_10, window_bounds = array<i64: 1000, 128>}]} {
    %eq3A = arith.constant 0 : i32
    %eq3A_0 = arith.cmpi eq, %arg0, %eq3A : i32
    %convert_element_type3A = arith.extui %eq3A_0 : i1 to i32
    %cond3A = arith.constant 0 : i32
    %cond3A_1 = arith.cmpi ne, %convert_element_type3A, %cond3A : i32
    scf.if %cond3A_1 {
      %get3A = arith.constant 0 : index
      %get3A_7 = arith.constant 0 : index
      %get3A_8 = arith.constant 0 : index
      %get3A_9 = vector.load %arg4[%get3A, %get3A_7, %get3A_8] : memref<2x1000x16xf32, #tpu.memory_space<vmem>>, vector<1x1000x1xf32>
      %get3A_10 = vector.shape_cast %get3A_9 : vector<1x1000x1xf32> to vector<1000xf32>
      %get3A_11 = arith.constant 1 : index
      %get3A_12 = arith.constant 0 : index
      %get3A_13 = arith.constant 0 : index
      %get3A_14 = vector.load %arg4[%get3A_11, %get3A_12, %get3A_13] : memref<2x1000x16xf32, #tpu.memory_space<vmem>>, vector<1x1000x1xf32>
      %get3A_15 = vector.shape_cast %get3A_14 : vector<1x1000x1xf32> to vector<1000xf32>
      %add3A = arith.addf %get3A_10, %get3A_15 : vector<1000xf32>
      %add3A_16 = arith.constant 1.000000e+00 : f32
      %add3A_17 = vector.broadcast %add3A_16 : f32 to vector<1000xf32>
      %add3A_18 = arith.addf %add3A_17, %add3A : vector<1000xf32>
      %div3A = arith.constant 1.000000e+00 : f32
      %div3A_19 = vector.broadcast %div3A : f32 to vector<1000xf32>
      %div3A_20 = arith.divf %div3A_19, %add3A_18 : vector<1000xf32>
      %get3A_21 = arith.constant 0 : index
      %get3A_22 = arith.constant 0 : index
      %get3A_23 = vector.load %arg2[%get3A_21, %get3A_22] : memref<1000x128xf32, #tpu.memory_space<vmem>>, vector<1000x128xf32>
      %get3A_24 = arith.constant 0 : index
      %get3A_25 = arith.constant 0 : index
      %get3A_26 = arith.constant 0 : index
      %get3A_27 = vector.load %arg3[%get3A_24, %get3A_25, %get3A_26] : memref<2x1000x128xf32, #tpu.memory_space<vmem>>, vector<1x1000x128xf32>
      %get3A_28 = vector.shape_cast %get3A_27 : vector<1x1000x128xf32> to vector<1000x128xf32>
      %add3A_29 = arith.addf %get3A_23, %get3A_28 : vector<1000x128xf32>
      %get3A_30 = arith.constant 1 : index
      %get3A_31 = arith.constant 0 : index
      %get3A_32 = arith.constant 0 : index
      %get3A_33 = vector.load %arg3[%get3A_30, %get3A_31, %get3A_32] : memref<2x1000x128xf32, #tpu.memory_space<vmem>>, vector<1x1000x128xf32>
      %get3A_34 = vector.shape_cast %get3A_33 : vector<1x1000x128xf32> to vector<1000x128xf32>
      %add3A_35 = arith.addf %add3A_29, %get3A_34 : vector<1000x128xf32>
      %broadcast_in_dim3A = vector.shape_cast %div3A_20 : vector<1000xf32> to vector<1000x1xf32>
      %mul3A = vector.broadcast %broadcast_in_dim3A : vector<1000x1xf32> to vector<1000x128xf32>
      %mul3A_36 = arith.mulf %add3A_35, %mul3A : vector<1000x128xf32>
      %mul3A_37 = arith.constant 1000 : i32
      %mul3A_38 = arith.muli %arg1, %mul3A_37 : i32
      %swap3A = arith.index_cast %mul3A_38 : i32 to index
      %swap3A_39 = arith.constant 0 : index
      %swap3A_40 = vector.load %arg13[%swap3A, %swap3A_39] : memref<10000x128xf32, #tpu.memory_space<vmem>>, vector<1000x128xf32>
      tpu.vector_store %arg13[%swap3A, %swap3A_39], %mul3A_36 {strides = array<i32>} : memref<10000x128xf32, #tpu.memory_space<vmem>>, vector<1000x128xf32>,
      %reduce_sum3A = arith.constant dense<0.000000e+00> : vector<128xf32>
      %reduce_sum3A_41 = vector.multi_reduction <add>, %mul3A_36, %reduce_sum3A [0] : vector<1000x128xf32> to vector<128xf32>
      %mul3A_42 = arith.mulf %mul3A_36, %mul3A_36 : vector<1000x128xf32>
      %reduce_sum3A_43 = arith.constant dense<0.000000e+00> : vector<128xf32>
      %reduce_sum3A_44 = vector.multi_reduction <add>, %mul3A_42, %reduce_sum3A_43 [0] : vector<1000x128xf32> to vector<128xf32>
      %broadcast_in_dim3A_45 = vector.shape_cast %reduce_sum3A_41 : vector<128xf32> to vector<1x128xf32>
      %broadcast_in_dim3A_46 = vector.shape_cast %reduce_sum3A_44 : vector<128xf32> to vector<1x128xf32>
      %broadcast_in_dim3A_47 = arith.constant 0.000000e+00 : f32
      %broadcast_in_dim3A_48 = vector.broadcast %broadcast_in_dim3A_47 : f32 to vector<6x128xf32>
      %concatenate3A = tpu.concatenate %broadcast_in_dim3A_45, %broadcast_in_dim3A_46, %broadcast_in_dim3A_48 in 0 : vector<1x128xf32>, vector<1x128xf32>, vector<6x128xf32> -> vector<8x128xf32>
      %eq3A_49 = arith.constant 0 : i32
      %eq3A_50 = arith.cmpi eq, %arg1, %eq3A_49 : i32
      %convert_element_type3A_51 = arith.extui %eq3A_50 : i1 to i32
      %cond3A_52 = arith.constant 0 : i32
      %cond3A_53 = arith.cmpi ne, %convert_element_type3A_51, %cond3A_52 : i32
      scf.if %cond3A_53 {
        %swap3A_58 = arith.constant 0 : index
        %swap3A_59 = arith.constant 0 : index
        %swap3A_60 = vector.load %arg14[%swap3A_58, %swap3A_59] : memref<8x128xf32, #tpu.memory_space<vmem>>, vector<8x128xf32>
        tpu.vector_store %arg14[%swap3A_58, %swap3A_59], %concatenate3A {strides = array<i32>} : memref<8x128xf32, #tpu.memory_space<vmem>>, vector<8x128xf32>,
      } else {
      }
      %gt3A = arith.constant 0 : i32
      %gt3A_54 = arith.cmpi sgt, %arg1, %gt3A : i32
      %convert_element_type3A_55 = arith.extui %gt3A_54 : i1 to i32
      %cond3A_56 = arith.constant 0 : i32
      %cond3A_57 = arith.cmpi ne, %convert_element_type3A_55, %cond3A_56 : i32
      scf.if %cond3A_57 {
        %get3A_58 = arith.constant 0 : index
        %get3A_59 = arith.constant 0 : index
        %get3A_60 = vector.load %arg14[%get3A_58, %get3A_59] : memref<8x128xf32, #tpu.memory_space<vmem>>, vector<8x128xf32>
        %add3A_61 = arith.addf %get3A_60, %concatenate3A : vector<8x128xf32>
        %swap3A_62 = arith.constant 0 : index
        %swap3A_63 = arith.constant 0 : index
        %swap3A_64 = vector.load %arg14[%swap3A_62, %swap3A_63] : memref<8x128xf32, #tpu.memory_space<vmem>>, vector<8x128xf32>
        tpu.vector_store %arg14[%swap3A_62, %swap3A_63], %add3A_61 {strides = array<i32>} : memref<8x128xf32, #tpu.memory_space<vmem>>, vector<8x128xf32>,
      } else {
      }
    } else {
    }
    %eq3A_2 = arith.constant 1 : i32
    %eq3A_3 = arith.cmpi eq, %arg0, %eq3A_2 : i32
    %convert_element_type3A_4 = arith.extui %eq3A_3 : i1 to i32
    %cond3A_5 = arith.constant 0 : i32
    %cond3A_6 = arith.cmpi ne, %convert_element_type3A_4, %cond3A_5 : i32
    scf.if %cond3A_6 {
      %get3A = arith.constant 0 : index
      %get3A_7 = arith.constant 0 : index
      %get3A_8 = vector.load %arg14[%get3A, %get3A_7] : memref<8x128xf32, #tpu.memory_space<vmem>>, vector<1x128xf32>
      %get3A_9 = vector.shape_cast %get3A_8 : vector<1x128xf32> to vector<128xf32>
      %div3A = arith.constant 1.000000e+04 : f32
      %div3A_10 = vector.broadcast %div3A : f32 to vector<128xf32>
      %div3A_11 = arith.divf %get3A_9, %div3A_10 : vector<128xf32>
      %get3A_12 = arith.constant 1 : index
      %get3A_13 = arith.constant 0 : index
      %get3A_14 = vector.load %arg14[%get3A_12, %get3A_13] : memref<8x128xf32, #tpu.memory_space<vmem>>, vector<1x128xf32>
      %get3A_15 = vector.shape_cast %get3A_14 : vector<1x128xf32> to vector<128xf32>
      %div3A_16 = arith.constant 1.000000e+04 : f32
      %div3A_17 = vector.broadcast %div3A_16 : f32 to vector<128xf32>
      %div3A_18 = arith.divf %get3A_15, %div3A_17 : vector<128xf32>
      %mul3A = arith.mulf %div3A_11, %div3A_11 : vector<128xf32>
      %sub3A = arith.subf %div3A_18, %mul3A : vector<128xf32>
      %get3A_19 = arith.constant 0 : index
      %get3A_20 = arith.constant 0 : index
      %get3A_21 = vector.load %arg5[%get3A_19, %get3A_20] : memref<1x128xf32, #tpu.memory_space<vmem>>, vector<1x128xf32>
      %get3A_22 = vector.shape_cast %get3A_21 : vector<1x128xf32> to vector<128xf32>
      %add3A = arith.constant 9.99999974E-6 : f32
      %add3A_23 = vector.broadcast %add3A : f32 to vector<128xf32>
      %add3A_24 = arith.addf %sub3A, %add3A_23 : vector<128xf32>
      %rsqrt3A = math.rsqrt %add3A_24 : vector<128xf32>
      %mul3A_25 = arith.mulf %get3A_22, %rsqrt3A : vector<128xf32>
      %mul3A_26 = arith.constant 1000 : i32
      %mul3A_27 = arith.muli %arg1, %mul3A_26 : i32
      %get3A_28 = arith.index_cast %mul3A_27 : i32 to index
      %get3A_29 = arith.constant 0 : index
      %get3A_30 = vector.load %arg13[%get3A_28, %get3A_29] : memref<10000x128xf32, #tpu.memory_space<vmem>>, vector<1000x128xf32>
      %broadcast_in_dim3A = vector.shape_cast %div3A_11 : vector<128xf32> to vector<1x128xf32>
      %sub3A_31 = vector.broadcast %broadcast_in_dim3A : vector<1x128xf32> to vector<1000x128xf32>
      %sub3A_32 = arith.subf %get3A_30, %sub3A_31 : vector<1000x128xf32>
      %broadcast_in_dim3A_33 = vector.shape_cast %mul3A_25 : vector<128xf32> to vector<1x128xf32>
      %mul3A_34 = vector.broadcast %broadcast_in_dim3A_33 : vector<1x128xf32> to vector<1000x128xf32>
      %mul3A_35 = arith.mulf %sub3A_32, %mul3A_34 : vector<1000x128xf32>
      %get3A_36 = arith.constant 0 : index
      %get3A_37 = arith.constant 0 : index
      %get3A_38 = vector.load %arg6[%get3A_36, %get3A_37] : memref<1x128xf32, #tpu.memory_space<vmem>>, vector<1x128xf32>
      %get3A_39 = vector.shape_cast %get3A_38 : vector<1x128xf32> to vector<128xf32>
      %broadcast_in_dim3A_40 = vector.shape_cast %get3A_39 : vector<128xf32> to vector<1x128xf32>
      %add3A_41 = vector.broadcast %broadcast_in_dim3A_40 : vector<1x128xf32> to vector<1000x128xf32>
      %add3A_42 = arith.addf %mul3A_35, %add3A_41 : vector<1000x128xf32>
      %get3A_43 = arith.constant 0 : index
      %get3A_44 = arith.constant 0 : index
      %get3A_45 = vector.load %arg7[%get3A_43, %get3A_44] : memref<1000x128xf32, #tpu.memory_space<vmem>>, vector<1000x128xf32>
      %add3A_46 = arith.addf %add3A_42, %get3A_45 : vector<1000x128xf32>
      %max3A = arith.constant 0.000000e+00 : f32
      %max3A_47 = vector.broadcast %max3A : f32 to vector<1000x128xf32>
      %max3A_48 = arith.maximumf %add3A_46, %max3A_47 : vector<1000x128xf32>
      %swap3A = arith.constant 0 : index
      %swap3A_49 = arith.constant 0 : index
      %swap3A_50 = vector.load %arg12[%swap3A, %swap3A_49] : memref<1000x128xf32, #tpu.memory_space<vmem>>, vector<1000x128xf32>
      tpu.vector_store %arg12[%swap3A, %swap3A_49], %max3A_48 {strides = array<i32>} : memref<1000x128xf32, #tpu.memory_space<vmem>>, vector<1000x128xf32>,
    } else {
    }
    return
  }
  func.func @transform_0(%arg0: i32, %arg1: i32) -> (i32, i32) {
    %c0_i32 = arith.constant 0 : i32
    %c0_i32_0 = arith.constant 0 : i32
    return %arg1, %c0_i32 : i32, i32
  }
  func.func @transform_1(%arg0: i32, %arg1: i32) -> (i32, i32, i32) {
    %c0_i32 = arith.constant 0 : i32
    %c0_i32_0 = arith.constant 0 : i32
    %c0_i32_1 = arith.constant 0 : i32
    return %c0_i32, %arg1, %c0_i32_0 : i32, i32, i32
  }
  func.func @transform_2(%arg0: i32, %arg1: i32) -> (i32, i32, i32) {
    %c0_i32 = arith.constant 0 : i32
    %c0_i32_0 = arith.constant 0 : i32
    %c0_i32_1 = arith.constant 0 : i32
    return %c0_i32, %arg1, %c0_i32_0 : i32, i32, i32
  }
  func.func @transform_3(%arg0: i32, %arg1: i32) -> (i32, i32) {
    %c0_i32 = arith.constant 0 : i32
    %c0_i32_0 = arith.constant 0 : i32
    %c0_i32_1 = arith.constant 0 : i32
    return %c0_i32, %c0_i32_0 : i32, i32
  }
  func.func @transform_4(%arg0: i32, %arg1: i32) -> (i32, i32) {
    %c0_i32 = arith.constant 0 : i32
    %c0_i32_0 = arith.constant 0 : i32
    %c0_i32_1 = arith.constant 0 : i32
    return %c0_i32, %c0_i32_0 : i32, i32
  }
  func.func @transform_5(%arg0: i32, %arg1: i32) -> (i32, i32) {
    %c0_i32 = arith.constant 0 : i32
    %c0_i32_0 = arith.constant 0 : i32
    return %arg1, %c0_i32 : i32, i32
  }
  func.func @transform_6(%arg0: i32, %arg1: i32) -> (i32, i32) {
    %c0_i32 = arith.constant 0 : i32
    %c0_i32_0 = arith.constant 0 : i32
    %c0_i32_1 = arith.constant 0 : i32
    return %c0_i32, %c0_i32_0 : i32, i32
  }
  func.func @transform_7(%arg0: i32, %arg1: i32) -> (i32, i32) {
    %c0_i32 = arith.constant 0 : i32
    %c0_i32_0 = arith.constant 0 : i32
    %c0_i32_1 = arith.constant 0 : i32
    return %c0_i32, %c0_i32_0 : i32, i32
  }
  func.func @transform_8(%arg0: i32, %arg1: i32) -> (i32, i32) {
    %c0_i32 = arith.constant 0 : i32
    %c0_i32_0 = arith.constant 0 : i32
    %c0_i32_1 = arith.constant 0 : i32
    return %c0_i32, %c0_i32_0 : i32, i32
  }
  func.func @transform_9(%arg0: i32, %arg1: i32) -> (i32, i32) {
    %c0_i32 = arith.constant 0 : i32
    %c0_i32_0 = arith.constant 0 : i32
    %c0_i32_1 = arith.constant 0 : i32
    return %c0_i32, %c0_i32_0 : i32, i32
  }
  func.func @transform_10(%arg0: i32, %arg1: i32) -> (i32, i32) {
    %c0_i32 = arith.constant 0 : i32
    %c0_i32_0 = arith.constant 0 : i32
    return %arg1, %c0_i32 : i32, i32
  }
}

</mosaic_0001>

<sc_bundles>
// kernel: kernel.12.cloned.1.call-start
scs
__scs_entry_jumppad:
0x0: {  	(pc) =	sbr.rel $0x88, $3  }
0x1: {  	(tag) =	ssettag $0x0;
	lr =	simm.s32 $0x1  }
0x2: {  	[smem:$0x3F8D] =	sst lr;
	_ =	strace $0xD0000000  }
0x3: {  	_ = 	snop  }
0x4: {  	_ = 	snop  }
0x5: {  	_ = 	snop  }
0x6: {  	_ = 	snop  }
0x7: {  	_ = 	snop  }
__scs_overlays_trampoline_lowered:
0x8: {  	[smem:$0x3F9C] =	sst s0  }
0x9: {  	[smem:$0x3F9D] =	sst s1  }
0xa: {  	[smem:$0x3F9E] =	sst s2  }
0xb: {  	[smem:$0x3F9F] =	sst s3  }
0xc: {  	[smem:$0x3FA0] =	sst s4  }
0xd: {  	[smem:$0x3FA1] =	sst s5  }
0xe: {  	[smem:$0x3FA2] =	sst s6  }
0xf: {  	[smem:$0x3FA3] =	sst s7  }
0x10: {  	[smem:$0x3FA4] =	sst s8  }
0x11: {  	[smem:$0x3FA5] =	sst s9;
	s0 =	simm.s32 @!p0 $0x0  }
0x12: {  	s1 =	sld [smem:$0x3F8B];
	s0 =	simm.s32 @p0 $0x1  }
0x13: {  	[smem:$0x3FA6] =	sst s0;
	s0 =	simm.s32 @!p1 $0x0  }
0x14: {  	s2 =	sld [smem:$0x3F8A];
	s0 =	simm.s32 @p1 $0x1  }
0x15: {  	[smem:$0x3FA7] =	sst s0;
	s0 =	simm.s32 @!p2 $0x0  }
0x16: {  	s3 =	sld [smem:$0x3FDB];
	s0 =	simm.s32 @p2 $0x1  }
0x17: {  	s4 =	simm.s32 $0x1BF5;
	[smem:$0x3FA9] =	sst s0  }
0x18: {  	s0 =	sld [smem:$0x3F8C];
	_ =	swait.ge [sflag:s4], $0x0  }
0x19: {  	s7 =	sld [smem:$0x3F8D]  }
0x1a: {  	s8 =	sadd.s32 $0xFFFFE003, lr  }
0x1b: {  	s9 =	sadd.s32 $0xFFFFFEF7, lr;
	s5 =	simm.s32 $0xFFFFFFFF;
	p2 =	slt.u32 s8, $0xFFFFF086  }
0x1c: {  	p1 =	slt.u32 s9, $0xF7A;
	s5 =	simm.s32 @!p2 $0x0  }
0x1d: {  	s5 =	simm.s32 @p1 $0x1;
	p0 =	seq.s32 s7, s2  }
0x1e: {  	s7 =	smul.u32 @!p0 $0xF7A, s2;
	p2 =	seq.s32 @!p0 s5, $0x0  }
0x1f: {  	s9 =	smul.u32 $0xF7A, s1;
	s8 =	simm.s32 @!p0 $0x1BF5;
	p2 =	por !p2, p0  }
0x20: {  	[sflag:s8] =	ssyncset.s32 @!p0 $0xFFFFF086;
	s6 =	sadd.s32 @!p0 s3, s7;
	s7 =	simm.s32 @!p0 $0x108  }
0x21: {  	s3 =	sadd.s32 s3, s9;
	s6 =	sadd.s32 @!p0 $0x88, s6;
	s7 =	simm.s32 @p2 $0x1082  }
0x22: {  	[simem:s7], [sflag:s8] =	dma.local @!p0 [hbm:s6], $0xF7A  }
0x23: {  	s9 =	sor.u32 $0xD0000000, s2;
	s6 =	simm.s32 $0x108;
	_ =	swait.ge @!p0 [sflag:s8], $0x0  }
0x24: {  	s3 =	sadd.s32 $0x88, s3;
	s6 =	simm.s32 @!p1 $0x1082;
	[sflag:s4] =	ssyncset.s32 $0xFFFFF086  }
0x25: {  	[simem:s6], [sflag:s4] =	dma.local [hbm:s3], $0xF7A  }
0x26: {  	[smem:$0x3F8D] =	sst s1;
	(tag) =	ssettag s2;
	_ =	strace s9  }
0x27: {  	s1 =	sld [smem:$0x3F9D]  }
0x28: {  	s2 =	sld [smem:$0x3F9E]  }
0x29: {  	s4 =	sld [smem:$0x3FA0]  }
0x2a: {  	p0 =	seq.s32 s5, $0x0;
	s5 =	sld [smem:$0x3FA1]  }
0x2b: {  	s6 =	sld [smem:$0x3FA2]  }
0x2c: {  	s7 =	sld [smem:$0x3FA3]  }
0x2d: {  	s3 =	simm.s32 $0x108;
	s8 =	sld [smem:$0x3FA4]  }
0x2e: {  	s3 =	simm.s32 @!p0 $0x1082;
	s9 =	sld [smem:$0x3FA5]  }
0x2f: {  	lr =	sadd.s32 s0, s3;
	s0 =	sld [smem:$0x3F9C]  }
0x30: {  	s3 =	sld [smem:$0x3F9F]  }
0x31: {  	[smem:$0x3FA8] =	sst s10  }
0x32: {  	s10 =	sld [smem:$0x3FA6];
	_ =	sdelay $0x3  }
0x33: {  	p0 =	seq.s32 s10, $0x1;
	s10 =	sld [smem:$0x3FA8];
	_ =	sdelay $0x3  }
0x34: {  	[smem:$0x3FA8] =	sst s10  }
0x35: {  	s10 =	sld [smem:$0x3FA7];
	_ =	sdelay $0x3  }
0x36: {  	p1 =	seq.s32 s10, $0x1;
	s10 =	sld [smem:$0x3FA8];
	_ =	sdelay $0x3  }
0x37: {  	[smem:$0x3FA8] =	sst s10  }
0x38: {  	s10 =	sld [smem:$0x3FA9]  }
0x39: {  	_ = 	snop;
	(pc) =	sbr.ind lr, $3  }
0x3a: {  	_ = 	snop  }
0x3b: {  	_ = 	snop  }
0x3c: {  	p2 =	seq.s32 s10, $0x1;
	s10 =	sld [smem:$0x3FA8]  }
0x3d: {  	_ =	shalt  }
0x3e: {  	_ =	shalt  }
0x3f: {  	_ =	shalt  }
0x40: {  	_ =	shalt  }
0x41: {  	_ =	shalt  }
0x42: {  	_ =	shalt  }
0x43: {  	_ =	shalt  }
0x44: {  	_ =	shalt  }
0x45: {  	_ =	shalt  }
0x46: {  	_ =	shalt  }
0x47: {  	_ =	shalt  }
0x48: {  	_ =	shalt  }
0x49: {  	_ =	shalt  }
0x4a: {  	_ =	shalt  }
0x4b: {  	_ =	shalt  }
0x4c: {  	_ =	shalt  }
0x4d: {  	_ =	shalt  }
0x4e: {  	_ =	shalt  }
0x4f: {  	_ =	shalt  }
0x50: {  	_ =	shalt  }
0x51: {  	_ =	shalt  }
0x52: {  	_ =	shalt  }
0x53: {  	_ =	shalt  }
0x54: {  	_ =	shalt  }
0x55: {  	_ =	shalt  }
0x56: {  	_ =	shalt  }
0x57: {  	_ =	shalt  }
0x58: {  	_ =	shalt  }
0x59: {  	_ =	shalt  }
0x5a: {  	_ =	shalt  }
0x5b: {  	_ =	shalt  }
0x5c: {  	_ =	shalt  }
0x5d: {  	_ =	shalt  }
0x5e: {  	_ =	shalt  }
0x5f: {  	_ =	shalt  }
0x60: {  	_ =	shalt  }
0x61: {  	_ =	shalt  }
0x62: {  	_ =	shalt  }
0x63: {  	_ =	shalt  }
0x64: {  	_ =	shalt  }
0x65: {  	_ =	shalt  }
0x66: {  	_ =	shalt  }
0x67: {  	_ =	shalt  }
0x68: {  	_ =	shalt  }
0x69: {  	_ =	shalt  }
0x6a: {  	_ =	shalt  }
0x6b: {  	_ =	shalt  }
0x6c: {  	_ =	shalt  }
0x6d: {  	_ =	shalt  }
0x6e: {  	_ =	shalt  }
0x6f: {  	_ =	shalt  }
0x70: {  	_ =	shalt  }
0x71: {  	_ =	shalt  }
0x72: {  	_ =	shalt  }
0x73: {  	_ =	shalt  }
0x74: {  	_ =	shalt  }
0x75: {  	_ =	shalt  }
0x76: {  	_ =	shalt  }
0x77: {  	_ =	shalt  }
0x78: {  	_ =	shalt  }
0x79: {  	_ =	shalt  }
0x7a: {  	_ =	shalt  }
0x7b: {  	_ =	shalt  }
0x7c: {  	_ =	shalt  }
0x7d: {  	_ =	shalt  }
0x7e: {  	_ =	shalt  }
0x7f: {  	_ =	shalt  }
0x80: {  	_ =	shalt  }
0x81: {  	_ =	shalt  }
0x82: {  	_ =	shalt  }
0x83: {  	_ =	shalt  }
0x84: {  	_ =	shalt  }
0x85: {  	_ =	shalt  }
0x86: {  	_ =	shalt  }
0x87: {  	_ =	shalt  }
.Lfunc_end0:
.L_simem_size_0:
called_computation.1_lowered:
.L_overlay_start_0:
0x88: {  	s2 =	sld [smem:$0x3FD9]  }
0x89: {  	s3 =	sld [smem:$0x3FFE];
	_ =	sdelay $0x1  }
0x8a: {  	s1 =	srdreg.scid  }
0x8b: {  	s0 =	sand.u32 $0x1, s1  }
0x8c: {  	s17 =	sshll.u32 s0, $0xA;
	s2 =	sadd.s32 s3, s2  }
0x8d: {  	s2 =	sadd.s32 s2, s17  }
0x8e: {  	[smem:$0x3FB4] =	sst s2  }
0x8f: {  	_ = 	snop  }
0x90: {  	s2 =	sld [smem:$0x3FD0];
	(tm) =	ssettm $0x1  }
0x91: {  	s18 =	sld [smem:$0x3FFB];
	_ =	sdelay $0x3  }
0x92: {  	_ =	strace s18  }
0x93: {  	s3 =	sld [smem:$0x3FFC];
	_ =	sdelay $0x3  }
0x94: {  	_ =	strace s3  }
0x95: {  	s3 =	sld [smem:$0x3FFD];
	_ =	sdelay $0x3  }
0x96: {  	_ =	strace s3  }
0x97: {  	_ =	strace $0x8FFFFFFF  }
0x98: {  	s19 =	sld [smem:$0x3FDB];
	_ =	sdelay $0x1  }
0x99: {  	s4 =	simm.s32 $_scs_section_size  }
0x9a: {  	s5 =	simm.s32 $_size__tile_overlayer_lowered;
	s6 =	simm.s32 $_tile_overlayer_lowered  }
0x9b: {  	s22 =	simm.s32 $0x1BFF;
	s21 =	sshll.u32 s6, $0x1;
	s3 =	sadd.s32 s4, s19  }
0x9c: {  	s7 =	simm.s32 $0x0;
	s20 =	sshll.u32 s5, $0x1;
	s5 =	sadd.s32 s21, s3  }
0x9d: {  	[timem:s7], [sflag:s22] =	dma.local [hbm:s5], s20  }
0x9e: {  	_ =	swait.ge [sflag:s22], s20  }
0x9f: {  	s4 =	ssub.s32 $0x0, s20;
	[sflag:s22] =	ssyncset.done $0x0  }
0xa0: {  	[sflag:s22] =	ssyncadd.s32 s4;
	_ =	sdelay $0x1  }
0xa1: {  	s23 =	simm.s32 $0x1B8B  }
0xa2: {  	_ =	swait.ge [sflag:s23], $0x1  }
0xa3: {  	[sflag:s23] =	ssyncset.done $0x0  }
0xa4: {  	s25 =	simm.s32 $0x1B8E;
	s24 =	sld [smem:$0x3FFE];
	[sflag:s23] =	ssyncadd.s32 $0xFFFFFFFF  }
0xa5: {  	s26 =	simm.s32 $execute0_lowered;
	[smem:$0x3FD2] =	sst s25  }
0xa6: {  	s5 =	sshll.u32 s26, $0x1;
	_ =	strace $0x80000049;
	[dreg:$0x1] =	wrdreg $0xFFFFFFFF  }
0xa7: {  	s28 =	simm.s32 $_size_execute0_lowered;
	s3 =	sadd.s32 s3, s5;
	[dreg:$0x0] =	wrdreg $0x0  }
0xa8: {  	s5 =	sshll.u32 s28, $0x1;
	[dreg:$0x2] =	wrdreg s3  }
0xa9: {  	[dreg:$0x3] =	wrdreg s5  }
0xaa: {  	[dreg:$0x4] =	wrdreg $0xC0  }
0xab: {  	_ =	task [dreg:s7], $0x5FFFF  }
0xac: {  	[dreg:$0x1] =	wrdreg $0xFFFFFFFF  }
0xad: {  	[dreg:$0x0] =	wrdreg $0x60  }
0xae: {  	[dreg:$0x2] =	wrdreg s2  }
0xaf: {  	[dreg:$0x3] =	wrdreg s24  }
0xb0: {  	[dreg:$0x4] =	wrdreg $0x0  }
0xb1: {  	[dreg:$0x5] =	wrdreg $0x9  }
0xb2: {  	_ =	task.clear_ibuf [dreg:s7], $0x6FFFF;
	_ =	strace $0x90000049  }
0xb3: {  	s29 =	simm.s32 $0x9;
	_ =	strace $0x8000004B  }
0xb4: {  	_ =	swait.ge [sflag:s29], $0x1  }
0xb5: {  	[sflag:s29] =	ssyncadd.s32 $0xFFFFFFFF  }
0xb6: {  	_ =	strace $0x9000004B  }
0xb7: {  	_ =	sfence  }
0xb8: {  	s30 =	sld [smem:$0x0];
	_ =	sdelay $0x2  }
0xb9: {  	s31 =	sshll.u32 s1, $0xD;
	s1 =	sshrl.u32 s1, $0x2  }
0xba: {  	s3 =	sand.u32 $0x4000, s31;
	s1 =	sadd.s32 s1, s30  }
0xbb: {  	s0 =	sor.u32 s3, s0;
	s1 =	sshll.u32 s1, $0x11  }
0xbc: {  	s0 =	sor.u32 s1, s0  }
0xbd: {  	s0 =	sadd.s32 $0x8F2B, s0  }
0xbe: {  	[sflag:s0] =	ssyncadd.remote.s32 $0x1  }
0xbf: {  	_ =	sfence.sel $0xFFFF  }
0xc0: {  	[dreg:$0x0] =	wrdreg $0xFFFFFFFF;
	(pc) =	sbr.abs _section_cstart, $3  }
0xc1: {  	[dreg:$0x1] =	wrdreg $0xFFFFFFFF  }
0xc2: {  	_ =	task.clear_ibuf [dreg:s7], $0x2FFFF;
	_ =	strace $0x9FFFFFFF  }
0xc3: {  	(tm) =	ssettm $0x7FFFFFFF  }
tec
execute0_lowered:
.L_overlay_start_1:
0x0: {  	(tag) =	ssettag $0x1  }
0x1: {  	s1 =	rddreg [dreg:$0x0]  }
0x2: {  	s0 =	rddreg [dreg:$0x1]  }
0x3: {  	s2 =	rddreg [dreg:$0x2];
	s3 =	srdreg.scid;
	s4 =	simm.s32 $0x0  }
0x4: {  	s17 =	stileid.u32;
	s28 =	simm.s32 $0x13A80;
	s29 =	simm.s32 $0x6  }
0x5: {  	s30 =	simm.s32 $0x17B00;
	s31 =	simm.s32 $0x2;
	s3 =	sand.u32 $0x1, s3  }
0x6: {  	[smem:$0x7FF] =	sst s4;
	s9 =	smul.u32 $0x4E400, s17;
	s10 =	sadd.s32 $0x4400, s0  }
0x7: {  	s11 =	sadd.s32 $0x2C000, s0;
	s20 =	sshll.u32 s17, $0x6;
	s26 =	sshll.u32 s17, $0x4  }
0x8: {  	s5 =	sshll.u32 s3, $0x4;
	_ =	strace $0x8000004A;
	s8 =	ssub.s32 $0x2, s3  }
0x9: {  	[dreg:$0x5] =	wrdreg s11;
	s25 =	sshll.u32 s3, $0x8;
	s6 =	sor.u32 s17, s5  }
0xa: {  	s5 =	sadd.s32 $0x17E00, s0;
	s18 =	sshrl.u32 s8, $0x1;
	s19 =	sshrl.u32 s9, $0x2  }
0xb: {  	s3 =	sadd.s32 s25, s10;
	s7 =	smul.u32 $0x2720, s6;
	s8 =	ssub.s32 s8, s18  }
0xc: {  	s9 =	sadd.s32 s19, s2;
	s21 =	sshll.u32 s6, $0x4;
	s13 =	smin.u32 s6, $0x7  }
0xd: {  	s3 =	sadd.s32 s26, s3;
	p0 =	sgt.u32 s6, $0x7;
	s14 =	sadd.s32 s5, s21  }
0xe: {  	s15 =	sadd.s32 s10, s21;
	s11 =	sor.u32 $0x200, s21;
	s13 =	sshll.u32 s13, $0x4  }
0xf: {  	s16 =	smax.u32 s8, $0x1;
	s8 =	sor.u32 $0x80, s6;
	[dreg:$0x4] =	wrdreg s3  }
0x10: {  	s19 =	sshrl.u32 s9, $0x3;
	s21 =	simm.s32 $0x13900;
	s3 =	simm.s32 $0x3  }
0x11: {  	s6 =	simm.s32 $0x5;
	s9 =	simm.s32 $0x7;
	[dreg:$0x7] =	wrdreg s15  }
0x12: {  	s12 =	sadd.s32 s7, s0;
	s22 =	sadd.s32 s5, s11;
	[dreg:$0x6] =	wrdreg s14  }
0x13: {  	s7 =	sor.u32 $0x1C09, s20;
	s14 =	sadd.s32 $0x400, s14;
	[dreg:$0x8] =	wrdreg s22  }
0x14: {  	s23 =	sadd.s32 s13, s10;
	s11 =	sadd.s32 s10, s11;
	[dreg:$0x9] =	wrdreg s14  }
0x15: {  	s0 =	sadd.s32 $0x2B670, s0;
	s20 =	simm.s32 $0x9;
	[dreg:$0xa] =	wrdreg s11  }
0x16: {  	s10 =	simm.s32 $0x4;
	[dreg:$0xb] =	wrdreg s0;
	s24 =	sadd.s32 $0x13800, s23  }
0x17: {  	s15 =	sadd.s32 $0x2E800, s12;
	s0 =	sadd.s32 s25, s5;
	s22 =	simm.s32 $0x13A00  }
0x18: {  	s23 =	simm.s32 $0x80;
	s25 =	simm.s32 $0x13980;
	s11 =	simm.s32 $0x0  }
0x19: {  	[dreg:$0xc] =	wrdreg s24;
	s0 =	sadd.s32 s26, s0;
	s24 =	simm.s32 $0x13B00  }
0x1a: {  	s26 =	simm.s32 $0x1;
	s18 =	sadd.s32 $0x600, s0;
	s0 =	simm.s32 $0x8  }
.LBB2_1:
0x1b: {  	s12 =	rddreg [dreg:$0x5]  }
0x1c: {  	[spmem:s19], [sflag:s7] =	dma.local [hbm:s12], $0x2720  }
0x1d: {  	_ =	swait.ge [sflag:s20], $0x2720  }
0x1e: {  	[sflag:s20] =	ssyncset.done $0x0  }
0x1f: {  	[sflag:s20] =	ssyncadd.s32 $0xFFFFD8E0  }
0x20: {  	[bflag:$0x0] =	sbarrier.arrive $0xFFFF  }
0x21: {  	s17 =	rddreg [dreg:$0x6]  }
0x22: {  	[tilespmem:s21], [sflag:$0x9] =	stream.linear.gather [hbm4b:s17+s4], $0x80, $0x38;
	[tilespmem:$0x1BB00] =	vst v63  }
0x23: {  	_ =	swait.ge [sflag:s20], $0x80  }
0x24: {  	[sflag:s20] =	ssyncset.done $0x0  }
0x25: {  	s13 =	rddreg [dreg:$0x7];
	[sflag:s20] =	ssyncadd.s32 $0xFFFFFF80  }
0x26: {  	[tilespmem:s22], [sflag:$0x9] =	stream.linear.gather [hbm4b:s13+s4], $0x80, $0x38;
	[tilespmem:$0x1BB00] =	vst v63  }
0x27: {  	_ =	swait.ge [sflag:s20], $0x80  }
0x28: {  	[sflag:s20] =	ssyncset.done $0x0  }
0x29: {  	[sflag:s20] =	ssyncadd.s32 $0xFFFFFF80  }
0x2a: {  	[tilespmem:s24], [sflag:$0x1] =	stream.indirect.gather [hbm4b:s1+s23], $0x80, s21, s23, $0xb8;
	[tilespmem:$0x1BB00] =	vst v63  }
0x2b: {  	s14 =	rddreg [dreg:$0x8]  }
0x2c: {  	[tilespmem:s25], [sflag:$0x6] =	stream.linear.gather [hbm4b:s14+s4], $0x80, $0x38;
	[tilespmem:$0x1BB00] =	vst v63  }
0x2d: {  	_ =	swait.ge [sflag:s26], $0x4000  }
0x2e: {  	[sflag:s26] =	ssyncset.done $0x0  }
0x2f: {  	[sflag:s26] =	ssyncadd.s32 $0xFFFFC000  }
0x30: {  	[spmem:s2] =	stream.indirect.scatter.add.f32 [tilespmem:s24], [sflag:$0x3], $0x80, s22, s23, $0xb8;
	[tilespmem:$0x1BB00] =	vst v63  }
0x31: {  	s17 =	rddreg [dreg:$0x9]  }
0x32: {  	[tilespmem:s21], [sflag:$0x5] =	stream.linear.gather [hbm4b:s17+s4], $0x80, $0x38;
	[tilespmem:$0x1BB00] =	vst v63  }
0x33: {  	s13 =	rddreg [dreg:$0xa]  }
0x34: {  	[tilespmem:s28], [sflag:$0x8] =	stream.linear.gather [hbm4b:s13+s4], $0x80, $0x38;
	[tilespmem:$0x1BB00] =	vst v63  }
0x35: {  	_ =	swait.ge [sflag:s29], $0x80  }
0x36: {  	[sflag:s29] =	ssyncset.done $0x0  }
0x37: {  	[sflag:s29] =	ssyncadd.s32 $0xFFFFFF80  }
0x38: {  	[tilespmem:s30], [sflag:$0x2] =	stream.indirect.gather [hbm4b:s1+s23], $0x80, s25, s23, $0xb8;
	[tilespmem:$0x1BB00] =	vst v63  }
0x39: {  	_ =	swait.ge [sflag:s31], $0x4000  }
0x3a: {  	[sflag:s31] =	ssyncset.done $0x0  }
0x3b: {  	[sflag:s31] =	ssyncadd.s32 $0xFFFFC000  }
0x3c: {  	_ =	swait.ge [sflag:s0], $0x80  }
0x3d: {  	[sflag:s0] =	ssyncset.done $0x0  }
0x3e: {  	[sflag:s0] =	ssyncadd.s32 $0xFFFFFF80  }
0x3f: {  	[spmem:s2] =	stream.indirect.scatter.add.f32 [tilespmem:s30], [sflag:$0x4], $0x80, s28, s23, $0xb8;
	[tilespmem:$0x1BB00] =	vst v63  }
0x40: {  	s14 =	sadd.s32 $0x0, s18  }
0x41: {  	[tilespmem:s25], [sflag:$0x6] =	stream.linear.gather [hbm4b:s14+s4], $0x80, $0x38;
	[tilespmem:$0x1BB00] =	vst v63  }
0x42: {  	_ =	swait.ge [sflag:s3], $0x4000  }
0x43: {  	s17 =	rddreg [dreg:$0x4]  }
0x44: {  	[sflag:s3] =	ssyncset.done $0x0;
	s12 =	sadd.s32 $0x0, s17  }
0x45: {  	[sflag:s3] =	ssyncadd.s32 $0xFFFFC000;
	s17 =	sadd.s32 $0x400, s12  }
0x46: {  	[tilespmem:s22], [sflag:$0x7] =	stream.linear.gather [hbm4b:s17+s4], $0x80, $0x38;
	[tilespmem:$0x1BB00] =	vst v63  }
0x47: {  	_ =	swait.ge [sflag:s6], $0x80  }
0x48: {  	[sflag:s6] =	ssyncset.done $0x0  }
0x49: {  	[sflag:s6] =	ssyncadd.s32 $0xFFFFFF80  }
0x4a: {  	[tilespmem:s24], [sflag:$0x1] =	stream.indirect.gather [hbm4b:s1+s23], $0x80, s21, s23, $0xb8;
	[tilespmem:$0x1BB00] =	vst v63  }
0x4b: {  	_ =	swait.ge [sflag:s26], $0x4000  }
0x4c: {  	[sflag:s26] =	ssyncset.done $0x0  }
0x4d: {  	[sflag:s26] =	ssyncadd.s32 $0xFFFFC000  }
0x4e: {  	p1 =	slt.s32 s8, $0x1387;
	s17 =	smov.u32 s8;
	_ =	swait.ge [sflag:s9], $0x80  }
0x4f: {  	s17 =	simm.s32 @!p1 $0x1387;
	[sflag:s9] =	ssyncset.done $0x0  }
0x50: {  	s17 =	sshll.u32 s17, $0x4;
	[sflag:s9] =	ssyncadd.s32 $0xFFFFFF80  }
0x51: {  	[spmem:s2] =	stream.indirect.scatter.add.f32 [tilespmem:s24], [sflag:$0x3], $0x80, s22, s23, $0xb8;
	[tilespmem:$0x1BB00] =	vst v63  }
0x52: {  	s17 =	sadd.s32 s5, s17  }
0x53: {  	[tilespmem:s21], [sflag:$0x5] =	stream.linear.gather [hbm4b:s17+s4], $0x80, $0x38;
	[tilespmem:$0x1BB00] =	vst v63  }
0x54: {  	_ =	swait.ge [sflag:s10], $0x4000  }
0x55: {  	[sflag:s10] =	ssyncset.done $0x0  }
0x56: {  	s12 =	sadd.s32 $0x600, s12;
	[sflag:s10] =	ssyncadd.s32 $0xFFFFC000  }
0x57: {  	[tilespmem:s28], [sflag:$0x8] =	stream.linear.gather [hbm4b:s12+s4], $0x80, $0x38;
	[tilespmem:$0x1BB00] =	vst v63  }
0x58: {  	_ =	swait.ge [sflag:s29], $0x80  }
0x59: {  	s17 =	smov.u32 s8;
	s12 =	simm.s32 $0x400;
	[sflag:s29] =	ssyncset.done $0x0  }
.LBB2_2:
0x5a: {  	[sflag:s29] =	ssyncadd.s32 $0xFFFFFF80  }
0x5b: {  	[tilespmem:s30], [sflag:$0x2] =	stream.indirect.gather [hbm4b:s1+s23], $0x80, s25, s23, $0xb8;
	[tilespmem:$0x1BB00] =	vst v63  }
0x5c: {  	_ =	swait.ge [sflag:s31], $0x4000  }
0x5d: {  	[sflag:s31] =	ssyncset.done $0x0  }
0x5e: {  	[sflag:s31] =	ssyncadd.s32 $0xFFFFC000  }
0x5f: {  	_ =	swait.ge [sflag:s0], $0x80  }
0x60: {  	[sflag:s0] =	ssyncset.done $0x0  }
0x61: {  	s13 =	smov.u32 s12;
	[sflag:s0] =	ssyncadd.s32 $0xFFFFFF80  }
0x62: {  	[spmem:s2] =	stream.indirect.scatter.add.f32 [tilespmem:s30], [sflag:$0x4], $0x80, s28, s23, $0xb8;
	[tilespmem:$0x1BB00] =	vst v63  }
0x63: {  	s14 =	sadd.s32 s13, s18  }
0x64: {  	[tilespmem:s25], [sflag:$0x6] =	stream.linear.gather [hbm4b:s14+s4], $0x80, $0x38;
	[tilespmem:$0x1BB00] =	vst v63  }
0x65: {  	_ =	swait.ge [sflag:s3], $0x4000  }
0x66: {  	s14 =	rddreg [dreg:$0x4]  }
0x67: {  	[sflag:s3] =	ssyncset.done $0x0;
	s13 =	sadd.s32 s13, s14  }
0x68: {  	[sflag:s3] =	ssyncadd.s32 $0xFFFFC000;
	s14 =	sadd.s32 $0x400, s13  }
0x69: {  	[tilespmem:s22], [sflag:$0x7] =	stream.linear.gather [hbm4b:s14+s4], $0x80, $0x38;
	[tilespmem:$0x1BB00] =	vst v63  }
0x6a: {  	_ =	swait.ge [sflag:s6], $0x80  }
0x6b: {  	[sflag:s6] =	ssyncset.done $0x0  }
0x6c: {  	[sflag:s6] =	ssyncadd.s32 $0xFFFFFF80  }
0x6d: {  	[tilespmem:s24], [sflag:$0x1] =	stream.indirect.gather [hbm4b:s1+s23], $0x80, s21, s23, $0xb8;
	[tilespmem:$0x1BB00] =	vst v63  }
0x6e: {  	_ =	swait.ge [sflag:s26], $0x4000  }
0x6f: {  	[sflag:s26] =	ssyncset.done $0x0  }
0x70: {  	s17 =	sadd.s32 $0x40, s17;
	[sflag:s26] =	ssyncadd.s32 $0xFFFFC000  }
0x71: {  	p2 =	slt.s32 s17, $0x1387;
	s14 =	smov.u32 s17;
	_ =	swait.ge [sflag:s9], $0x80  }
0x72: {  	s14 =	simm.s32 @!p2 $0x1387;
	[sflag:s9] =	ssyncset.done $0x0  }
0x73: {  	s14 =	sshll.u32 s14, $0x4;
	[sflag:s9] =	ssyncadd.s32 $0xFFFFFF80  }
0x74: {  	[spmem:s2] =	stream.indirect.scatter.add.f32 [tilespmem:s24], [sflag:$0x3], $0x80, s22, s23, $0xb8;
	[tilespmem:$0x1BB00] =	vst v63  }
0x75: {  	s14 =	sadd.s32 s5, s14  }
0x76: {  	[tilespmem:s21], [sflag:$0x5] =	stream.linear.gather [hbm4b:s14+s4], $0x80, $0x38;
	[tilespmem:$0x1BB00] =	vst v63  }
0x77: {  	p1 =	sne.s32 s12, $0x13000;
	_ =	swait.ge [sflag:s10], $0x4000  }
.Ltmp0:
0x78: {  	[sflag:s10] =	ssyncset.done $0x0;
	(pc) =	sbr.rel @p1 .LBB2_2-.Ltmp0, $4  }
0x79: {  	s13 =	sadd.s32 $0x600, s13;
	[sflag:s10] =	ssyncadd.s32 $0xFFFFC000  }
0x7a: {  	[tilespmem:s28], [sflag:$0x8] =	stream.linear.gather [hbm4b:s13+s4], $0x80, $0x38;
	[tilespmem:$0x1BB00] =	vst v63  }
0x7b: {  	_ =	swait.ge [sflag:s29], $0x80  }
0x7c: {  	s12 =	sadd.s32 $0x400, s12;
	[sflag:s29] =	ssyncset.done $0x0  }
0x7d: {  	[sflag:s29] =	ssyncadd.s32 $0xFFFFFF80  }
0x7e: {  	[tilespmem:s30], [sflag:$0x2] =	stream.indirect.gather [hbm4b:s1+s23], $0x80, s25, s23, $0xb8;
	[tilespmem:$0x1BB00] =	vst v63  }
0x7f: {  	_ =	swait.ge [sflag:s31], $0x4000  }
0x80: {  	[sflag:s31] =	ssyncset.done $0x0  }
0x81: {  	[sflag:s31] =	ssyncadd.s32 $0xFFFFC000  }
0x82: {  	_ =	swait.ge [sflag:s0], $0x80  }
0x83: {  	[sflag:s0] =	ssyncset.done $0x0  }
0x84: {  	[sflag:s0] =	ssyncadd.s32 $0xFFFFFF80  }
0x85: {  	[spmem:s2] =	stream.indirect.scatter.add.f32 [tilespmem:s30], [sflag:$0x4], $0x80, s28, s23, $0xb8;
	[tilespmem:$0x1BB00] =	vst v63  }
0x86: {  	s12 =	rddreg [dreg:$0xb]  }
0x87: {  	[tilespmem:s25], [sflag:$0x6] =	stream.linear.gather [hbm4b:s12+s4], $0x80, $0x38;
	[tilespmem:$0x1BB00] =	vst v63  }
0x88: {  	_ =	swait.ge [sflag:s3], $0x4000  }
0x89: {  	[sflag:s3] =	ssyncset.done $0x0  }
0x8a: {  	s17 =	rddreg [dreg:$0xc];
	[sflag:s3] =	ssyncadd.s32 $0xFFFFC000  }
0x8b: {  	[tilespmem:s22], [sflag:$0x7] =	stream.linear.gather [hbm4b:s17+s4], $0x80, $0x38;
	[tilespmem:$0x1BB00] =	vst v63  }
0x8c: {  	_ =	swait.ge [sflag:s6], $0x80  }
0x8d: {  	[sflag:s6] =	ssyncset.done $0x0  }
0x8e: {  	[sflag:s6] =	ssyncadd.s32 $0xFFFFFF80  }
0x8f: {  	[tilespmem:s24], [sflag:$0x1] =	stream.indirect.gather [hbm4b:s1+s23], $0x80, s21, s23, $0xb8;
	[tilespmem:$0x1BB00] =	vst v63  }
0x90: {  	_ =	swait.ge [sflag:s26], $0x4000  }
0x91: {  	[sflag:s26] =	ssyncset.done $0x0  }
0x92: {  	[sflag:s26] =	ssyncadd.s32 $0xFFFFC000  }
0x93: {  	_ =	swait.ge [sflag:s9], $0x80  }
0x94: {  	[sflag:s9] =	ssyncset.done $0x0  }
0x95: {  	s12 =	simm.s32 @p0 $0x4;
	[sflag:s9] =	ssyncadd.s32 $0xFFFFFF80  }
0x96: {  	_ =	swait.ge @p0 [sflag:s12], $0x4000  }
0x97: {  	[sflag:s12] =	ssyncset.done @p0 $0x0  }
0x98: {  	[sflag:s12] =	ssyncadd.s32 @p0 $0xFFFFC000;
	s12 =	simm.s32 @p0 $0x6  }
0x99: {  	_ =	swait.ge @p0 [sflag:s12], $0x80  }
0x9a: {  	s13 =	simm.s32 @!p0 $0x13A00;
	[sflag:s12] =	ssyncset.done @p0 $0x0  }
0x9b: {  	s14 =	simm.s32 @!p0 $0x13B00;
	[sflag:s12] =	ssyncadd.s32 @p0 $0xFFFFFF80;
	s12 =	simm.s32 @!p0 $0x80  }
0x9c: {  	[spmem:s2] =	stream.indirect.scatter.add.f32 @!p0 [tilespmem:s14], [sflag:$0x3], $0x80, s13, s12, $0xb8;
	[tilespmem:$0x1BB00] =	vst v63  }
0x9d: {  	s12 =	simm.s32 @!p0 $0x4  }
0x9e: {  	_ =	swait.ge @!p0 [sflag:s12], $0x4000  }
0x9f: {  	[sflag:s12] =	ssyncset.done @!p0 $0x0  }
0xa0: {  	[sflag:s12] =	ssyncadd.s32 @!p0 $0xFFFFC000;
	s12 =	simm.s32 @!p0 $0x6  }
0xa1: {  	_ =	swait.ge @!p0 [sflag:s12], $0x80  }
0xa2: {  	[sflag:s12] =	ssyncset.done @!p0 $0x0  }
0xa3: {  	[sflag:s12] =	ssyncadd.s32 @!p0 $0xFFFFFF80;
	s12 =	simm.s32 @!p0 $0x3  }
0xa4: {  	_ =	swait.ge @!p0 [sflag:s12], $0x4000  }
0xa5: {  	s11 =	sadd.s32 $0x1, s11;
	[sflag:s12] =	ssyncset.done @!p0 $0x0  }
0xa6: {  	p1 =	sne.s32 s11, s16;
	[sflag:s12] =	ssyncadd.s32 @!p0 $0xFFFFC000  }
.Ltmp1:
0xa7: {  	[bflag:$0x0] =	sbarrier.arrive $0xFFFF;
	(pc) =	sbr.rel @p1 .LBB2_1-.Ltmp1, $4  }
0xa8: {  	[hbm:s15], [sflag:s7] =	dma.local [spmem:s19], $0x2720  }
0xa9: {  	_ =	swait.ge [sflag:s20], $0x2720  }
0xaa: {  	[sflag:s20] =	ssyncset.done $0x0  }
0xab: {  	[sflag:s20] =	ssyncadd.s32 $0xFFFFD8E0  }
0xac: {  	_ =	sfence.sel $0x180000  }
0xad: {  	[bflag:$0x0] =	sbarrier.arrive $0xFFFF  }
0xae: {  	_ =	strace $0x9000004A  }
0xaf: {  	s0 =	stileid.u32;
	[bflag:$0x2] =	sbarrier.arrive $0xFFFF  }
0xb0: {  	p0 =	sne.s32 s0, $0x0;
	s0 =	rddreg [dreg:$0x3]  }
0xb1: {  	s0 =	sadd.s32 @!p0 $0x100000, s0  }
0xb2: {  	[sflag:s0] =	ssyncadd.tile.s32 @!p0 $0x1;
	_ =	shalt  }
.Lfunc_end2:
_tile_overlayer_lowered:
.L_overlay_start_2:
0xb3: {  	(tag) =	ssettag $0x2  }
0xb4: {  	s0 =	rddreg [dreg:$0x0];
	s2 =	stileid.u32  }
0xb5: {  	s1 =	rddreg [dreg:$0x1];
	p0 =	sne.s32 s2, $0x0  }
0xb6: {  	s3 =	rddreg [dreg:$0x2];
	[bflag:$0x3] =	sbarrier.arrive $0xFFFF;
	s2 =	simm.s32 @!p0 $0x1C09  }
0xb7: {  	[timem:s3], [sflag:s2] =	dma.local @!p0 [hbm:s0], s1  }
0xb8: {  	s0 =	simm.s32 @!p0 $0x9  }
0xb9: {  	_ =	swait.ge @!p0 [sflag:s0], s1  }
0xba: {  	s1 =	ssub.s32 @!p0 $0x0, s1;
	[sflag:s0] =	ssyncset.done @!p0 $0x0  }
0xbb: {  	[sflag:s0] =	ssyncadd.s32 @!p0 s1  }
0xbc: {  	[bflag:$0x3] =	sbarrier.arrive $0xFFFF  }
0xbd: {  	_ =	shalt  }

// kernel: kernel.15.cloned.1.call-start
scs
__scs_entry_jumppad:
0x0: {  	(pc) =	sbr.rel $0x88, $3  }
0x1: {  	(tag) =	ssettag $0x0;
	lr =	simm.s32 $0x1  }
0x2: {  	[smem:$0x3F8D] =	sst lr;
	_ =	strace $0xD0000000  }
0x3: {  	_ = 	snop  }
0x4: {  	_ = 	snop  }
0x5: {  	_ = 	snop  }
0x6: {  	_ = 	snop  }
0x7: {  	_ = 	snop  }
__scs_overlays_trampoline_lowered:
0x8: {  	[smem:$0x3F9C] =	sst s0  }
0x9: {  	[smem:$0x3F9D] =	sst s1  }
0xa: {  	[smem:$0x3F9E] =	sst s2  }
0xb: {  	[smem:$0x3F9F] =	sst s3  }
0xc: {  	[smem:$0x3FA0] =	sst s4  }
0xd: {  	[smem:$0x3FA1] =	sst s5  }
0xe: {  	[smem:$0x3FA2] =	sst s6  }
0xf: {  	[smem:$0x3FA3] =	sst s7  }
0x10: {  	[smem:$0x3FA4] =	sst s8  }
0x11: {  	[smem:$0x3FA5] =	sst s9;
	s0 =	simm.s32 @!p0 $0x0  }
0x12: {  	s1 =	sld [smem:$0x3F8B];
	s0 =	simm.s32 @p0 $0x1  }
0x13: {  	[smem:$0x3FA6] =	sst s0;
	s0 =	simm.s32 @!p1 $0x0  }
0x14: {  	s2 =	sld [smem:$0x3F8A];
	s0 =	simm.s32 @p1 $0x1  }
0x15: {  	[smem:$0x3FA7] =	sst s0;
	s0 =	simm.s32 @!p2 $0x0  }
0x16: {  	s3 =	sld [smem:$0x3FDB];
	s0 =	simm.s32 @p2 $0x1  }
0x17: {  	s4 =	simm.s32 $0x1BF5;
	[smem:$0x3FA9] =	sst s0  }
0x18: {  	s0 =	sld [smem:$0x3F8C];
	_ =	swait.ge [sflag:s4], $0x0  }
0x19: {  	s7 =	sld [smem:$0x3F8D]  }
0x1a: {  	s8 =	sadd.s32 $0xFFFFE003, lr  }
0x1b: {  	s9 =	sadd.s32 $0xFFFFFEF7, lr;
	s5 =	simm.s32 $0xFFFFFFFF;
	p2 =	slt.u32 s8, $0xFFFFF086  }
0x1c: {  	p1 =	slt.u32 s9, $0xF7A;
	s5 =	simm.s32 @!p2 $0x0  }
0x1d: {  	s5 =	simm.s32 @p1 $0x1;
	p0 =	seq.s32 s7, s2  }
0x1e: {  	s7 =	smul.u32 @!p0 $0xF7A, s2;
	p2 =	seq.s32 @!p0 s5, $0x0  }
0x1f: {  	s9 =	smul.u32 $0xF7A, s1;
	s8 =	simm.s32 @!p0 $0x1BF5;
	p2 =	por !p2, p0  }
0x20: {  	[sflag:s8] =	ssyncset.s32 @!p0 $0xFFFFF086;
	s6 =	sadd.s32 @!p0 s3, s7;
	s7 =	simm.s32 @!p0 $0x108  }
0x21: {  	s3 =	sadd.s32 s3, s9;
	s6 =	sadd.s32 @!p0 $0x88, s6;
	s7 =	simm.s32 @p2 $0x1082  }
0x22: {  	[simem:s7], [sflag:s8] =	dma.local @!p0 [hbm:s6], $0xF7A  }
0x23: {  	s9 =	sor.u32 $0xD0000000, s2;
	s6 =	simm.s32 $0x108;
	_ =	swait.ge @!p0 [sflag:s8], $0x0  }
0x24: {  	s3 =	sadd.s32 $0x88, s3;
	s6 =	simm.s32 @!p1 $0x1082;
	[sflag:s4] =	ssyncset.s32 $0xFFFFF086  }
0x25: {  	[simem:s6], [sflag:s4] =	dma.local [hbm:s3], $0xF7A  }
0x26: {  	[smem:$0x3F8D] =	sst s1;
	(tag) =	ssettag s2;
	_ =	strace s9  }
0x27: {  	s1 =	sld [smem:$0x3F9D]  }
0x28: {  	s2 =	sld [smem:$0x3F9E]  }
0x29: {  	s4 =	sld [smem:$0x3FA0]  }
0x2a: {  	p0 =	seq.s32 s5, $0x0;
	s5 =	sld [smem:$0x3FA1]  }
0x2b: {  	s6 =	sld [smem:$0x3FA2]  }
0x2c: {  	s7 =	sld [smem:$0x3FA3]  }
0x2d: {  	s3 =	simm.s32 $0x108;
	s8 =	sld [smem:$0x3FA4]  }
0x2e: {  	s3 =	simm.s32 @!p0 $0x1082;
	s9 =	sld [smem:$0x3FA5]  }
0x2f: {  	lr =	sadd.s32 s0, s3;
	s0 =	sld [smem:$0x3F9C]  }
0x30: {  	s3 =	sld [smem:$0x3F9F]  }
0x31: {  	[smem:$0x3FA8] =	sst s10  }
0x32: {  	s10 =	sld [smem:$0x3FA6];
	_ =	sdelay $0x3  }
0x33: {  	p0 =	seq.s32 s10, $0x1;
	s10 =	sld [smem:$0x3FA8];
	_ =	sdelay $0x3  }
0x34: {  	[smem:$0x3FA8] =	sst s10  }
0x35: {  	s10 =	sld [smem:$0x3FA7];
	_ =	sdelay $0x3  }
0x36: {  	p1 =	seq.s32 s10, $0x1;
	s10 =	sld [smem:$0x3FA8];
	_ =	sdelay $0x3  }
0x37: {  	[smem:$0x3FA8] =	sst s10  }
0x38: {  	s10 =	sld [smem:$0x3FA9]  }
0x39: {  	_ = 	snop;
	(pc) =	sbr.ind lr, $3  }
0x3a: {  	_ = 	snop  }
0x3b: {  	_ = 	snop  }
0x3c: {  	p2 =	seq.s32 s10, $0x1;
	s10 =	sld [smem:$0x3FA8]  }
0x3d: {  	_ =	shalt  }
0x3e: {  	_ =	shalt  }
0x3f: {  	_ =	shalt  }
0x40: {  	_ =	shalt  }
0x41: {  	_ =	shalt  }
0x42: {  	_ =	shalt  }
0x43: {  	_ =	shalt  }
0x44: {  	_ =	shalt  }
0x45: {  	_ =	shalt  }
0x46: {  	_ =	shalt  }
0x47: {  	_ =	shalt  }
0x48: {  	_ =	shalt  }
0x49: {  	_ =	shalt  }
0x4a: {  	_ =	shalt  }
0x4b: {  	_ =	shalt  }
0x4c: {  	_ =	shalt  }
0x4d: {  	_ =	shalt  }
0x4e: {  	_ =	shalt  }
0x4f: {  	_ =	shalt  }
0x50: {  	_ =	shalt  }
0x51: {  	_ =	shalt  }
0x52: {  	_ =	shalt  }
0x53: {  	_ =	shalt  }
0x54: {  	_ =	shalt  }
0x55: {  	_ =	shalt  }
0x56: {  	_ =	shalt  }
0x57: {  	_ =	shalt  }
0x58: {  	_ =	shalt  }
0x59: {  	_ =	shalt  }
0x5a: {  	_ =	shalt  }
0x5b: {  	_ =	shalt  }
0x5c: {  	_ =	shalt  }
0x5d: {  	_ =	shalt  }
0x5e: {  	_ =	shalt  }
0x5f: {  	_ =	shalt  }
0x60: {  	_ =	shalt  }
0x61: {  	_ =	shalt  }
0x62: {  	_ =	shalt  }
0x63: {  	_ =	shalt  }
0x64: {  	_ =	shalt  }
0x65: {  	_ =	shalt  }
0x66: {  	_ =	shalt  }
0x67: {  	_ =	shalt  }
0x68: {  	_ =	shalt  }
0x69: {  	_ =	shalt  }
0x6a: {  	_ =	shalt  }
0x6b: {  	_ =	shalt  }
0x6c: {  	_ =	shalt  }
0x6d: {  	_ =	shalt  }
0x6e: {  	_ =	shalt  }
0x6f: {  	_ =	shalt  }
0x70: {  	_ =	shalt  }
0x71: {  	_ =	shalt  }
0x72: {  	_ =	shalt  }
0x73: {  	_ =	shalt  }
0x74: {  	_ =	shalt  }
0x75: {  	_ =	shalt  }
0x76: {  	_ =	shalt  }
0x77: {  	_ =	shalt  }
0x78: {  	_ =	shalt  }
0x79: {  	_ =	shalt  }
0x7a: {  	_ =	shalt  }
0x7b: {  	_ =	shalt  }
0x7c: {  	_ =	shalt  }
0x7d: {  	_ =	shalt  }
0x7e: {  	_ =	shalt  }
0x7f: {  	_ =	shalt  }
0x80: {  	_ =	shalt  }
0x81: {  	_ =	shalt  }
0x82: {  	_ =	shalt  }
0x83: {  	_ =	shalt  }
0x84: {  	_ =	shalt  }
0x85: {  	_ =	shalt  }
0x86: {  	_ =	shalt  }
0x87: {  	_ =	shalt  }
.Lfunc_end0:
.L_simem_size_0:
called_computation.2_lowered:
.L_overlay_start_0:
0x88: {  	s2 =	sld [smem:$0x3FD9]  }
0x89: {  	s3 =	sld [smem:$0x3FFE];
	_ =	sdelay $0x1  }
0x8a: {  	s1 =	srdreg.scid  }
0x8b: {  	s0 =	sand.u32 $0x1, s1  }
0x8c: {  	s17 =	sshll.u32 s0, $0xA;
	s2 =	sadd.s32 s3, s2  }
0x8d: {  	s2 =	sadd.s32 s2, s17  }
0x8e: {  	[smem:$0x3FB4] =	sst s2  }
0x8f: {  	_ = 	snop  }
0x90: {  	s2 =	sld [smem:$0x3FD0];
	(tm) =	ssettm $0x1  }
0x91: {  	s18 =	sld [smem:$0x3FFB];
	_ =	sdelay $0x3  }
0x92: {  	_ =	strace s18  }
0x93: {  	s3 =	sld [smem:$0x3FFC];
	_ =	sdelay $0x3  }
0x94: {  	_ =	strace s3  }
0x95: {  	s3 =	sld [smem:$0x3FFD];
	_ =	sdelay $0x3  }
0x96: {  	_ =	strace s3  }
0x97: {  	_ =	strace $0x8FFFFFFF  }
0x98: {  	s19 =	sld [smem:$0x3FDB];
	_ =	sdelay $0x1  }
0x99: {  	s4 =	simm.s32 $_scs_section_size  }
0x9a: {  	s5 =	simm.s32 $_size__tile_overlayer_lowered;
	s6 =	simm.s32 $_tile_overlayer_lowered  }
0x9b: {  	s22 =	simm.s32 $0x1BFF;
	s21 =	sshll.u32 s6, $0x1;
	s3 =	sadd.s32 s4, s19  }
0x9c: {  	s7 =	simm.s32 $0x0;
	s20 =	sshll.u32 s5, $0x1;
	s5 =	sadd.s32 s21, s3  }
0x9d: {  	[timem:s7], [sflag:s22] =	dma.local [hbm:s5], s20  }
0x9e: {  	_ =	swait.ge [sflag:s22], s20  }
0x9f: {  	s4 =	ssub.s32 $0x0, s20;
	[sflag:s22] =	ssyncset.done $0x0  }
0xa0: {  	[sflag:s22] =	ssyncadd.s32 s4;
	_ =	sdelay $0x1  }
0xa1: {  	s23 =	simm.s32 $0x1B8B  }
0xa2: {  	_ =	swait.ge [sflag:s23], $0x1  }
0xa3: {  	[sflag:s23] =	ssyncset.done $0x0  }
0xa4: {  	s25 =	simm.s32 $0x1B8E;
	s24 =	sld [smem:$0x3FFE];
	[sflag:s23] =	ssyncadd.s32 $0xFFFFFFFF  }
0xa5: {  	s26 =	simm.s32 $execute0_lowered;
	[smem:$0x3FD2] =	sst s25  }
0xa6: {  	s5 =	sshll.u32 s26, $0x1;
	_ =	strace $0x8000004C;
	[dreg:$0x1] =	wrdreg $0xFFFFFFFF  }
0xa7: {  	s28 =	simm.s32 $_size_execute0_lowered;
	s3 =	sadd.s32 s3, s5;
	[dreg:$0x0] =	wrdreg $0x0  }
0xa8: {  	s5 =	sshll.u32 s28, $0x1;
	[dreg:$0x2] =	wrdreg s3  }
0xa9: {  	[dreg:$0x3] =	wrdreg s5  }
0xaa: {  	[dreg:$0x4] =	wrdreg $0xC0  }
0xab: {  	_ =	task [dreg:s7], $0x5FFFF  }
0xac: {  	[dreg:$0x1] =	wrdreg $0xFFFFFFFF  }
0xad: {  	[dreg:$0x0] =	wrdreg $0x60  }
0xae: {  	[dreg:$0x2] =	wrdreg s2  }
0xaf: {  	[dreg:$0x3] =	wrdreg s24  }
0xb0: {  	[dreg:$0x4] =	wrdreg $0x0  }
0xb1: {  	[dreg:$0x5] =	wrdreg $0x9  }
0xb2: {  	_ =	task.clear_ibuf [dreg:s7], $0x6FFFF;
	_ =	strace $0x9000004C  }
0xb3: {  	s29 =	simm.s32 $0x9;
	_ =	strace $0x8000004E  }
0xb4: {  	_ =	swait.ge [sflag:s29], $0x1  }
0xb5: {  	[sflag:s29] =	ssyncadd.s32 $0xFFFFFFFF  }
0xb6: {  	_ =	strace $0x9000004E  }
0xb7: {  	_ =	sfence  }
0xb8: {  	s30 =	sld [smem:$0x0];
	_ =	sdelay $0x2  }
0xb9: {  	s31 =	sshll.u32 s1, $0xD;
	s1 =	sshrl.u32 s1, $0x2  }
0xba: {  	s3 =	sand.u32 $0x4000, s31;
	s1 =	sadd.s32 s1, s30  }
0xbb: {  	s0 =	sor.u32 s3, s0;
	s1 =	sshll.u32 s1, $0x11  }
0xbc: {  	s0 =	sor.u32 s1, s0  }
0xbd: {  	s0 =	sadd.s32 $0x8F2B, s0  }
0xbe: {  	[sflag:s0] =	ssyncadd.remote.s32 $0x1  }
0xbf: {  	_ =	sfence.sel $0xFFFF  }
0xc0: {  	[dreg:$0x0] =	wrdreg $0xFFFFFFFF;
	(pc) =	sbr.abs _section_cstart, $3  }
0xc1: {  	[dreg:$0x1] =	wrdreg $0xFFFFFFFF  }
0xc2: {  	_ =	task.clear_ibuf [dreg:s7], $0x2FFFF;
	_ =	strace $0x9FFFFFFF  }
0xc3: {  	(tm) =	ssettm $0x7FFFFFFF  }
tec
execute0_lowered:
.L_overlay_start_1:
0x0: {  	(tag) =	ssettag $0x1  }
0x1: {  	s1 =	rddreg [dreg:$0x0]  }
0x2: {  	s0 =	rddreg [dreg:$0x1]  }
0x3: {  	s2 =	rddreg [dreg:$0x2];
	s3 =	srdreg.scid;
	s4 =	simm.s32 $0x0  }
0x4: {  	s17 =	stileid.u32;
	s28 =	simm.s32 $0x13A80;
	s29 =	simm.s32 $0x6  }
0x5: {  	s30 =	simm.s32 $0x17B00;
	s31 =	simm.s32 $0x2;
	s3 =	sand.u32 $0x1, s3  }
0x6: {  	[smem:$0x7FF] =	sst s4;
	s9 =	smul.u32 $0x4E400, s17;
	s10 =	sadd.s32 $0x4400, s0  }
0x7: {  	s11 =	sadd.s32 $0x2C000, s0;
	s20 =	sshll.u32 s17, $0x6;
	s26 =	sshll.u32 s17, $0x4  }
0x8: {  	s5 =	sshll.u32 s3, $0x4;
	_ =	strace $0x8000004D;
	s8 =	ssub.s32 $0x2, s3  }
0x9: {  	[dreg:$0x5] =	wrdreg s11;
	s25 =	sshll.u32 s3, $0x8;
	s6 =	sor.u32 s17, s5  }
0xa: {  	s5 =	sadd.s32 $0x17E00, s0;
	s18 =	sshrl.u32 s8, $0x1;
	s19 =	sshrl.u32 s9, $0x2  }
0xb: {  	s3 =	sadd.s32 s25, s10;
	s7 =	smul.u32 $0x2720, s6;
	s8 =	ssub.s32 s8, s18  }
0xc: {  	s9 =	sadd.s32 s19, s2;
	s21 =	sshll.u32 s6, $0x4;
	s13 =	smin.u32 s6, $0x7  }
0xd: {  	s3 =	sadd.s32 s26, s3;
	p0 =	sgt.u32 s6, $0x7;
	s14 =	sadd.s32 s5, s21  }
0xe: {  	s15 =	sadd.s32 s10, s21;
	s11 =	sor.u32 $0x200, s21;
	s13 =	sshll.u32 s13, $0x4  }
0xf: {  	s16 =	smax.u32 s8, $0x1;
	s8 =	sor.u32 $0x80, s6;
	[dreg:$0x4] =	wrdreg s3  }
0x10: {  	s19 =	sshrl.u32 s9, $0x3;
	s21 =	simm.s32 $0x13900;
	s3 =	simm.s32 $0x3  }
0x11: {  	s6 =	simm.s32 $0x5;
	s9 =	simm.s32 $0x7;
	[dreg:$0x7] =	wrdreg s15  }
0x12: {  	s12 =	sadd.s32 s7, s0;
	s22 =	sadd.s32 s5, s11;
	[dreg:$0x6] =	wrdreg s14  }
0x13: {  	s7 =	sor.u32 $0x1C09, s20;
	s14 =	sadd.s32 $0x400, s14;
	[dreg:$0x8] =	wrdreg s22  }
0x14: {  	s23 =	sadd.s32 s13, s10;
	s11 =	sadd.s32 s10, s11;
	[dreg:$0x9] =	wrdreg s14  }
0x15: {  	s0 =	sadd.s32 $0x2B670, s0;
	s20 =	simm.s32 $0x9;
	[dreg:$0xa] =	wrdreg s11  }
0x16: {  	s10 =	simm.s32 $0x4;
	[dreg:$0xb] =	wrdreg s0;
	s24 =	sadd.s32 $0x13800, s23  }
0x17: {  	s15 =	sadd.s32 $0x2E800, s12;
	s0 =	sadd.s32 s25, s5;
	s22 =	simm.s32 $0x13A00  }
0x18: {  	s23 =	simm.s32 $0x80;
	s25 =	simm.s32 $0x13980;
	s11 =	simm.s32 $0x0  }
0x19: {  	[dreg:$0xc] =	wrdreg s24;
	s0 =	sadd.s32 s26, s0;
	s24 =	simm.s32 $0x13B00  }
0x1a: {  	s26 =	simm.s32 $0x1;
	s18 =	sadd.s32 $0x600, s0;
	s0 =	simm.s32 $0x8  }
.LBB2_1:
0x1b: {  	s12 =	rddreg [dreg:$0x5]  }
0x1c: {  	[spmem:s19], [sflag:s7] =	dma.local [hbm:s12], $0x2720  }
0x1d: {  	_ =	swait.ge [sflag:s20], $0x2720  }
0x1e: {  	[sflag:s20] =	ssyncset.done $0x0  }
0x1f: {  	[sflag:s20] =	ssyncadd.s32 $0xFFFFD8E0  }
0x20: {  	[bflag:$0x0] =	sbarrier.arrive $0xFFFF  }
0x21: {  	s17 =	rddreg [dreg:$0x6]  }
0x22: {  	[tilespmem:s21], [sflag:$0x9] =	stream.linear.gather [hbm4b:s17+s4], $0x80, $0x38;
	[tilespmem:$0x1BB00] =	vst v63  }
0x23: {  	_ =	swait.ge [sflag:s20], $0x80  }
0x24: {  	[sflag:s20] =	ssyncset.done $0x0  }
0x25: {  	s13 =	rddreg [dreg:$0x7];
	[sflag:s20] =	ssyncadd.s32 $0xFFFFFF80  }
0x26: {  	[tilespmem:s22], [sflag:$0x9] =	stream.linear.gather [hbm4b:s13+s4], $0x80, $0x38;
	[tilespmem:$0x1BB00] =	vst v63  }
0x27: {  	_ =	swait.ge [sflag:s20], $0x80  }
0x28: {  	[sflag:s20] =	ssyncset.done $0x0  }
0x29: {  	[sflag:s20] =	ssyncadd.s32 $0xFFFFFF80  }
0x2a: {  	[tilespmem:s24], [sflag:$0x1] =	stream.indirect.gather [hbm4b:s1+s23], $0x80, s21, s23, $0xb8;
	[tilespmem:$0x1BB00] =	vst v63  }
0x2b: {  	s14 =	rddreg [dreg:$0x8]  }
0x2c: {  	[tilespmem:s25], [sflag:$0x6] =	stream.linear.gather [hbm4b:s14+s4], $0x80, $0x38;
	[tilespmem:$0x1BB00] =	vst v63  }
0x2d: {  	_ =	swait.ge [sflag:s26], $0x4000  }
0x2e: {  	[sflag:s26] =	ssyncset.done $0x0  }
0x2f: {  	[sflag:s26] =	ssyncadd.s32 $0xFFFFC000  }
0x30: {  	[spmem:s2] =	stream.indirect.scatter.add.f32 [tilespmem:s24], [sflag:$0x3], $0x80, s22, s23, $0xb8;
	[tilespmem:$0x1BB00] =	vst v63  }
0x31: {  	s17 =	rddreg [dreg:$0x9]  }
0x32: {  	[tilespmem:s21], [sflag:$0x5] =	stream.linear.gather [hbm4b:s17+s4], $0x80, $0x38;
	[tilespmem:$0x1BB00] =	vst v63  }
0x33: {  	s13 =	rddreg [dreg:$0xa]  }
0x34: {  	[tilespmem:s28], [sflag:$0x8] =	stream.linear.gather [hbm4b:s13+s4], $0x80, $0x38;
	[tilespmem:$0x1BB00] =	vst v63  }
0x35: {  	_ =	swait.ge [sflag:s29], $0x80  }
0x36: {  	[sflag:s29] =	ssyncset.done $0x0  }
0x37: {  	[sflag:s29] =	ssyncadd.s32 $0xFFFFFF80  }
0x38: {  	[tilespmem:s30], [sflag:$0x2] =	stream.indirect.gather [hbm4b:s1+s23], $0x80, s25, s23, $0xb8;
	[tilespmem:$0x1BB00] =	vst v63  }
0x39: {  	_ =	swait.ge [sflag:s31], $0x4000  }
0x3a: {  	[sflag:s31] =	ssyncset.done $0x0  }
0x3b: {  	[sflag:s31] =	ssyncadd.s32 $0xFFFFC000  }
0x3c: {  	_ =	swait.ge [sflag:s0], $0x80  }
0x3d: {  	[sflag:s0] =	ssyncset.done $0x0  }
0x3e: {  	[sflag:s0] =	ssyncadd.s32 $0xFFFFFF80  }
0x3f: {  	[spmem:s2] =	stream.indirect.scatter.add.f32 [tilespmem:s30], [sflag:$0x4], $0x80, s28, s23, $0xb8;
	[tilespmem:$0x1BB00] =	vst v63  }
0x40: {  	s14 =	sadd.s32 $0x0, s18  }
0x41: {  	[tilespmem:s25], [sflag:$0x6] =	stream.linear.gather [hbm4b:s14+s4], $0x80, $0x38;
	[tilespmem:$0x1BB00] =	vst v63  }
0x42: {  	_ =	swait.ge [sflag:s3], $0x4000  }
0x43: {  	s17 =	rddreg [dreg:$0x4]  }
0x44: {  	[sflag:s3] =	ssyncset.done $0x0;
	s12 =	sadd.s32 $0x0, s17  }
0x45: {  	[sflag:s3] =	ssyncadd.s32 $0xFFFFC000;
	s17 =	sadd.s32 $0x400, s12  }
0x46: {  	[tilespmem:s22], [sflag:$0x7] =	stream.linear.gather [hbm4b:s17+s4], $0x80, $0x38;
	[tilespmem:$0x1BB00] =	vst v63  }
0x47: {  	_ =	swait.ge [sflag:s6], $0x80  }
0x48: {  	[sflag:s6] =	ssyncset.done $0x0  }
0x49: {  	[sflag:s6] =	ssyncadd.s32 $0xFFFFFF80  }
0x4a: {  	[tilespmem:s24], [sflag:$0x1] =	stream.indirect.gather [hbm4b:s1+s23], $0x80, s21, s23, $0xb8;
	[tilespmem:$0x1BB00] =	vst v63  }
0x4b: {  	_ =	swait.ge [sflag:s26], $0x4000  }
0x4c: {  	[sflag:s26] =	ssyncset.done $0x0  }
0x4d: {  	[sflag:s26] =	ssyncadd.s32 $0xFFFFC000  }
0x4e: {  	p1 =	slt.s32 s8, $0x1387;
	s17 =	smov.u32 s8;
	_ =	swait.ge [sflag:s9], $0x80  }
0x4f: {  	s17 =	simm.s32 @!p1 $0x1387;
	[sflag:s9] =	ssyncset.done $0x0  }
0x50: {  	s17 =	sshll.u32 s17, $0x4;
	[sflag:s9] =	ssyncadd.s32 $0xFFFFFF80  }
0x51: {  	[spmem:s2] =	stream.indirect.scatter.add.f32 [tilespmem:s24], [sflag:$0x3], $0x80, s22, s23, $0xb8;
	[tilespmem:$0x1BB00] =	vst v63  }
0x52: {  	s17 =	sadd.s32 s5, s17  }
0x53: {  	[tilespmem:s21], [sflag:$0x5] =	stream.linear.gather [hbm4b:s17+s4], $0x80, $0x38;
	[tilespmem:$0x1BB00] =	vst v63  }
0x54: {  	_ =	swait.ge [sflag:s10], $0x4000  }
0x55: {  	[sflag:s10] =	ssyncset.done $0x0  }
0x56: {  	s12 =	sadd.s32 $0x600, s12;
	[sflag:s10] =	ssyncadd.s32 $0xFFFFC000  }
0x57: {  	[tilespmem:s28], [sflag:$0x8] =	stream.linear.gather [hbm4b:s12+s4], $0x80, $0x38;
	[tilespmem:$0x1BB00] =	vst v63  }
0x58: {  	_ =	swait.ge [sflag:s29], $0x80  }
0x59: {  	s17 =	smov.u32 s8;
	s12 =	simm.s32 $0x400;
	[sflag:s29] =	ssyncset.done $0x0  }
.LBB2_2:
0x5a: {  	[sflag:s29] =	ssyncadd.s32 $0xFFFFFF80  }
0x5b: {  	[tilespmem:s30], [sflag:$0x2] =	stream.indirect.gather [hbm4b:s1+s23], $0x80, s25, s23, $0xb8;
	[tilespmem:$0x1BB00] =	vst v63  }
0x5c: {  	_ =	swait.ge [sflag:s31], $0x4000  }
0x5d: {  	[sflag:s31] =	ssyncset.done $0x0  }
0x5e: {  	[sflag:s31] =	ssyncadd.s32 $0xFFFFC000  }
0x5f: {  	_ =	swait.ge [sflag:s0], $0x80  }
0x60: {  	[sflag:s0] =	ssyncset.done $0x0  }
0x61: {  	s13 =	smov.u32 s12;
	[sflag:s0] =	ssyncadd.s32 $0xFFFFFF80  }
0x62: {  	[spmem:s2] =	stream.indirect.scatter.add.f32 [tilespmem:s30], [sflag:$0x4], $0x80, s28, s23, $0xb8;
	[tilespmem:$0x1BB00] =	vst v63  }
0x63: {  	s14 =	sadd.s32 s13, s18  }
0x64: {  	[tilespmem:s25], [sflag:$0x6] =	stream.linear.gather [hbm4b:s14+s4], $0x80, $0x38;
	[tilespmem:$0x1BB00] =	vst v63  }
0x65: {  	_ =	swait.ge [sflag:s3], $0x4000  }
0x66: {  	s14 =	rddreg [dreg:$0x4]  }
0x67: {  	[sflag:s3] =	ssyncset.done $0x0;
	s13 =	sadd.s32 s13, s14  }
0x68: {  	[sflag:s3] =	ssyncadd.s32 $0xFFFFC000;
	s14 =	sadd.s32 $0x400, s13  }
0x69: {  	[tilespmem:s22], [sflag:$0x7] =	stream.linear.gather [hbm4b:s14+s4], $0x80, $0x38;
	[tilespmem:$0x1BB00] =	vst v63  }
0x6a: {  	_ =	swait.ge [sflag:s6], $0x80  }
0x6b: {  	[sflag:s6] =	ssyncset.done $0x0  }
0x6c: {  	[sflag:s6] =	ssyncadd.s32 $0xFFFFFF80  }
0x6d: {  	[tilespmem:s24], [sflag:$0x1] =	stream.indirect.gather [hbm4b:s1+s23], $0x80, s21, s23, $0xb8;
	[tilespmem:$0x1BB00] =	vst v63  }
0x6e: {  	_ =	swait.ge [sflag:s26], $0x4000  }
0x6f: {  	[sflag:s26] =	ssyncset.done $0x0  }
0x70: {  	s17 =	sadd.s32 $0x40, s17;
	[sflag:s26] =	ssyncadd.s32 $0xFFFFC000  }
0x71: {  	p2 =	slt.s32 s17, $0x1387;
	s14 =	smov.u32 s17;
	_ =	swait.ge [sflag:s9], $0x80  }
0x72: {  	s14 =	simm.s32 @!p2 $0x1387;
	[sflag:s9] =	ssyncset.done $0x0  }
0x73: {  	s14 =	sshll.u32 s14, $0x4;
	[sflag:s9] =	ssyncadd.s32 $0xFFFFFF80  }
0x74: {  	[spmem:s2] =	stream.indirect.scatter.add.f32 [tilespmem:s24], [sflag:$0x3], $0x80, s22, s23, $0xb8;
	[tilespmem:$0x1BB00] =	vst v63  }
0x75: {  	s14 =	sadd.s32 s5, s14  }
0x76: {  	[tilespmem:s21], [sflag:$0x5] =	stream.linear.gather [hbm4b:s14+s4], $0x80, $0x38;
	[tilespmem:$0x1BB00] =	vst v63  }
0x77: {  	p1 =	sne.s32 s12, $0x13000;
	_ =	swait.ge [sflag:s10], $0x4000  }
.Ltmp0:
0x78: {  	[sflag:s10] =	ssyncset.done $0x0;
	(pc) =	sbr.rel @p1 .LBB2_2-.Ltmp0, $4  }
0x79: {  	s13 =	sadd.s32 $0x600, s13;
	[sflag:s10] =	ssyncadd.s32 $0xFFFFC000  }
0x7a: {  	[tilespmem:s28], [sflag:$0x8] =	stream.linear.gather [hbm4b:s13+s4], $0x80, $0x38;
	[tilespmem:$0x1BB00] =	vst v63  }
0x7b: {  	_ =	swait.ge [sflag:s29], $0x80  }
0x7c: {  	s12 =	sadd.s32 $0x400, s12;
	[sflag:s29] =	ssyncset.done $0x0  }
0x7d: {  	[sflag:s29] =	ssyncadd.s32 $0xFFFFFF80  }
0x7e: {  	[tilespmem:s30], [sflag:$0x2] =	stream.indirect.gather [hbm4b:s1+s23], $0x80, s25, s23, $0xb8;
	[tilespmem:$0x1BB00] =	vst v63  }
0x7f: {  	_ =	swait.ge [sflag:s31], $0x4000  }
0x80: {  	[sflag:s31] =	ssyncset.done $0x0  }
0x81: {  	[sflag:s31] =	ssyncadd.s32 $0xFFFFC000  }
0x82: {  	_ =	swait.ge [sflag:s0], $0x80  }
0x83: {  	[sflag:s0] =	ssyncset.done $0x0  }
0x84: {  	[sflag:s0] =	ssyncadd.s32 $0xFFFFFF80  }
0x85: {  	[spmem:s2] =	stream.indirect.scatter.add.f32 [tilespmem:s30], [sflag:$0x4], $0x80, s28, s23, $0xb8;
	[tilespmem:$0x1BB00] =	vst v63  }
0x86: {  	s12 =	rddreg [dreg:$0xb]  }
0x87: {  	[tilespmem:s25], [sflag:$0x6] =	stream.linear.gather [hbm4b:s12+s4], $0x80, $0x38;
	[tilespmem:$0x1BB00] =	vst v63  }
0x88: {  	_ =	swait.ge [sflag:s3], $0x4000  }
0x89: {  	[sflag:s3] =	ssyncset.done $0x0  }
0x8a: {  	s17 =	rddreg [dreg:$0xc];
	[sflag:s3] =	ssyncadd.s32 $0xFFFFC000  }
0x8b: {  	[tilespmem:s22], [sflag:$0x7] =	stream.linear.gather [hbm4b:s17+s4], $0x80, $0x38;
	[tilespmem:$0x1BB00] =	vst v63  }
0x8c: {  	_ =	swait.ge [sflag:s6], $0x80  }
0x8d: {  	[sflag:s6] =	ssyncset.done $0x0  }
0x8e: {  	[sflag:s6] =	ssyncadd.s32 $0xFFFFFF80  }
0x8f: {  	[tilespmem:s24], [sflag:$0x1] =	stream.indirect.gather [hbm4b:s1+s23], $0x80, s21, s23, $0xb8;
	[tilespmem:$0x1BB00] =	vst v63  }
0x90: {  	_ =	swait.ge [sflag:s26], $0x4000  }
0x91: {  	[sflag:s26] =	ssyncset.done $0x0  }
0x92: {  	[sflag:s26] =	ssyncadd.s32 $0xFFFFC000  }
0x93: {  	_ =	swait.ge [sflag:s9], $0x80  }
0x94: {  	[sflag:s9] =	ssyncset.done $0x0  }
0x95: {  	s12 =	simm.s32 @p0 $0x4;
	[sflag:s9] =	ssyncadd.s32 $0xFFFFFF80  }
0x96: {  	_ =	swait.ge @p0 [sflag:s12], $0x4000  }
0x97: {  	[sflag:s12] =	ssyncset.done @p0 $0x0  }
0x98: {  	[sflag:s12] =	ssyncadd.s32 @p0 $0xFFFFC000;
	s12 =	simm.s32 @p0 $0x6  }
0x99: {  	_ =	swait.ge @p0 [sflag:s12], $0x80  }
0x9a: {  	s13 =	simm.s32 @!p0 $0x13A00;
	[sflag:s12] =	ssyncset.done @p0 $0x0  }
0x9b: {  	s14 =	simm.s32 @!p0 $0x13B00;
	[sflag:s12] =	ssyncadd.s32 @p0 $0xFFFFFF80;
	s12 =	simm.s32 @!p0 $0x80  }
0x9c: {  	[spmem:s2] =	stream.indirect.scatter.add.f32 @!p0 [tilespmem:s14], [sflag:$0x3], $0x80, s13, s12, $0xb8;
	[tilespmem:$0x1BB00] =	vst v63  }
0x9d: {  	s12 =	simm.s32 @!p0 $0x4  }
0x9e: {  	_ =	swait.ge @!p0 [sflag:s12], $0x4000  }
0x9f: {  	[sflag:s12] =	ssyncset.done @!p0 $0x0  }
0xa0: {  	[sflag:s12] =	ssyncadd.s32 @!p0 $0xFFFFC000;
	s12 =	simm.s32 @!p0 $0x6  }
0xa1: {  	_ =	swait.ge @!p0 [sflag:s12], $0x80  }
0xa2: {  	[sflag:s12] =	ssyncset.done @!p0 $0x0  }
0xa3: {  	[sflag:s12] =	ssyncadd.s32 @!p0 $0xFFFFFF80;
	s12 =	simm.s32 @!p0 $0x3  }
0xa4: {  	_ =	swait.ge @!p0 [sflag:s12], $0x4000  }
0xa5: {  	s11 =	sadd.s32 $0x1, s11;
	[sflag:s12] =	ssyncset.done @!p0 $0x0  }
0xa6: {  	p1 =	sne.s32 s11, s16;
	[sflag:s12] =	ssyncadd.s32 @!p0 $0xFFFFC000  }
.Ltmp1:
0xa7: {  	[bflag:$0x0] =	sbarrier.arrive $0xFFFF;
	(pc) =	sbr.rel @p1 .LBB2_1-.Ltmp1, $4  }
0xa8: {  	[hbm:s15], [sflag:s7] =	dma.local [spmem:s19], $0x2720  }
0xa9: {  	_ =	swait.ge [sflag:s20], $0x2720  }
0xaa: {  	[sflag:s20] =	ssyncset.done $0x0  }
0xab: {  	[sflag:s20] =	ssyncadd.s32 $0xFFFFD8E0  }
0xac: {  	_ =	sfence.sel $0x180000  }
0xad: {  	[bflag:$0x0] =	sbarrier.arrive $0xFFFF  }
0xae: {  	_ =	strace $0x9000004D  }
0xaf: {  	s0 =	stileid.u32;
	[bflag:$0x2] =	sbarrier.arrive $0xFFFF  }
0xb0: {  	p0 =	sne.s32 s0, $0x0;
	s0 =	rddreg [dreg:$0x3]  }
0xb1: {  	s0 =	sadd.s32 @!p0 $0x100000, s0  }
0xb2: {  	[sflag:s0] =	ssyncadd.tile.s32 @!p0 $0x1;
	_ =	shalt  }
.Lfunc_end2:
_tile_overlayer_lowered:
.L_overlay_start_2:
0xb3: {  	(tag) =	ssettag $0x2  }
0xb4: {  	s0 =	rddreg [dreg:$0x0];
	s2 =	stileid.u32  }
0xb5: {  	s1 =	rddreg [dreg:$0x1];
	p0 =	sne.s32 s2, $0x0  }
0xb6: {  	s3 =	rddreg [dreg:$0x2];
	[bflag:$0x3] =	sbarrier.arrive $0xFFFF;
	s2 =	simm.s32 @!p0 $0x1C09  }
0xb7: {  	[timem:s3], [sflag:s2] =	dma.local @!p0 [hbm:s0], s1  }
0xb8: {  	s0 =	simm.s32 @!p0 $0x9  }
0xb9: {  	_ =	swait.ge @!p0 [sflag:s0], s1  }
0xba: {  	s1 =	ssub.s32 @!p0 $0x0, s1;
	[sflag:s0] =	ssyncset.done @!p0 $0x0  }
0xbb: {  	[sflag:s0] =	ssyncadd.s32 @!p0 s1  }
0xbc: {  	[bflag:$0x3] =	sbarrier.arrive $0xFFFF  }
0xbd: {  	_ =	shalt  }

// kernel: kernel.9.cloned.1.call-start
scs
__scs_entry_jumppad:
0x0: {  	(pc) =	sbr.rel $0x88, $3  }
0x1: {  	(tag) =	ssettag $0x0;
	lr =	simm.s32 $0x1  }
0x2: {  	[smem:$0x3F8D] =	sst lr;
	_ =	strace $0xD0000000  }
0x3: {  	_ = 	snop  }
0x4: {  	_ = 	snop  }
0x5: {  	_ = 	snop  }
0x6: {  	_ = 	snop  }
0x7: {  	_ = 	snop  }
__scs_overlays_trampoline_lowered:
0x8: {  	[smem:$0x3F9C] =	sst s0  }
0x9: {  	[smem:$0x3F9D] =	sst s1  }
0xa: {  	[smem:$0x3F9E] =	sst s2  }
0xb: {  	[smem:$0x3F9F] =	sst s3  }
0xc: {  	[smem:$0x3FA0] =	sst s4  }
0xd: {  	[smem:$0x3FA1] =	sst s5  }
0xe: {  	[smem:$0x3FA2] =	sst s6  }
0xf: {  	[smem:$0x3FA3] =	sst s7  }
0x10: {  	[smem:$0x3FA4] =	sst s8  }
0x11: {  	[smem:$0x3FA5] =	sst s9;
	s0 =	simm.s32 @!p0 $0x0  }
0x12: {  	s1 =	sld [smem:$0x3F8B];
	s0 =	simm.s32 @p0 $0x1  }
0x13: {  	[smem:$0x3FA6] =	sst s0;
	s0 =	simm.s32 @!p1 $0x0  }
0x14: {  	s2 =	sld [smem:$0x3F8A];
	s0 =	simm.s32 @p1 $0x1  }
0x15: {  	[smem:$0x3FA7] =	sst s0;
	s0 =	simm.s32 @!p2 $0x0  }
0x16: {  	s3 =	sld [smem:$0x3FDB];
	s0 =	simm.s32 @p2 $0x1  }
0x17: {  	s4 =	simm.s32 $0x1BF5;
	[smem:$0x3FA9] =	sst s0  }
0x18: {  	s0 =	sld [smem:$0x3F8C];
	_ =	swait.ge [sflag:s4], $0x0  }
0x19: {  	s7 =	sld [smem:$0x3F8D]  }
0x1a: {  	s8 =	sadd.s32 $0xFFFFE003, lr  }
0x1b: {  	s9 =	sadd.s32 $0xFFFFFEF7, lr;
	s5 =	simm.s32 $0xFFFFFFFF;
	p2 =	slt.u32 s8, $0xFFFFF086  }
0x1c: {  	p1 =	slt.u32 s9, $0xF7A;
	s5 =	simm.s32 @!p2 $0x0  }
0x1d: {  	s5 =	simm.s32 @p1 $0x1;
	p0 =	seq.s32 s7, s2  }
0x1e: {  	s7 =	smul.u32 @!p0 $0xF7A, s2;
	p2 =	seq.s32 @!p0 s5, $0x0  }
0x1f: {  	s9 =	smul.u32 $0xF7A, s1;
	s8 =	simm.s32 @!p0 $0x1BF5;
	p2 =	por !p2, p0  }
0x20: {  	[sflag:s8] =	ssyncset.s32 @!p0 $0xFFFFF086;
	s6 =	sadd.s32 @!p0 s3, s7;
	s7 =	simm.s32 @!p0 $0x108  }
0x21: {  	s3 =	sadd.s32 s3, s9;
	s6 =	sadd.s32 @!p0 $0x88, s6;
	s7 =	simm.s32 @p2 $0x1082  }
0x22: {  	[simem:s7], [sflag:s8] =	dma.local @!p0 [hbm:s6], $0xF7A  }
0x23: {  	s9 =	sor.u32 $0xD0000000, s2;
	s6 =	simm.s32 $0x108;
	_ =	swait.ge @!p0 [sflag:s8], $0x0  }
0x24: {  	s3 =	sadd.s32 $0x88, s3;
	s6 =	simm.s32 @!p1 $0x1082;
	[sflag:s4] =	ssyncset.s32 $0xFFFFF086  }
0x25: {  	[simem:s6], [sflag:s4] =	dma.local [hbm:s3], $0xF7A  }
0x26: {  	[smem:$0x3F8D] =	sst s1;
	(tag) =	ssettag s2;
	_ =	strace s9  }
0x27: {  	s1 =	sld [smem:$0x3F9D]  }
0x28: {  	s2 =	sld [smem:$0x3F9E]  }
0x29: {  	s4 =	sld [smem:$0x3FA0]  }
0x2a: {  	p0 =	seq.s32 s5, $0x0;
	s5 =	sld [smem:$0x3FA1]  }
0x2b: {  	s6 =	sld [smem:$0x3FA2]  }
0x2c: {  	s7 =	sld [smem:$0x3FA3]  }
0x2d: {  	s3 =	simm.s32 $0x108;
	s8 =	sld [smem:$0x3FA4]  }
0x2e: {  	s3 =	simm.s32 @!p0 $0x1082;
	s9 =	sld [smem:$0x3FA5]  }
0x2f: {  	lr =	sadd.s32 s0, s3;
	s0 =	sld [smem:$0x3F9C]  }
0x30: {  	s3 =	sld [smem:$0x3F9F]  }
0x31: {  	[smem:$0x3FA8] =	sst s10  }
0x32: {  	s10 =	sld [smem:$0x3FA6];
	_ =	sdelay $0x3  }
0x33: {  	p0 =	seq.s32 s10, $0x1;
	s10 =	sld [smem:$0x3FA8];
	_ =	sdelay $0x3  }
0x34: {  	[smem:$0x3FA8] =	sst s10  }
0x35: {  	s10 =	sld [smem:$0x3FA7];
	_ =	sdelay $0x3  }
0x36: {  	p1 =	seq.s32 s10, $0x1;
	s10 =	sld [smem:$0x3FA8];
	_ =	sdelay $0x3  }
0x37: {  	[smem:$0x3FA8] =	sst s10  }
0x38: {  	s10 =	sld [smem:$0x3FA9]  }
0x39: {  	_ = 	snop;
	(pc) =	sbr.ind lr, $3  }
0x3a: {  	_ = 	snop  }
0x3b: {  	_ = 	snop  }
0x3c: {  	p2 =	seq.s32 s10, $0x1;
	s10 =	sld [smem:$0x3FA8]  }
0x3d: {  	_ =	shalt  }
0x3e: {  	_ =	shalt  }
0x3f: {  	_ =	shalt  }
0x40: {  	_ =	shalt  }
0x41: {  	_ =	shalt  }
0x42: {  	_ =	shalt  }
0x43: {  	_ =	shalt  }
0x44: {  	_ =	shalt  }
0x45: {  	_ =	shalt  }
0x46: {  	_ =	shalt  }
0x47: {  	_ =	shalt  }
0x48: {  	_ =	shalt  }
0x49: {  	_ =	shalt  }
0x4a: {  	_ =	shalt  }
0x4b: {  	_ =	shalt  }
0x4c: {  	_ =	shalt  }
0x4d: {  	_ =	shalt  }
0x4e: {  	_ =	shalt  }
0x4f: {  	_ =	shalt  }
0x50: {  	_ =	shalt  }
0x51: {  	_ =	shalt  }
0x52: {  	_ =	shalt  }
0x53: {  	_ =	shalt  }
0x54: {  	_ =	shalt  }
0x55: {  	_ =	shalt  }
0x56: {  	_ =	shalt  }
0x57: {  	_ =	shalt  }
0x58: {  	_ =	shalt  }
0x59: {  	_ =	shalt  }
0x5a: {  	_ =	shalt  }
0x5b: {  	_ =	shalt  }
0x5c: {  	_ =	shalt  }
0x5d: {  	_ =	shalt  }
0x5e: {  	_ =	shalt  }
0x5f: {  	_ =	shalt  }
0x60: {  	_ =	shalt  }
0x61: {  	_ =	shalt  }
0x62: {  	_ =	shalt  }
0x63: {  	_ =	shalt  }
0x64: {  	_ =	shalt  }
0x65: {  	_ =	shalt  }
0x66: {  	_ =	shalt  }
0x67: {  	_ =	shalt  }
0x68: {  	_ =	shalt  }
0x69: {  	_ =	shalt  }
0x6a: {  	_ =	shalt  }
0x6b: {  	_ =	shalt  }
0x6c: {  	_ =	shalt  }
0x6d: {  	_ =	shalt  }
0x6e: {  	_ =	shalt  }
0x6f: {  	_ =	shalt  }
0x70: {  	_ =	shalt  }
0x71: {  	_ =	shalt  }
0x72: {  	_ =	shalt  }
0x73: {  	_ =	shalt  }
0x74: {  	_ =	shalt  }
0x75: {  	_ =	shalt  }
0x76: {  	_ =	shalt  }
0x77: {  	_ =	shalt  }
0x78: {  	_ =	shalt  }
0x79: {  	_ =	shalt  }
0x7a: {  	_ =	shalt  }
0x7b: {  	_ =	shalt  }
0x7c: {  	_ =	shalt  }
0x7d: {  	_ =	shalt  }
0x7e: {  	_ =	shalt  }
0x7f: {  	_ =	shalt  }
0x80: {  	_ =	shalt  }
0x81: {  	_ =	shalt  }
0x82: {  	_ =	shalt  }
0x83: {  	_ =	shalt  }
0x84: {  	_ =	shalt  }
0x85: {  	_ =	shalt  }
0x86: {  	_ =	shalt  }
0x87: {  	_ =	shalt  }
.Lfunc_end0:
.L_simem_size_0:
called_computation_lowered:
.L_overlay_start_0:
0x88: {  	s2 =	sld [smem:$0x3FD9]  }
0x89: {  	s3 =	sld [smem:$0x3FFE];
	_ =	sdelay $0x1  }
0x8a: {  	s1 =	srdreg.scid  }
0x8b: {  	s0 =	sand.u32 $0x1, s1  }
0x8c: {  	s17 =	sshll.u32 s0, $0xA;
	s2 =	sadd.s32 s3, s2  }
0x8d: {  	s2 =	sadd.s32 s2, s17  }
0x8e: {  	[smem:$0x3FB4] =	sst s2  }
0x8f: {  	_ = 	snop  }
0x90: {  	s2 =	sld [smem:$0x3FD0];
	(tm) =	ssettm $0x1  }
0x91: {  	s18 =	sld [smem:$0x3FFB];
	_ =	sdelay $0x3  }
0x92: {  	_ =	strace s18  }
0x93: {  	s3 =	sld [smem:$0x3FFC];
	_ =	sdelay $0x3  }
0x94: {  	_ =	strace s3  }
0x95: {  	s3 =	sld [smem:$0x3FFD];
	_ =	sdelay $0x3  }
0x96: {  	_ =	strace s3  }
0x97: {  	_ =	strace $0x8FFFFFFF  }
0x98: {  	s19 =	sld [smem:$0x3FDB];
	_ =	sdelay $0x1  }
0x99: {  	s4 =	simm.s32 $_scs_section_size  }
0x9a: {  	s5 =	simm.s32 $_size__tile_overlayer_lowered;
	s6 =	simm.s32 $_tile_overlayer_lowered  }
0x9b: {  	s22 =	simm.s32 $0x1BFF;
	s21 =	sshll.u32 s6, $0x1;
	s3 =	sadd.s32 s4, s19  }
0x9c: {  	s7 =	simm.s32 $0x0;
	s20 =	sshll.u32 s5, $0x1;
	s5 =	sadd.s32 s21, s3  }
0x9d: {  	[timem:s7], [sflag:s22] =	dma.local [hbm:s5], s20  }
0x9e: {  	_ =	swait.ge [sflag:s22], s20  }
0x9f: {  	s4 =	ssub.s32 $0x0, s20;
	[sflag:s22] =	ssyncset.done $0x0  }
0xa0: {  	[sflag:s22] =	ssyncadd.s32 s4;
	_ =	sdelay $0x1  }
0xa1: {  	s23 =	simm.s32 $0x1B8B  }
0xa2: {  	_ =	swait.ge [sflag:s23], $0x1  }
0xa3: {  	[sflag:s23] =	ssyncset.done $0x0  }
0xa4: {  	s25 =	simm.s32 $0x1B8E;
	s24 =	sld [smem:$0x3FFE];
	[sflag:s23] =	ssyncadd.s32 $0xFFFFFFFF  }
0xa5: {  	s26 =	simm.s32 $execute0_lowered;
	[smem:$0x3FD2] =	sst s25  }
0xa6: {  	s5 =	sshll.u32 s26, $0x1;
	_ =	strace $0x80000046;
	[dreg:$0x1] =	wrdreg $0xFFFFFFFF  }
0xa7: {  	s28 =	simm.s32 $_size_execute0_lowered;
	s3 =	sadd.s32 s3, s5;
	[dreg:$0x0] =	wrdreg $0x0  }
0xa8: {  	s5 =	sshll.u32 s28, $0x1;
	[dreg:$0x2] =	wrdreg s3  }
0xa9: {  	[dreg:$0x3] =	wrdreg s5  }
0xaa: {  	[dreg:$0x4] =	wrdreg $0xC0  }
0xab: {  	_ =	task [dreg:s7], $0x5FFFF  }
0xac: {  	[dreg:$0x1] =	wrdreg $0xFFFFFFFF  }
0xad: {  	[dreg:$0x0] =	wrdreg $0x60  }
0xae: {  	[dreg:$0x2] =	wrdreg s2  }
0xaf: {  	[dreg:$0x3] =	wrdreg s24  }
0xb0: {  	[dreg:$0x4] =	wrdreg $0x0  }
0xb1: {  	[dreg:$0x5] =	wrdreg $0x1BB000  }
0xb2: {  	[dreg:$0x6] =	wrdreg $0x9  }
0xb3: {  	_ =	task.clear_ibuf [dreg:s7], $0x7FFFF;
	_ =	strace $0x90000046  }
0xb4: {  	s29 =	simm.s32 $0x9;
	_ =	strace $0x80000048  }
0xb5: {  	_ =	swait.ge [sflag:s29], $0x1  }
0xb6: {  	[sflag:s29] =	ssyncadd.s32 $0xFFFFFFFF  }
0xb7: {  	_ =	strace $0x90000048  }
0xb8: {  	_ =	sfence  }
0xb9: {  	s30 =	sld [smem:$0x0];
	_ =	sdelay $0x2  }
0xba: {  	s31 =	sshll.u32 s1, $0xD;
	s1 =	sshrl.u32 s1, $0x2  }
0xbb: {  	s3 =	sand.u32 $0x4000, s31;
	s1 =	sadd.s32 s1, s30  }
0xbc: {  	s0 =	sor.u32 s3, s0;
	s1 =	sshll.u32 s1, $0x11  }
0xbd: {  	s0 =	sor.u32 s1, s0  }
0xbe: {  	s0 =	sadd.s32 $0x8F2B, s0  }
0xbf: {  	[sflag:s0] =	ssyncadd.remote.s32 $0x1  }
0xc0: {  	_ =	sfence.sel $0xFFFF  }
0xc1: {  	[dreg:$0x0] =	wrdreg $0xFFFFFFFF;
	(pc) =	sbr.abs _section_cstart, $3  }
0xc2: {  	[dreg:$0x1] =	wrdreg $0xFFFFFFFF  }
0xc3: {  	_ =	task.clear_ibuf [dreg:s7], $0x2FFFF;
	_ =	strace $0x9FFFFFFF  }
0xc4: {  	(tm) =	ssettm $0x7FFFFFFF  }
0xc5: {  	_ =	shalt  }
tec
execute0_lowered:
.L_overlay_start_1:
0x0: {  	(tag) =	ssettag $0x1  }
0x1: {  	s1 =	rddreg [dreg:$0x0]  }
0x2: {  	s0 =	rddreg [dreg:$0x1]  }
0x3: {  	s2 =	rddreg [dreg:$0x2]  }
0x4: {  	s3 =	rddreg [dreg:$0x3]  }
0x5: {  	s4 =	srdreg.scid;
	s5 =	simm.s32 $0x0;
	s16 =	stileid.u32  }
0x6: {  	s28 =	simm.s32 $0x13A00;
	s29 =	simm.s32 $0x80;
	s30 =	simm.s32 $0x13B00  }
0x7: {  	s31 =	simm.s32 $0x13980;
	s4 =	sand.u32 $0x1, s4;
	[smem:$0x7FF] =	sst s5  }
0x8: {  	s8 =	sadd.s32 $0x4400, s0;
	s10 =	sadd.s32 $0x2C000, s0;
	s18 =	sadd.s32 $0x2BA00, s0  }
0x9: {  	s12 =	smul.u32 $0x4E400, s16;
	_ =	strace $0x80000047;
	[dreg:$0x7] =	wrdreg s10  }
0xa: {  	s11 =	sadd.s32 $0x2B800, s0;
	s14 =	smul.u32 $0x9C80, s16;
	[dreg:$0x8] =	wrdreg s18  }
0xb: {  	s22 =	sshll.u32 s16, $0x6;
	s6 =	sshll.u32 s4, $0x4;
	[dreg:$0x9] =	wrdreg s11  }
0xc: {  	s20 =	ssub.s32 $0x2, s4;
	s4 =	sshll.u32 s4, $0x8;
	s7 =	sor.u32 s16, s6  }
0xd: {  	s6 =	sadd.s32 $0x17E00, s0;
	s13 =	sshrl.u32 s20, $0x1;
	s9 =	smul.u32 $0x2720, s7  }
0xe: {  	s21 =	sshrl.u32 s12, $0x2;
	s23 =	sshrl.u32 s14, $0x2;
	s19 =	smul.u32 $0x4E4, s7  }
0xf: {  	s13 =	ssub.s32 s20, s13;
	s11 =	sadd.s32 s21, s2;
	s12 =	sadd.s32 s23, s3  }
0x10: {  	s24 =	sshll.u32 s7, $0x4;
	s15 =	smin.u32 s7, $0x7;
	[dreg:$0xa] =	wrdreg s11  }
0x11: {  	p0 =	sgt.u32 s7, $0x7;
	s11 =	sor.u32 $0x1C0B, s22;
	[dreg:$0xb] =	wrdreg s12  }
0x12: {  	s17 =	sadd.s32 s6, s24;
	s25 =	sor.u32 $0x200, s24;
	s12 =	sadd.s32 s8, s24  }
0x13: {  	s18 =	sshll.u32 s15, $0x4;
	s15 =	simm.s32 $0x5;
	s9 =	sadd.s32 s9, s0  }
0x14: {  	s10 =	sadd.s32 s19, s0;
	[dreg:$0xd] =	wrdreg s12;
	s26 =	sadd.s32 s6, s25  }
0x15: {  	s14 =	sadd.s32 s8, s25;
	s12 =	sadd.s32 s18, s8;
	s8 =	sadd.s32 s4, s8  }
0x16: {  	s19 =	sshll.u32 s16, $0x4;
	s4 =	sadd.s32 s4, s6;
	[dreg:$0xc] =	wrdreg s17  }
0x17: {  	s20 =	sadd.s32 $0x400, s17;
	s0 =	sadd.s32 $0x2B670, s0;
	s25 =	smax.u32 s13, $0x1  }
0x18: {  	s16 =	simm.s32 $0x7;
	s13 =	simm.s32 $0x4;
	[dreg:$0xe] =	wrdreg s26  }
0x19: {  	s17 =	simm.s32 $0xA;
	s18 =	simm.s32 $0x0;
	[dreg:$0xf] =	wrdreg s14  }
0x1a: {  	s8 =	sadd.s32 s19, s8;
	s4 =	sadd.s32 s19, s4;
	[dreg:$0x10] =	wrdreg s20  }
0x1b: {  	[dreg:$0x11] =	wrdreg s0;
	s21 =	sadd.s32 $0x13800, s12;
	s22 =	sadd.s32 $0x38600, s9  }
0x1c: {  	s23 =	sadd.s32 $0x2E800, s10;
	[dreg:$0x15] =	wrdreg s25;
	s26 =	sor.u32 $0x80, s7  }
0x1d: {  	s25 =	simm.s32 $0x1E220;
	s0 =	simm.s32 $0x1;
	[dreg:$0x12] =	wrdreg s21  }
0x1e: {  	s7 =	simm.s32 $0x6;
	s9 =	simm.s32 $0x2;
	[dreg:$0x13] =	wrdreg s22  }
0x1f: {  	s10 =	simm.s32 $0x8;
	s12 =	simm.s32 $0x3;
	[dreg:$0x14] =	wrdreg s23  }
0x20: {  	s14 =	simm.s32 $0x9;
	[dreg:$0x5] =	wrdreg s8;
	s24 =	sadd.s32 $0x600, s4  }
0x21: {  	[dreg:$0x16] =	wrdreg s26;
	s26 =	simm.s32 $0x13900;
	s4 =	simm.s32 $0x13A80  }
0x22: {  	s8 =	simm.s32 $0x17B00;
	[dreg:$0x6] =	wrdreg s24;
	s24 =	simm.s32 $0xB  }
.LBB2_1:
0x23: {  	s19 =	rddreg [dreg:$0xa]  }
0x24: {  	s21 =	rddreg [dreg:$0x7];
	s20 =	sshrl.u32 s19, $0x3  }
0x25: {  	[dreg:$0x17] =	wrdreg s20  }
0x26: {  	[spmem:s20], [sflag:s11] =	dma.local [hbm:s21], $0x2720  }
0x27: {  	_ =	swait.ge [sflag:s24], $0x2720  }
0x28: {  	[sflag:s24] =	ssyncset.done $0x0;
	s22 =	rddreg [dreg:$0xb]  }
0x29: {  	s23 =	rddreg [dreg:$0x8];
	[sflag:s24] =	ssyncadd.s32 $0xFFFFD8E0;
	s20 =	sshrl.u32 s22, $0x3  }
0x2a: {  	[spmem:s20], [sflag:s11] =	dma.local [hbm:s23], $0x4E4  }
0x2b: {  	_ =	swait.ge [sflag:s24], $0x4E4  }
0x2c: {  	[sflag:s24] =	ssyncset.done $0x0  }
0x2d: {  	s21 =	rddreg [dreg:$0x9];
	[sflag:s24] =	ssyncadd.s32 $0xFFFFFB1C  }
0x2e: {  	[tilespmem:s25], [sflag:$0xB] =	stream.linear.gather [hbm4b:s21+s5], $0x800, $0x38;
	[tilespmem:$0x1EA20] =	vst v63  }
0x2f: {  	_ =	swait.ge [sflag:s24], $0x800  }
0x30: {  	[sflag:s24] =	ssyncset.done $0x0  }
0x31: {  	[sflag:s24] =	ssyncadd.s32 $0xFFFFF800  }
0x32: {  	[bflag:$0x0] =	sbarrier.arrive $0xFFFF  }
0x33: {  	s22 =	rddreg [dreg:$0xc]  }
0x34: {  	[tilespmem:s26], [sflag:$0xB] =	stream.linear.gather [hbm4b:s22+s5], $0x80, $0x38;
	[tilespmem:$0x1EA20] =	vst v63  }
0x35: {  	_ =	swait.ge [sflag:s24], $0x80  }
0x36: {  	[sflag:s24] =	ssyncset.done $0x0  }
0x37: {  	s23 =	rddreg [dreg:$0xd];
	[sflag:s24] =	ssyncadd.s32 $0xFFFFFF80  }
0x38: {  	[tilespmem:s28], [sflag:$0xB] =	stream.linear.gather [hbm4b:s23+s5], $0x80, $0x38;
	[tilespmem:$0x1EA20] =	vst v63  }
0x39: {  	_ =	swait.ge [sflag:s24], $0x80  }
0x3a: {  	[sflag:s24] =	ssyncset.done $0x0  }
0x3b: {  	[sflag:s24] =	ssyncadd.s32 $0xFFFFFF80  }
0x3c: {  	[tilespmem:s30], [sflag:$0x1] =	stream.indirect.gather [hbm4b:s1+s29], $0x80, s26, s29, $0xb8;
	[tilespmem:$0x1EA20] =	vst v63  }
0x3d: {  	s21 =	rddreg [dreg:$0xe]  }
0x3e: {  	[tilespmem:s31], [sflag:$0x6] =	stream.linear.gather [hbm4b:s21+s5], $0x80, $0x38;
	[tilespmem:$0x1EA20] =	vst v63  }
0x3f: {  	_ =	swait.ge [sflag:s0], $0x4000  }
0x40: {  	[sflag:s0] =	ssyncset.done $0x0  }
0x41: {  	[sflag:s0] =	ssyncadd.s32 $0xFFFFC000  }
0x42: {  	[spmem:s2] =	stream.indirect.scatter.add.f32 [tilespmem:s30], [sflag:$0x3], $0x80, s28, s29, $0xb8;
	[tilespmem:$0x1EA20] =	vst v63  }
0x43: {  	_ = 	snop  }
0x44: {  	[spmem:s3] =	stream.indirect.scatter.add.f32 [tilespmem:s25], [sflag:$0x9], $0x10, s28, s29, $0xb8;
	[tilespmem:$0x1EA20] =	vst v63  }
0x45: {  	s22 =	rddreg [dreg:$0x10]  }
0x46: {  	[tilespmem:s26], [sflag:$0x5] =	stream.linear.gather [hbm4b:s22+s5], $0x80, $0x38;
	[tilespmem:$0x1EA20] =	vst v63  }
0x47: {  	s23 =	rddreg [dreg:$0xf]  }
0x48: {  	[tilespmem:s4], [sflag:$0x8] =	stream.linear.gather [hbm4b:s23+s5], $0x80, $0x38;
	[tilespmem:$0x1EA20] =	vst v63  }
0x49: {  	_ =	swait.ge [sflag:s7], $0x80  }
0x4a: {  	[sflag:s7] =	ssyncset.done $0x0  }
0x4b: {  	[sflag:s7] =	ssyncadd.s32 $0xFFFFFF80  }
0x4c: {  	[tilespmem:s8], [sflag:$0x2] =	stream.indirect.gather [hbm4b:s1+s29], $0x80, s31, s29, $0xb8;
	[tilespmem:$0x1EA20] =	vst v63  }
0x4d: {  	_ =	swait.ge [sflag:s9], $0x4000  }
0x4e: {  	[sflag:s9] =	ssyncset.done $0x0  }
0x4f: {  	[sflag:s9] =	ssyncadd.s32 $0xFFFFC000  }
0x50: {  	_ =	swait.ge [sflag:s10], $0x80  }
0x51: {  	[sflag:s10] =	ssyncset.done $0x0  }
0x52: {  	[sflag:s10] =	ssyncadd.s32 $0xFFFFFF80  }
0x53: {  	[spmem:s2] =	stream.indirect.scatter.add.f32 [tilespmem:s8], [sflag:$0x4], $0x80, s4, s29, $0xb8;
	[tilespmem:$0x1EA20] =	vst v63  }
0x54: {  	s21 =	rddreg [dreg:$0x6]  }
0x55: {  	[spmem:s3] =	stream.indirect.scatter.add.f32 [tilespmem:s25], [sflag:$0xA], $0x10, s4, s29, $0xb8;
	[tilespmem:$0x1EA20] =	vst v63  }
0x56: {  	s21 =	sadd.s32 $0x0, s21  }
0x57: {  	[tilespmem:s31], [sflag:$0x6] =	stream.linear.gather [hbm4b:s21+s5], $0x80, $0x38;
	[tilespmem:$0x1EA20] =	vst v63  }
0x58: {  	_ =	swait.ge [sflag:s12], $0x4000  }
0x59: {  	[sflag:s12] =	ssyncset.done $0x0  }
0x5a: {  	[sflag:s12] =	ssyncadd.s32 $0xFFFFC000  }
0x5b: {  	_ =	swait.ge [sflag:s14], $0x800  }
0x5c: {  	s19 =	rddreg [dreg:$0x5]  }
0x5d: {  	[sflag:s14] =	ssyncset.done $0x0;
	s21 =	sadd.s32 $0x0, s19  }
0x5e: {  	[sflag:s14] =	ssyncadd.s32 $0xFFFFF800;
	s23 =	sadd.s32 $0x400, s21  }
0x5f: {  	[tilespmem:s28], [sflag:$0x7] =	stream.linear.gather [hbm4b:s23+s5], $0x80, $0x38;
	[tilespmem:$0x1EA20] =	vst v63  }
0x60: {  	_ =	swait.ge [sflag:s15], $0x80  }
0x61: {  	[sflag:s15] =	ssyncset.done $0x0  }
0x62: {  	[sflag:s15] =	ssyncadd.s32 $0xFFFFFF80  }
0x63: {  	[tilespmem:s30], [sflag:$0x1] =	stream.indirect.gather [hbm4b:s1+s29], $0x80, s26, s29, $0xb8;
	[tilespmem:$0x1EA20] =	vst v63  }
0x64: {  	_ =	swait.ge [sflag:s0], $0x4000  }
0x65: {  	[sflag:s0] =	ssyncset.done $0x0  }
0x66: {  	[sflag:s0] =	ssyncadd.s32 $0xFFFFC000  }
0x67: {  	_ =	swait.ge [sflag:s16], $0x80  }
0x68: {  	s22 =	rddreg [dreg:$0x16]  }
0x69: {  	[sflag:s16] =	ssyncset.done $0x0;
	p1 =	slt.s32 s22, $0x1387;
	s23 =	smov.u32 s22  }
0x6a: {  	[sflag:s16] =	ssyncadd.s32 $0xFFFFFF80;
	s23 =	simm.s32 @!p1 $0x1387  }
0x6b: {  	[spmem:s2] =	stream.indirect.scatter.add.f32 [tilespmem:s30], [sflag:$0x3], $0x80, s28, s29, $0xb8;
	[tilespmem:$0x1EA20] =	vst v63  }
0x6c: {  	s23 =	sshll.u32 s23, $0x4  }
0x6d: {  	[spmem:s3] =	stream.indirect.scatter.add.f32 [tilespmem:s25], [sflag:$0x9], $0x10, s28, s29, $0xb8;
	[tilespmem:$0x1EA20] =	vst v63  }
0x6e: {  	s23 =	sadd.s32 s6, s23  }
0x6f: {  	[tilespmem:s26], [sflag:$0x5] =	stream.linear.gather [hbm4b:s23+s5], $0x80, $0x38;
	[tilespmem:$0x1EA20] =	vst v63  }
0x70: {  	_ =	swait.ge [sflag:s13], $0x4000  }
0x71: {  	[sflag:s13] =	ssyncset.done $0x0  }
0x72: {  	[sflag:s13] =	ssyncadd.s32 $0xFFFFC000  }
0x73: {  	_ =	swait.ge [sflag:s17], $0x800  }
0x74: {  	[sflag:s17] =	ssyncset.done $0x0  }
0x75: {  	s21 =	sadd.s32 $0x600, s21;
	[sflag:s17] =	ssyncadd.s32 $0xFFFFF800  }
0x76: {  	[tilespmem:s4], [sflag:$0x8] =	stream.linear.gather [hbm4b:s21+s5], $0x80, $0x38;
	[tilespmem:$0x1EA20] =	vst v63  }
0x77: {  	_ =	swait.ge [sflag:s7], $0x80  }
0x78: {  	s23 =	smov.u32 s22;
	s21 =	simm.s32 $0x400;
	[sflag:s7] =	ssyncset.done $0x0  }
.LBB2_2:
0x79: {  	[sflag:s7] =	ssyncadd.s32 $0xFFFFFF80  }
0x7a: {  	[tilespmem:s8], [sflag:$0x2] =	stream.indirect.gather [hbm4b:s1+s29], $0x80, s31, s29, $0xb8;
	[tilespmem:$0x1EA20] =	vst v63  }
0x7b: {  	_ =	swait.ge [sflag:s9], $0x4000  }
0x7c: {  	[sflag:s9] =	ssyncset.done $0x0  }
0x7d: {  	[sflag:s9] =	ssyncadd.s32 $0xFFFFC000  }
0x7e: {  	_ =	swait.ge [sflag:s10], $0x80  }
0x7f: {  	[sflag:s10] =	ssyncset.done $0x0  }
0x80: {  	[sflag:s10] =	ssyncadd.s32 $0xFFFFFF80  }
0x81: {  	[spmem:s2] =	stream.indirect.scatter.add.f32 [tilespmem:s8], [sflag:$0x4], $0x80, s4, s29, $0xb8;
	[tilespmem:$0x1EA20] =	vst v63  }
0x82: {  	s22 =	smov.u32 s21;
	s19 =	rddreg [dreg:$0x6]  }
0x83: {  	[spmem:s3] =	stream.indirect.scatter.add.f32 [tilespmem:s25], [sflag:$0xA], $0x10, s4, s29, $0xb8;
	[tilespmem:$0x1EA20] =	vst v63  }
0x84: {  	s19 =	sadd.s32 s22, s19  }
0x85: {  	[tilespmem:s31], [sflag:$0x6] =	stream.linear.gather [hbm4b:s19+s5], $0x80, $0x38;
	[tilespmem:$0x1EA20] =	vst v63  }
0x86: {  	_ =	swait.ge [sflag:s12], $0x4000  }
0x87: {  	[sflag:s12] =	ssyncset.done $0x0  }
0x88: {  	[sflag:s12] =	ssyncadd.s32 $0xFFFFC000  }
0x89: {  	_ =	swait.ge [sflag:s14], $0x800  }
0x8a: {  	s19 =	rddreg [dreg:$0x5]  }
0x8b: {  	[sflag:s14] =	ssyncset.done $0x0;
	s19 =	sadd.s32 s22, s19  }
0x8c: {  	[sflag:s14] =	ssyncadd.s32 $0xFFFFF800;
	s22 =	sadd.s32 $0x400, s19  }
0x8d: {  	[tilespmem:s28], [sflag:$0x7] =	stream.linear.gather [hbm4b:s22+s5], $0x80, $0x38;
	[tilespmem:$0x1EA20] =	vst v63  }
0x8e: {  	_ =	swait.ge [sflag:s15], $0x80  }
0x8f: {  	[sflag:s15] =	ssyncset.done $0x0  }
0x90: {  	[sflag:s15] =	ssyncadd.s32 $0xFFFFFF80  }
0x91: {  	[tilespmem:s30], [sflag:$0x1] =	stream.indirect.gather [hbm4b:s1+s29], $0x80, s26, s29, $0xb8;
	[tilespmem:$0x1EA20] =	vst v63  }
0x92: {  	_ =	swait.ge [sflag:s0], $0x4000  }
0x93: {  	[sflag:s0] =	ssyncset.done $0x0  }
0x94: {  	[sflag:s0] =	ssyncadd.s32 $0xFFFFC000  }
0x95: {  	s23 =	sadd.s32 $0x40, s23;
	_ =	swait.ge [sflag:s16], $0x80  }
0x96: {  	p2 =	slt.s32 s23, $0x1387;
	s22 =	smov.u32 s23;
	[sflag:s16] =	ssyncset.done $0x0  }
0x97: {  	s22 =	simm.s32 @!p2 $0x1387;
	[sflag:s16] =	ssyncadd.s32 $0xFFFFFF80  }
0x98: {  	[spmem:s2] =	stream.indirect.scatter.add.f32 [tilespmem:s30], [sflag:$0x3], $0x80, s28, s29, $0xb8;
	[tilespmem:$0x1EA20] =	vst v63  }
0x99: {  	s22 =	sshll.u32 s22, $0x4  }
0x9a: {  	[spmem:s3] =	stream.indirect.scatter.add.f32 [tilespmem:s25], [sflag:$0x9], $0x10, s28, s29, $0xb8;
	[tilespmem:$0x1EA20] =	vst v63  }
0x9b: {  	s22 =	sadd.s32 s6, s22  }
0x9c: {  	[tilespmem:s26], [sflag:$0x5] =	stream.linear.gather [hbm4b:s22+s5], $0x80, $0x38;
	[tilespmem:$0x1EA20] =	vst v63  }
0x9d: {  	_ =	swait.ge [sflag:s13], $0x4000  }
0x9e: {  	[sflag:s13] =	ssyncset.done $0x0  }
0x9f: {  	[sflag:s13] =	ssyncadd.s32 $0xFFFFC000  }
0xa0: {  	p1 =	sne.s32 s21, $0x13000;
	_ =	swait.ge [sflag:s17], $0x800  }
.Ltmp0:
0xa1: {  	[sflag:s17] =	ssyncset.done $0x0;
	(pc) =	sbr.rel @p1 .LBB2_2-.Ltmp0, $4  }
0xa2: {  	s19 =	sadd.s32 $0x600, s19;
	[sflag:s17] =	ssyncadd.s32 $0xFFFFF800  }
0xa3: {  	[tilespmem:s4], [sflag:$0x8] =	stream.linear.gather [hbm4b:s19+s5], $0x80, $0x38;
	[tilespmem:$0x1EA20] =	vst v63  }
0xa4: {  	_ =	swait.ge [sflag:s7], $0x80  }
0xa5: {  	s21 =	sadd.s32 $0x400, s21;
	[sflag:s7] =	ssyncset.done $0x0  }
0xa6: {  	[sflag:s7] =	ssyncadd.s32 $0xFFFFFF80  }
0xa7: {  	[tilespmem:s8], [sflag:$0x2] =	stream.indirect.gather [hbm4b:s1+s29], $0x80, s31, s29, $0xb8;
	[tilespmem:$0x1EA20] =	vst v63  }
0xa8: {  	_ =	swait.ge [sflag:s9], $0x4000  }
0xa9: {  	[sflag:s9] =	ssyncset.done $0x0  }
0xaa: {  	[sflag:s9] =	ssyncadd.s32 $0xFFFFC000  }
0xab: {  	_ =	swait.ge [sflag:s10], $0x80  }
0xac: {  	[sflag:s10] =	ssyncset.done $0x0  }
0xad: {  	[sflag:s10] =	ssyncadd.s32 $0xFFFFFF80  }
0xae: {  	[spmem:s2] =	stream.indirect.scatter.add.f32 [tilespmem:s8], [sflag:$0x4], $0x80, s4, s29, $0xb8;
	[tilespmem:$0x1EA20] =	vst v63  }
0xaf: {  	_ = 	snop  }
0xb0: {  	[spmem:s3] =	stream.indirect.scatter.add.f32 [tilespmem:s25], [sflag:$0xA], $0x10, s4, s29, $0xb8;
	[tilespmem:$0x1EA20] =	vst v63  }
0xb1: {  	s19 =	rddreg [dreg:$0x11]  }
0xb2: {  	[tilespmem:s31], [sflag:$0x6] =	stream.linear.gather [hbm4b:s19+s5], $0x80, $0x38;
	[tilespmem:$0x1EA20] =	vst v63  }
0xb3: {  	_ =	swait.ge [sflag:s12], $0x4000  }
0xb4: {  	[sflag:s12] =	ssyncset.done $0x0  }
0xb5: {  	[sflag:s12] =	ssyncadd.s32 $0xFFFFC000  }
0xb6: {  	_ =	swait.ge [sflag:s14], $0x800  }
0xb7: {  	[sflag:s14] =	ssyncset.done $0x0  }
0xb8: {  	s21 =	rddreg [dreg:$0x12];
	[sflag:s14] =	ssyncadd.s32 $0xFFFFF800  }
0xb9: {  	[tilespmem:s28], [sflag:$0x7] =	stream.linear.gather [hbm4b:s21+s5], $0x80, $0x38;
	[tilespmem:$0x1EA20] =	vst v63  }
0xba: {  	_ =	swait.ge [sflag:s15], $0x80  }
0xbb: {  	[sflag:s15] =	ssyncset.done $0x0  }
0xbc: {  	[sflag:s15] =	ssyncadd.s32 $0xFFFFFF80  }
0xbd: {  	[tilespmem:s30], [sflag:$0x1] =	stream.indirect.gather [hbm4b:s1+s29], $0x80, s26, s29, $0xb8;
	[tilespmem:$0x1EA20] =	vst v63  }
0xbe: {  	_ =	swait.ge [sflag:s0], $0x4000  }
0xbf: {  	[sflag:s0] =	ssyncset.done $0x0  }
0xc0: {  	[sflag:s0] =	ssyncadd.s32 $0xFFFFC000  }
0xc1: {  	_ =	swait.ge [sflag:s16], $0x80  }
0xc2: {  	[sflag:s16] =	ssyncset.done $0x0  }
0xc3: {  	s19 =	simm.s32 @p0 $0x4;
	[sflag:s16] =	ssyncadd.s32 $0xFFFFFF80  }
0xc4: {  	_ =	swait.ge @p0 [sflag:s19], $0x4000  }
0xc5: {  	[sflag:s19] =	ssyncset.done @p0 $0x0  }
0xc6: {  	[sflag:s19] =	ssyncadd.s32 @p0 $0xFFFFC000;
	s19 =	simm.s32 @p0 $0x6  }
0xc7: {  	_ =	swait.ge @p0 [sflag:s19], $0x80  }
0xc8: {  	s22 =	simm.s32 @!p0 $0x13B00;
	[sflag:s19] =	ssyncset.done @p0 $0x0  }
0xc9: {  	s21 =	simm.s32 @!p0 $0x13A00;
	[sflag:s19] =	ssyncadd.s32 @p0 $0xFFFFFF80;
	s19 =	simm.s32 @!p0 $0x80  }
0xca: {  	[spmem:s2] =	stream.indirect.scatter.add.f32 @!p0 [tilespmem:s22], [sflag:$0x3], $0x80, s21, s19, $0xb8;
	[tilespmem:$0x1EA20] =	vst v63  }
0xcb: {  	s22 =	simm.s32 @!p0 $0x1E220  }
0xcc: {  	[spmem:s3] =	stream.indirect.scatter.add.f32 @!p0 [tilespmem:s22], [sflag:$0x9], $0x10, s21, s19, $0xb8;
	[tilespmem:$0x1EA20] =	vst v63  }
0xcd: {  	s19 =	simm.s32 @!p0 $0x4  }
0xce: {  	_ =	swait.ge @!p0 [sflag:s19], $0x4000  }
0xcf: {  	[sflag:s19] =	ssyncset.done @!p0 $0x0  }
0xd0: {  	[sflag:s19] =	ssyncadd.s32 @!p0 $0xFFFFC000;
	s19 =	simm.s32 @!p0 $0x6  }
0xd1: {  	_ =	swait.ge @!p0 [sflag:s19], $0x80  }
0xd2: {  	[sflag:s19] =	ssyncset.done @!p0 $0x0  }
0xd3: {  	[sflag:s19] =	ssyncadd.s32 @!p0 $0xFFFFFF80;
	s19 =	simm.s32 @!p0 $0x3  }
0xd4: {  	_ =	swait.ge @!p0 [sflag:s19], $0x4000  }
0xd5: {  	[sflag:s19] =	ssyncset.done @!p0 $0x0  }
0xd6: {  	[sflag:s19] =	ssyncadd.s32 @!p0 $0xFFFFC000;
	s19 =	simm.s32 @!p0 $0xA  }
0xd7: {  	_ =	swait.ge @!p0 [sflag:s19], $0x800  }
0xd8: {  	s21 =	simm.s32 @!p0 $0x9;
	[sflag:s19] =	ssyncset.done @!p0 $0x0  }
0xd9: {  	s21 =	simm.s32 @p0 $0xA;
	[sflag:s19] =	ssyncadd.s32 @!p0 $0xFFFFF800  }
0xda: {  	_ =	swait.ge [sflag:s21], $0x800  }
0xdb: {  	[sflag:s21] =	ssyncset.done $0x0  }
0xdc: {  	[sflag:s21] =	ssyncadd.s32 $0xFFFFF800  }
0xdd: {  	[bflag:$0x0] =	sbarrier.arrive $0xFFFF  }
0xde: {  	s22 =	rddreg [dreg:$0x13]  }
0xdf: {  	s23 =	rddreg [dreg:$0x17]  }
0xe0: {  	[hbm:s22], [sflag:s11] =	dma.local [spmem:s23], $0x2720  }
0xe1: {  	_ =	swait.ge [sflag:s24], $0x2720  }
0xe2: {  	[sflag:s24] =	ssyncset.done $0x0  }
0xe3: {  	s22 =	rddreg [dreg:$0x14];
	[sflag:s24] =	ssyncadd.s32 $0xFFFFD8E0  }
0xe4: {  	[hbm:s22], [sflag:s11] =	dma.local [spmem:s20], $0x4E4  }
0xe5: {  	_ =	swait.ge [sflag:s24], $0x4E4  }
0xe6: {  	s18 =	sadd.s32 $0x1, s18;
	s23 =	rddreg [dreg:$0x15]  }
0xe7: {  	p1 =	sne.s32 s18, s23  }
.Ltmp1:
0xe8: {  	_ = 	snop;
	(pc) =	sbr.rel @p1 .LBB2_1-.Ltmp1, $3  }
0xe9: {  	_ =	sdelay $0x1  }
0xea: {  	[sflag:s24] =	ssyncset.done $0x0  }
0xeb: {  	[sflag:s24] =	ssyncadd.s32 $0xFFFFFB1C  }
0xec: {  	_ =	sfence.sel $0x180000  }
0xed: {  	[bflag:$0x0] =	sbarrier.arrive $0xFFFF  }
0xee: {  	_ =	strace $0x90000047  }
0xef: {  	s0 =	stileid.u32;
	[bflag:$0x2] =	sbarrier.arrive $0xFFFF  }
0xf0: {  	p0 =	sne.s32 s0, $0x0;
	s0 =	rddreg [dreg:$0x4]  }
0xf1: {  	s0 =	sadd.s32 @!p0 $0x100000, s0  }
0xf2: {  	[sflag:s0] =	ssyncadd.tile.s32 @!p0 $0x1;
	_ =	shalt  }
.Lfunc_end2:
_tile_overlayer_lowered:
.L_overlay_start_2:
0xf3: {  	(tag) =	ssettag $0x2  }
0xf4: {  	s0 =	rddreg [dreg:$0x0];
	s2 =	stileid.u32  }
0xf5: {  	s1 =	rddreg [dreg:$0x1];
	p0 =	sne.s32 s2, $0x0  }
0xf6: {  	s3 =	rddreg [dreg:$0x2];
	[bflag:$0x3] =	sbarrier.arrive $0xFFFF;
	s2 =	simm.s32 @!p0 $0x1C0B  }
0xf7: {  	[timem:s3], [sflag:s2] =	dma.local @!p0 [hbm:s0], s1  }
0xf8: {  	s0 =	simm.s32 @!p0 $0xB  }
0xf9: {  	_ =	swait.ge @!p0 [sflag:s0], s1  }
0xfa: {  	s1 =	ssub.s32 @!p0 $0x0, s1;
	[sflag:s0] =	ssyncset.done @!p0 $0x0  }
0xfb: {  	[sflag:s0] =	ssyncadd.s32 @!p0 s1  }
0xfc: {  	[bflag:$0x3] =	sbarrier.arrive $0xFFFF  }
0xfd: {  	_ =	shalt  }

</sc_bundles>
